<compile_context>
chip_gen: v7x
topology: tpu7x:2x2x1
jax: 0.10.2.dev20260603
libtpu: 0.0.44.dev20260713+nightly
codegen_flags: <defaults>
</compile_context>

<pallas_src>
import jax
import jax.numpy as jnp
from jax import lax
from jax.experimental import pallas as pl
from jax.experimental.pallas import tpu as pltpu
from jax.experimental.pallas import tpu_sc as plsc

VDJ_DIM = 64
VOCAB = 1000
VOCAB_PAD = 1024
BATCH = 16384
NUM_TABLES = 5
TAB_WORDS = VDJ_DIM * VOCAB_PAD
T_WORDS = NUM_TABLES * TAB_WORDS
HALF_D = 32
HALF_WORDS = HALF_D * VOCAB_PAD
N_HALF = NUM_TABLES * 2

_NC = 2
_NS = 16
_NW = _NC * _NS
_BPW = BATCH // _NW
_BC = _BPW // 128
_SLAB = _BC * 8 * 128
_L = 16


def _gather_body(xp_hbm, tab_hbm, o0, o1, o2, o3, o4,
                 spm, idx_v, th0, th1, sl0, sl1, st0, st1, sw0, sw1):
    outs = (o0, o1, o2, o3, o4)
    ths = (th0, th1)
    sts = (st0, st1)
    slabs = (sl0, sl1)
    sws = (sw0, sw1)
    cid = lax.axis_index("c")
    sid = lax.axis_index("s")
    wid = sid * _NC + cid

    fill = T_WORDS // _NS
    pltpu.sync_copy(tab_hbm.at[pl.ds(sid * fill, fill)],
                    spm.at[pl.ds(sid * fill, fill)])
    pltpu.sync_copy(xp_hbm.at[:, pl.ds(wid, 1)], idx_v)
    plsc.subcore_barrier()

    def load_half(h):
        return pltpu.async_copy(
            spm.at[pl.ds(h * HALF_WORDS, HALF_WORDS)],
            ths[h % 2], sts[h % 2])

    loads = [None] * N_HALF
    writes = [None, None]
    loads[0] = load_half(0)
    for h in range(N_HALF):
        t = h // 2
        if h + 1 < N_HALF:
            loads[h + 1] = load_half(h + 1)
        loads[h].wait()
        slab = slabs[h % 2]
        if writes[h % 2] is not None:
            for w in writes[h % 2]:
                w.wait()
        th = ths[h % 2]

        @plsc.parallel_loop(0, (_BPW // _L) * HALF_D, 1, unroll=8)
        def _gather_loop(i):
            j = i >> 5
            dl = i & (HALF_D - 1)
            xv = idx_v[t, 0, 0, pl.ds(j * _L, _L)]
            v = plsc.load_gather(th, [xv + dl * VOCAB_PAD])
            dyn = (j >> 3) * 1024 + (j & 7) * _L
            off = (dl >> 3) * _SLAB + (dl & 7) * 128
            slab[pl.ds(dyn + off, _L)] = v

        half_d0 = (h % 2) * HALF_D
        ws = []
        for g in range(HALF_D // 8):
            dhi = half_d0 // 8 + g
            off = (dhi * 128 + wid * _BC) * 1024
            ws.append(pltpu.async_copy(
                slab.at[pl.ds(g * _SLAB, _SLAB)],
                outs[t].at[pl.ds(off, _SLAB)], sws[h % 2]))
        writes[h % 2] = ws
    for w in writes[0]:
        w.wait()
    for w in writes[1]:
        w.wait()


@jax.jit
def _vdj_gather(x, w0, w1, w2, w3, w4):
    xp = x.astype(jnp.int32).T.reshape(NUM_TABLES, _NW, 1, _BPW)
    pad = lambda w: jnp.pad(w.T, ((0, 0), (0, VOCAB_PAD - VOCAB))).reshape(-1)
    tab = jnp.concatenate([pad(w) for w in (w0, w1, w2, w3, w4)])

    kern = pl.kernel(
        _gather_body,
        out_type=tuple(
            jax.ShapeDtypeStruct((BATCH * VDJ_DIM,), jnp.float32)
            for _ in range(NUM_TABLES)
        ),
        mesh=plsc.VectorSubcoreMesh(core_axis_name="c", subcore_axis_name="s"),
        scratch_types=[
            pltpu.VMEM_SHARED((T_WORDS,), jnp.float32),
            pltpu.VMEM((NUM_TABLES, 1, 1, _BPW), jnp.int32),
            pltpu.VMEM((HALF_WORDS,), jnp.float32),
            pltpu.VMEM((HALF_WORDS,), jnp.float32),
            pltpu.VMEM((HALF_D // 8 * _SLAB,), jnp.float32),
            pltpu.VMEM((HALF_D // 8 * _SLAB,), jnp.float32),
            pltpu.SemaphoreType.DMA,
            pltpu.SemaphoreType.DMA,
            pltpu.SemaphoreType.DMA,
            pltpu.SemaphoreType.DMA,
        ],
        compiler_params=pltpu.CompilerParams(needs_layout_passes=False),
    )
    outs = kern(xp, tab)
    return tuple(
        o.reshape(8, 128, 8, 128).transpose(1, 3, 0, 2).reshape(BATCH, VDJ_DIM)
        for o in outs
    )


def kernel(x, W_v_alpha, W_j_alpha, W_v_beta, W_d_beta, W_j_beta):
    return _vdj_gather(x, W_v_alpha, W_j_alpha, W_v_beta, W_d_beta, W_j_beta)

# --- scband reference (transcript-rebuilt; emitter-appended) ---
"""Pipeline reference for scband-vdjencoder-45226005627467 (READ-ONLY COPY).

The authoritative reference and input builder live on the scoring server;
editing this copy changes nothing except your own understanding.
"""

import jax, jax.numpy as jnp
import numpy as np

VDJ_DIM = 64
NUM_V_ALPHA = 1000
NUM_J_ALPHA = 1000
NUM_V_BETA = 1000
NUM_D_BETA = 1000
NUM_J_BETA = 1000
BATCH = 16384


def setup_inputs(seed: int = 0) -> dict:
    key = jax.random.key(seed)
    k_x, k_va, k_ja, k_vb, k_db, k_jb = jax.random.split(key, 6)
    x = jax.random.randint(k_x, (BATCH, 5), 0, NUM_V_ALPHA, dtype=jnp.int64 if jax.config.jax_enable_x64 else jnp.int32)
    # embedding tables (nn.Embedding default init: N(0, 1))
    W_v_alpha = jax.random.normal(k_va, (NUM_V_ALPHA, VDJ_DIM), dtype=jnp.float32)
    W_j_alpha = jax.random.normal(k_ja, (NUM_J_ALPHA, VDJ_DIM), dtype=jnp.float32)
    W_v_beta = jax.random.normal(k_vb, (NUM_V_BETA, VDJ_DIM), dtype=jnp.float32)
    W_d_beta = jax.random.normal(k_db, (NUM_D_BETA, VDJ_DIM), dtype=jnp.float32)
    W_j_beta = jax.random.normal(k_jb, (NUM_J_BETA, VDJ_DIM), dtype=jnp.float32)
    return {"x": x, "W_v_alpha": W_v_alpha, "W_j_alpha": W_j_alpha, "W_v_beta": W_v_beta, "W_d_beta": W_d_beta, "W_j_beta": W_j_beta}


def reference(x, W_v_alpha, W_j_alpha, W_v_beta, W_d_beta, W_j_beta):
    v_alpha = jnp.take(W_v_alpha, x[:, 0], axis=0)
    j_alpha = jnp.take(W_j_alpha, x[:, 1], axis=0)
    v_beta = jnp.take(W_v_beta, x[:, 2], axis=0)
    d_beta = jnp.take(W_d_beta, x[:, 3], axis=0)
    j_beta = jnp.take(W_j_beta, x[:, 4], axis=0)
    return (v_alpha, j_alpha, v_beta, d_beta, j_beta)

if __name__ == "__main__":
    import jax
    _d = setup_inputs()
    print(jax.jit(kernel)(*tuple(_d.values())))

</pallas_src>

<mosaic_0001>
#map = affine_map<(d0, d1) -> (0, 0, 0, 0)>
#map1 = affine_map<(d0, d1) -> (0)>
module attributes {stable_mosaic.version = 14 : i64} {
  func.func @_gather_body(%arg0: i32, %arg1: i32, %arg2: memref<5x32x1x512xi32, #tpu.memory_space<hbm>>, %arg3: memref<327680xf32, #tpu.memory_space<hbm>>, %arg4: memref<1048576xf32, #tpu.memory_space<hbm>>, %arg5: memref<1048576xf32, #tpu.memory_space<hbm>>, %arg6: memref<1048576xf32, #tpu.memory_space<hbm>>, %arg7: memref<1048576xf32, #tpu.memory_space<hbm>>, %arg8: memref<1048576xf32, #tpu.memory_space<hbm>>, %arg9: memref<327680xf32, #tpu.memory_space<vmem_shared>>, %arg10: memref<5x1x1x512xi32, #tpu.memory_space<vmem>>, %arg11: memref<32768xf32, #tpu.memory_space<vmem>>, %arg12: memref<32768xf32, #tpu.memory_space<vmem>>, %arg13: memref<16384xf32, #tpu.memory_space<vmem>>, %arg14: memref<16384xf32, #tpu.memory_space<vmem>>, %arg15: memref<!tpu.dma_semaphore, #tpu.memory_space<semaphore_mem>>, %arg16: memref<!tpu.dma_semaphore, #tpu.memory_space<semaphore_mem>>, %arg17: memref<!tpu.dma_semaphore, #tpu.memory_space<semaphore_mem>>, %arg18: memref<!tpu.dma_semaphore, #tpu.memory_space<semaphore_mem>>) attributes {dimension_semantics = [#tpu.dimension_semantics<core_parallel>, #tpu.dimension_semantics<subcore_parallel>], iteration_bounds = array<i64: 2, 16>, scalar_prefetch = 0 : i64, scratch_operands = 10 : i64, tpu.core_type = #tpu.core_type<sc_vector_subcore>, window_params = [{transform_indices = #map}, {transform_indices = #map1}, {transform_indices = #map1}, {transform_indices = #map1}, {transform_indices = #map1}, {transform_indices = #map1}, {transform_indices = #map1}]} {
    %mul3A = arith.constant 2 : i32
    %mul3A_0 = arith.muli %arg1, %mul3A : i32
    %add3A = arith.addi %mul3A_0, %arg0 : i32
    %mul3A_1 = arith.constant 20480 : i32
    %mul3A_2 = arith.muli %arg1, %mul3A_1 : i32
    %mul3A_3 = arith.constant 20480 : i32
    %mul3A_4 = arith.muli %arg1, %mul3A_3 : i32
    "tpu.region"() ({
      %run_scoped3A = tpu.sem_alloc : memref<!tpu.dma_semaphore, #tpu.memory_space<semaphore_mem>>
      %dma_start3A_832 = tpu.memref_slice %arg9[%mul3A_4] : memref<327680xf32, #tpu.memory_space<vmem_shared>> -> memref<20480xf32, #tpu.memory_space<vmem_shared>>
      %dma_start3A_833 = tpu.memref_slice %arg3[%mul3A_2] : memref<327680xf32, #tpu.memory_space<hbm>> -> memref<20480xf32, #tpu.memory_space<hbm>>
      tpu.enqueue_dma source(%dma_start3A_833 : memref<20480xf32, #tpu.memory_space<hbm>>) target(%dma_start3A_832 : memref<20480xf32, #tpu.memory_space<vmem_shared>>) target_semaphore(%run_scoped3A : memref<!tpu.dma_semaphore, #tpu.memory_space<semaphore_mem>>)
      %dma_wait3A_834 = tpu.memref_slice %arg9[%mul3A_4] : memref<327680xf32, #tpu.memory_space<vmem_shared>> -> memref<20480xf32, #tpu.memory_space<vmem_shared>>
      %dma_wait3A_835 = tpu.memref_slice %arg3[%mul3A_2] : memref<327680xf32, #tpu.memory_space<hbm>> -> memref<20480xf32, #tpu.memory_space<hbm>>
      tpu.wait_dma2 semaphore(%run_scoped3A : memref<!tpu.dma_semaphore, #tpu.memory_space<semaphore_mem>>) src(%dma_wait3A_835 : memref<20480xf32, #tpu.memory_space<hbm>>) dst(%dma_wait3A_834 : memref<20480xf32, #tpu.memory_space<vmem_shared>>)
      tpu.yield
    }) : () -> ()
    "tpu.region"() ({
      %run_scoped3A = tpu.sem_alloc : memref<!tpu.dma_semaphore, #tpu.memory_space<semaphore_mem>>
      %dma_start3A_832 = arith.constant 0 : i32
      %dma_start3A_833 = arith.constant 0 : i32
      %dma_start3A_834 = arith.constant 0 : i32
      %dma_start3A_835 = tpu.memref_slice %arg2[%dma_start3A_832, %add3A, %dma_start3A_833, %dma_start3A_834] : memref<5x32x1x512xi32, #tpu.memory_space<hbm>> -> memref<5x1x1x512xi32, #tpu.memory_space<hbm>>
      %dma_start3A_836 = arith.constant 0 : i32
      %dma_start3A_837 = arith.constant 0 : i32
      %dma_start3A_838 = arith.constant 0 : i32
      %dma_start3A_839 = tpu.memref_slice %arg2[%dma_start3A_836, %add3A, %dma_start3A_837, %dma_start3A_838] : memref<5x32x1x512xi32, #tpu.memory_space<hbm>> -> memref<5x1x1x512xi32, #tpu.memory_space<hbm>>
      tpu.enqueue_dma source(%dma_start3A_839 : memref<5x1x1x512xi32, #tpu.memory_space<hbm>>) target(%arg10 : memref<5x1x1x512xi32, #tpu.memory_space<vmem>>) target_semaphore(%run_scoped3A : memref<!tpu.dma_semaphore, #tpu.memory_space<semaphore_mem>>)
      %dma_wait3A_840 = arith.constant 0 : i32
      %dma_wait3A_841 = arith.constant 0 : i32
      %dma_wait3A_842 = arith.constant 0 : i32
      %dma_wait3A_843 = tpu.memref_slice %arg2[%dma_wait3A_840, %add3A, %dma_wait3A_841, %dma_wait3A_842] : memref<5x32x1x512xi32, #tpu.memory_space<hbm>> -> memref<5x1x1x512xi32, #tpu.memory_space<hbm>>
      %dma_wait3A_844 = arith.constant 0 : i32
      %dma_wait3A_845 = arith.constant 0 : i32
      %dma_wait3A_846 = arith.constant 0 : i32
      %dma_wait3A_847 = tpu.memref_slice %arg2[%dma_wait3A_844, %add3A, %dma_wait3A_845, %dma_wait3A_846] : memref<5x32x1x512xi32, #tpu.memory_space<hbm>> -> memref<5x1x1x512xi32, #tpu.memory_space<hbm>>
      tpu.wait_dma2 semaphore(%run_scoped3A : memref<!tpu.dma_semaphore, #tpu.memory_space<semaphore_mem>>) src(%dma_wait3A_847 : memref<5x1x1x512xi32, #tpu.memory_space<hbm>>) dst(%arg10 : memref<5x1x1x512xi32, #tpu.memory_space<vmem>>)
      tpu.yield
    }) : () -> ()
    %barrier3A = arith.constant 0 : index
    tpu.barrier barrier_id(%barrier3A)
    %dma_start3A = arith.constant 0 : i32
    %dma_start3A_5 = tpu.memref_slice %arg9[%dma_start3A] : memref<327680xf32, #tpu.memory_space<vmem_shared>> -> memref<32768xf32, #tpu.memory_space<vmem_shared>>
    %dma_start3A_6 = arith.constant 0 : i32
    %dma_start3A_7 = tpu.memref_slice %arg9[%dma_start3A_6] : memref<327680xf32, #tpu.memory_space<vmem_shared>> -> memref<32768xf32, #tpu.memory_space<vmem_shared>>
    tpu.enqueue_dma source(%dma_start3A_7 : memref<32768xf32, #tpu.memory_space<vmem_shared>>) target(%arg11 : memref<32768xf32, #tpu.memory_space<vmem>>) target_semaphore(%arg15 : memref<!tpu.dma_semaphore, #tpu.memory_space<semaphore_mem>>)
    %dma_start3A_8 = arith.constant 32768 : i32
    %dma_start3A_9 = tpu.memref_slice %arg9[%dma_start3A_8] : memref<327680xf32, #tpu.memory_space<vmem_shared>> -> memref<32768xf32, #tpu.memory_space<vmem_shared>>
    %dma_start3A_10 = arith.constant 32768 : i32
    %dma_start3A_11 = tpu.memref_slice %arg9[%dma_start3A_10] : memref<327680xf32, #tpu.memory_space<vmem_shared>> -> memref<32768xf32, #tpu.memory_space<vmem_shared>>
    tpu.enqueue_dma source(%dma_start3A_11 : memref<32768xf32, #tpu.memory_space<vmem_shared>>) target(%arg12 : memref<32768xf32, #tpu.memory_space<vmem>>) target_semaphore(%arg16 : memref<!tpu.dma_semaphore, #tpu.memory_space<semaphore_mem>>)
    %dma_wait3A = arith.constant 0 : i32
    %dma_wait3A_12 = tpu.memref_slice %arg9[%dma_wait3A] : memref<327680xf32, #tpu.memory_space<vmem_shared>> -> memref<32768xf32, #tpu.memory_space<vmem_shared>>
    %dma_wait3A_13 = arith.constant 0 : i32
    %dma_wait3A_14 = tpu.memref_slice %arg9[%dma_wait3A_13] : memref<327680xf32, #tpu.memory_space<vmem_shared>> -> memref<32768xf32, #tpu.memory_space<vmem_shared>>
    tpu.wait_dma2 semaphore(%arg15 : memref<!tpu.dma_semaphore, #tpu.memory_space<semaphore_mem>>) src(%dma_wait3A_14 : memref<32768xf32, #tpu.memory_space<vmem_shared>>) dst(%arg11 : memref<32768xf32, #tpu.memory_space<vmem>>)
    %parallel_loop3A = arith.constant 0 : i32
    %parallel_loop3A_15 = arith.constant 1024 : i32
    %parallel_loop3A_16 = arith.constant 1 : i32
    scf.for %parallel_loop3A_832 = %parallel_loop3A to %parallel_loop3A_15 step %parallel_loop3A_16  : i32 {
      %parallel_loop3A_833 = arith.constant 5 : i32
      %parallel_loop3A_834 = arith.shrsi %parallel_loop3A_832, %parallel_loop3A_833 : i32
      %parallel_loop3A_835 = arith.constant 31 : i32
      %parallel_loop3A_836 = arith.andi %parallel_loop3A_832, %parallel_loop3A_835 : i32
      %parallel_loop3A_837 = arith.constant 16 : i32
      %parallel_loop3A_838 = arith.muli %parallel_loop3A_834, %parallel_loop3A_837 : i32
      %parallel_loop3A_839 = arith.constant 0 : i32
      %parallel_loop3A_840 = arith.constant 0 : i32
      %parallel_loop3A_841 = arith.constant 0 : i32
      %parallel_loop3A_842 = arith.index_cast %parallel_loop3A_839 : i32 to index
      %parallel_loop3A_843 = arith.index_cast %parallel_loop3A_840 : i32 to index
      %parallel_loop3A_844 = arith.index_cast %parallel_loop3A_841 : i32 to index
      %parallel_loop3A_845 = arith.index_cast %parallel_loop3A_838 : i32 to index
      %parallel_loop3A_846 = tpu.vector_load %arg10[%parallel_loop3A_842, %parallel_loop3A_843, %parallel_loop3A_844, %parallel_loop3A_845] {strides = array<i32>} : memref<5x1x1x512xi32, #tpu.memory_space<vmem>>, vector<16xi32>,
      %parallel_loop3A_847 = arith.constant 1024 : i32
      %parallel_loop3A_848 = arith.muli %parallel_loop3A_836, %parallel_loop3A_847 : i32
      %parallel_loop3A_849 = vector.broadcast %parallel_loop3A_848 : i32 to vector<16xi32>
      %parallel_loop3A_850 = arith.addi %parallel_loop3A_846, %parallel_loop3A_849 : vector<16xi32>
      %parallel_loop3A_851 = tpu.vector_load_idx %arg11[%parallel_loop3A_850] : memref<32768xf32, #tpu.memory_space<vmem>>[vector<16xi32>], vector<16xf32>,
      %parallel_loop3A_852 = arith.constant 3 : i32
      %parallel_loop3A_853 = arith.shrsi %parallel_loop3A_834, %parallel_loop3A_852 : i32
      %parallel_loop3A_854 = arith.constant 1024 : i32
      %parallel_loop3A_855 = arith.muli %parallel_loop3A_853, %parallel_loop3A_854 : i32
      %parallel_loop3A_856 = arith.constant 7 : i32
      %parallel_loop3A_857 = arith.andi %parallel_loop3A_834, %parallel_loop3A_856 : i32
      %parallel_loop3A_858 = arith.constant 16 : i32
      %parallel_loop3A_859 = arith.muli %parallel_loop3A_857, %parallel_loop3A_858 : i32
      %parallel_loop3A_860 = arith.addi %parallel_loop3A_855, %parallel_loop3A_859 : i32
      %parallel_loop3A_861 = arith.constant 3 : i32
      %parallel_loop3A_862 = arith.shrsi %parallel_loop3A_836, %parallel_loop3A_861 : i32
      %parallel_loop3A_863 = arith.constant 4096 : i32
      %parallel_loop3A_864 = arith.muli %parallel_loop3A_862, %parallel_loop3A_863 : i32
      %parallel_loop3A_865 = arith.constant 7 : i32
      %parallel_loop3A_866 = arith.andi %parallel_loop3A_836, %parallel_loop3A_865 : i32
      %parallel_loop3A_867 = arith.constant 128 : i32
      %parallel_loop3A_868 = arith.muli %parallel_loop3A_866, %parallel_loop3A_867 : i32
      %parallel_loop3A_869 = arith.addi %parallel_loop3A_864, %parallel_loop3A_868 : i32
      %parallel_loop3A_870 = arith.addi %parallel_loop3A_860, %parallel_loop3A_869 : i32
      %parallel_loop3A_871 = arith.index_cast %parallel_loop3A_870 : i32 to index
      %parallel_loop3A_872 = tpu.vector_load %arg13[%parallel_loop3A_871] {strides = array<i32>} : memref<16384xf32, #tpu.memory_space<vmem>>, vector<16xf32>,
      tpu.vector_store %arg13[%parallel_loop3A_871], %parallel_loop3A_851 {strides = array<i32>} : memref<16384xf32, #tpu.memory_space<vmem>>, vector<16xf32>,
    } {sc.loop_unroll_factor = 8 : i64, sc.parallel_access}
    %mul3A_17 = arith.constant 4 : i32
    %mul3A_18 = arith.muli %add3A, %mul3A_17 : i32
    %add3A_19 = arith.constant 0 : i32
    %add3A_20 = arith.addi %add3A_19, %mul3A_18 : i32
    %mul3A_21 = arith.constant 1024 : i32
    %mul3A_22 = arith.muli %add3A_20, %mul3A_21 : i32
    %dma_start3A_23 = arith.constant 0 : i32
    %dma_start3A_24 = tpu.memref_slice %arg13[%dma_start3A_23] : memref<16384xf32, #tpu.memory_space<vmem>> -> memref<4096xf32, #tpu.memory_space<vmem>>
    %dma_start3A_25 = tpu.memref_slice %arg4[%mul3A_22] : memref<1048576xf32, #tpu.memory_space<hbm>> -> memref<4096xf32, #tpu.memory_space<hbm>>
    %dma_start3A_26 = tpu.memref_slice %arg4[%mul3A_22] : memref<1048576xf32, #tpu.memory_space<hbm>> -> memref<4096xf32, #tpu.memory_space<hbm>>
    %dma_start3A_27 = arith.constant 0 : i32
    %dma_start3A_28 = tpu.memref_slice %arg13[%dma_start3A_27] : memref<16384xf32, #tpu.memory_space<vmem>> -> memref<4096xf32, #tpu.memory_space<vmem>>
    tpu.enqueue_dma source(%dma_start3A_28 : memref<4096xf32, #tpu.memory_space<vmem>>) target(%dma_start3A_26 : memref<4096xf32, #tpu.memory_space<hbm>>) target_semaphore(%arg17 : memref<!tpu.dma_semaphore, #tpu.memory_space<semaphore_mem>>)
    %mul3A_29 = arith.constant 4 : i32
    %mul3A_30 = arith.muli %add3A, %mul3A_29 : i32
    %add3A_31 = arith.constant 128 : i32
    %add3A_32 = arith.addi %add3A_31, %mul3A_30 : i32
    %mul3A_33 = arith.constant 1024 : i32
    %mul3A_34 = arith.muli %add3A_32, %mul3A_33 : i32
    %dma_start3A_35 = arith.constant 4096 : i32
    %dma_start3A_36 = tpu.memref_slice %arg13[%dma_start3A_35] : memref<16384xf32, #tpu.memory_space<vmem>> -> memref<4096xf32, #tpu.memory_space<vmem>>
    %dma_start3A_37 = tpu.memref_slice %arg4[%mul3A_34] : memref<1048576xf32, #tpu.memory_space<hbm>> -> memref<4096xf32, #tpu.memory_space<hbm>>
    %dma_start3A_38 = tpu.memref_slice %arg4[%mul3A_34] : memref<1048576xf32, #tpu.memory_space<hbm>> -> memref<4096xf32, #tpu.memory_space<hbm>>
    %dma_start3A_39 = arith.constant 4096 : i32
    %dma_start3A_40 = tpu.memref_slice %arg13[%dma_start3A_39] : memref<16384xf32, #tpu.memory_space<vmem>> -> memref<4096xf32, #tpu.memory_space<vmem>>
    tpu.enqueue_dma source(%dma_start3A_40 : memref<4096xf32, #tpu.memory_space<vmem>>) target(%dma_start3A_38 : memref<4096xf32, #tpu.memory_space<hbm>>) target_semaphore(%arg17 : memref<!tpu.dma_semaphore, #tpu.memory_space<semaphore_mem>>)
    %mul3A_41 = arith.constant 4 : i32
    %mul3A_42 = arith.muli %add3A, %mul3A_41 : i32
    %add3A_43 = arith.constant 256 : i32
    %add3A_44 = arith.addi %add3A_43, %mul3A_42 : i32
    %mul3A_45 = arith.constant 1024 : i32
    %mul3A_46 = arith.muli %add3A_44, %mul3A_45 : i32
    %dma_start3A_47 = arith.constant 8192 : i32
    %dma_start3A_48 = tpu.memref_slice %arg13[%dma_start3A_47] : memref<16384xf32, #tpu.memory_space<vmem>> -> memref<4096xf32, #tpu.memory_space<vmem>>
    %dma_start3A_49 = tpu.memref_slice %arg4[%mul3A_46] : memref<1048576xf32, #tpu.memory_space<hbm>> -> memref<4096xf32, #tpu.memory_space<hbm>>
    %dma_start3A_50 = tpu.memref_slice %arg4[%mul3A_46] : memref<1048576xf32, #tpu.memory_space<hbm>> -> memref<4096xf32, #tpu.memory_space<hbm>>
    %dma_start3A_51 = arith.constant 8192 : i32
    %dma_start3A_52 = tpu.memref_slice %arg13[%dma_start3A_51] : memref<16384xf32, #tpu.memory_space<vmem>> -> memref<4096xf32, #tpu.memory_space<vmem>>
    tpu.enqueue_dma source(%dma_start3A_52 : memref<4096xf32, #tpu.memory_space<vmem>>) target(%dma_start3A_50 : memref<4096xf32, #tpu.memory_space<hbm>>) target_semaphore(%arg17 : memref<!tpu.dma_semaphore, #tpu.memory_space<semaphore_mem>>)
    %mul3A_53 = arith.constant 4 : i32
    %mul3A_54 = arith.muli %add3A, %mul3A_53 : i32
    %add3A_55 = arith.constant 384 : i32
    %add3A_56 = arith.addi %add3A_55, %mul3A_54 : i32
    %mul3A_57 = arith.constant 1024 : i32
    %mul3A_58 = arith.muli %add3A_56, %mul3A_57 : i32
    %dma_start3A_59 = arith.constant 12288 : i32
    %dma_start3A_60 = tpu.memref_slice %arg13[%dma_start3A_59] : memref<16384xf32, #tpu.memory_space<vmem>> -> memref<4096xf32, #tpu.memory_space<vmem>>
    %dma_start3A_61 = tpu.memref_slice %arg4[%mul3A_58] : memref<1048576xf32, #tpu.memory_space<hbm>> -> memref<4096xf32, #tpu.memory_space<hbm>>
    %dma_start3A_62 = tpu.memref_slice %arg4[%mul3A_58] : memref<1048576xf32, #tpu.memory_space<hbm>> -> memref<4096xf32, #tpu.memory_space<hbm>>
    %dma_start3A_63 = arith.constant 12288 : i32
    %dma_start3A_64 = tpu.memref_slice %arg13[%dma_start3A_63] : memref<16384xf32, #tpu.memory_space<vmem>> -> memref<4096xf32, #tpu.memory_space<vmem>>
    tpu.enqueue_dma source(%dma_start3A_64 : memref<4096xf32, #tpu.memory_space<vmem>>) target(%dma_start3A_62 : memref<4096xf32, #tpu.memory_space<hbm>>) target_semaphore(%arg17 : memref<!tpu.dma_semaphore, #tpu.memory_space<semaphore_mem>>)
    %dma_start3A_65 = arith.constant 65536 : i32
    %dma_start3A_66 = tpu.memref_slice %arg9[%dma_start3A_65] : memref<327680xf32, #tpu.memory_space<vmem_shared>> -> memref<32768xf32, #tpu.memory_space<vmem_shared>>
    %dma_start3A_67 = arith.constant 65536 : i32
    %dma_start3A_68 = tpu.memref_slice %arg9[%dma_start3A_67] : memref<327680xf32, #tpu.memory_space<vmem_shared>> -> memref<32768xf32, #tpu.memory_space<vmem_shared>>
    tpu.enqueue_dma source(%dma_start3A_68 : memref<32768xf32, #tpu.memory_space<vmem_shared>>) target(%arg11 : memref<32768xf32, #tpu.memory_space<vmem>>) target_semaphore(%arg15 : memref<!tpu.dma_semaphore, #tpu.memory_space<semaphore_mem>>)
    %dma_wait3A_69 = arith.constant 32768 : i32
    %dma_wait3A_70 = tpu.memref_slice %arg9[%dma_wait3A_69] : memref<327680xf32, #tpu.memory_space<vmem_shared>> -> memref<32768xf32, #tpu.memory_space<vmem_shared>>
    %dma_wait3A_71 = arith.constant 32768 : i32
    %dma_wait3A_72 = tpu.memref_slice %arg9[%dma_wait3A_71] : memref<327680xf32, #tpu.memory_space<vmem_shared>> -> memref<32768xf32, #tpu.memory_space<vmem_shared>>
    tpu.wait_dma2 semaphore(%arg16 : memref<!tpu.dma_semaphore, #tpu.memory_space<semaphore_mem>>) src(%dma_wait3A_72 : memref<32768xf32, #tpu.memory_space<vmem_shared>>) dst(%arg12 : memref<32768xf32, #tpu.memory_space<vmem>>)
    %parallel_loop3A_73 = arith.constant 0 : i32
    %parallel_loop3A_74 = arith.constant 1024 : i32
    %parallel_loop3A_75 = arith.constant 1 : i32
    scf.for %parallel_loop3A_832 = %parallel_loop3A_73 to %parallel_loop3A_74 step %parallel_loop3A_75  : i32 {
      %parallel_loop3A_833 = arith.constant 5 : i32
      %parallel_loop3A_834 = arith.shrsi %parallel_loop3A_832, %parallel_loop3A_833 : i32
      %parallel_loop3A_835 = arith.constant 31 : i32
      %parallel_loop3A_836 = arith.andi %parallel_loop3A_832, %parallel_loop3A_835 : i32
      %parallel_loop3A_837 = arith.constant 16 : i32
      %parallel_loop3A_838 = arith.muli %parallel_loop3A_834, %parallel_loop3A_837 : i32
      %parallel_loop3A_839 = arith.constant 0 : i32
      %parallel_loop3A_840 = arith.constant 0 : i32
      %parallel_loop3A_841 = arith.constant 0 : i32
      %parallel_loop3A_842 = arith.index_cast %parallel_loop3A_839 : i32 to index
      %parallel_loop3A_843 = arith.index_cast %parallel_loop3A_840 : i32 to index
      %parallel_loop3A_844 = arith.index_cast %parallel_loop3A_841 : i32 to index
      %parallel_loop3A_845 = arith.index_cast %parallel_loop3A_838 : i32 to index
      %parallel_loop3A_846 = tpu.vector_load %arg10[%parallel_loop3A_842, %parallel_loop3A_843, %parallel_loop3A_844, %parallel_loop3A_845] {strides = array<i32>} : memref<5x1x1x512xi32, #tpu.memory_space<vmem>>, vector<16xi32>,
      %parallel_loop3A_847 = arith.constant 1024 : i32
      %parallel_loop3A_848 = arith.muli %parallel_loop3A_836, %parallel_loop3A_847 : i32
      %parallel_loop3A_849 = vector.broadcast %parallel_loop3A_848 : i32 to vector<16xi32>
      %parallel_loop3A_850 = arith.addi %parallel_loop3A_846, %parallel_loop3A_849 : vector<16xi32>
      %parallel_loop3A_851 = tpu.vector_load_idx %arg12[%parallel_loop3A_850] : memref<32768xf32, #tpu.memory_space<vmem>>[vector<16xi32>], vector<16xf32>,
      %parallel_loop3A_852 = arith.constant 3 : i32
      %parallel_loop3A_853 = arith.shrsi %parallel_loop3A_834, %parallel_loop3A_852 : i32
      %parallel_loop3A_854 = arith.constant 1024 : i32
      %parallel_loop3A_855 = arith.muli %parallel_loop3A_853, %parallel_loop3A_854 : i32
      %parallel_loop3A_856 = arith.constant 7 : i32
      %parallel_loop3A_857 = arith.andi %parallel_loop3A_834, %parallel_loop3A_856 : i32
      %parallel_loop3A_858 = arith.constant 16 : i32
      %parallel_loop3A_859 = arith.muli %parallel_loop3A_857, %parallel_loop3A_858 : i32
      %parallel_loop3A_860 = arith.addi %parallel_loop3A_855, %parallel_loop3A_859 : i32
      %parallel_loop3A_861 = arith.constant 3 : i32
      %parallel_loop3A_862 = arith.shrsi %parallel_loop3A_836, %parallel_loop3A_861 : i32
      %parallel_loop3A_863 = arith.constant 4096 : i32
      %parallel_loop3A_864 = arith.muli %parallel_loop3A_862, %parallel_loop3A_863 : i32
      %parallel_loop3A_865 = arith.constant 7 : i32
      %parallel_loop3A_866 = arith.andi %parallel_loop3A_836, %parallel_loop3A_865 : i32
      %parallel_loop3A_867 = arith.constant 128 : i32
      %parallel_loop3A_868 = arith.muli %parallel_loop3A_866, %parallel_loop3A_867 : i32
      %parallel_loop3A_869 = arith.addi %parallel_loop3A_864, %parallel_loop3A_868 : i32
      %parallel_loop3A_870 = arith.addi %parallel_loop3A_860, %parallel_loop3A_869 : i32
      %parallel_loop3A_871 = arith.index_cast %parallel_loop3A_870 : i32 to index
      %parallel_loop3A_872 = tpu.vector_load %arg14[%parallel_loop3A_871] {strides = array<i32>} : memref<16384xf32, #tpu.memory_space<vmem>>, vector<16xf32>,
      tpu.vector_store %arg14[%parallel_loop3A_871], %parallel_loop3A_851 {strides = array<i32>} : memref<16384xf32, #tpu.memory_space<vmem>>, vector<16xf32>,
    } {sc.loop_unroll_factor = 8 : i64, sc.parallel_access}
    %mul3A_76 = arith.constant 4 : i32
    %mul3A_77 = arith.muli %add3A, %mul3A_76 : i32
    %add3A_78 = arith.constant 512 : i32
    %add3A_79 = arith.addi %add3A_78, %mul3A_77 : i32
    %mul3A_80 = arith.constant 1024 : i32
    %mul3A_81 = arith.muli %add3A_79, %mul3A_80 : i32
    %dma_start3A_82 = arith.constant 0 : i32
    %dma_start3A_83 = tpu.memref_slice %arg14[%dma_start3A_82] : memref<16384xf32, #tpu.memory_space<vmem>> -> memref<4096xf32, #tpu.memory_space<vmem>>
    %dma_start3A_84 = tpu.memref_slice %arg4[%mul3A_81] : memref<1048576xf32, #tpu.memory_space<hbm>> -> memref<4096xf32, #tpu.memory_space<hbm>>
    %dma_start3A_85 = tpu.memref_slice %arg4[%mul3A_81] : memref<1048576xf32, #tpu.memory_space<hbm>> -> memref<4096xf32, #tpu.memory_space<hbm>>
    %dma_start3A_86 = arith.constant 0 : i32
    %dma_start3A_87 = tpu.memref_slice %arg14[%dma_start3A_86] : memref<16384xf32, #tpu.memory_space<vmem>> -> memref<4096xf32, #tpu.memory_space<vmem>>
    tpu.enqueue_dma source(%dma_start3A_87 : memref<4096xf32, #tpu.memory_space<vmem>>) target(%dma_start3A_85 : memref<4096xf32, #tpu.memory_space<hbm>>) target_semaphore(%arg18 : memref<!tpu.dma_semaphore, #tpu.memory_space<semaphore_mem>>)
    %mul3A_88 = arith.constant 4 : i32
    %mul3A_89 = arith.muli %add3A, %mul3A_88 : i32
    %add3A_90 = arith.constant 640 : i32
    %add3A_91 = arith.addi %add3A_90, %mul3A_89 : i32
    %mul3A_92 = arith.constant 1024 : i32
    %mul3A_93 = arith.muli %add3A_91, %mul3A_92 : i32
    %dma_start3A_94 = arith.constant 4096 : i32
    %dma_start3A_95 = tpu.memref_slice %arg14[%dma_start3A_94] : memref<16384xf32, #tpu.memory_space<vmem>> -> memref<4096xf32, #tpu.memory_space<vmem>>
    %dma_start3A_96 = tpu.memref_slice %arg4[%mul3A_93] : memref<1048576xf32, #tpu.memory_space<hbm>> -> memref<4096xf32, #tpu.memory_space<hbm>>
    %dma_start3A_97 = tpu.memref_slice %arg4[%mul3A_93] : memref<1048576xf32, #tpu.memory_space<hbm>> -> memref<4096xf32, #tpu.memory_space<hbm>>
    %dma_start3A_98 = arith.constant 4096 : i32
    %dma_start3A_99 = tpu.memref_slice %arg14[%dma_start3A_98] : memref<16384xf32, #tpu.memory_space<vmem>> -> memref<4096xf32, #tpu.memory_space<vmem>>
    tpu.enqueue_dma source(%dma_start3A_99 : memref<4096xf32, #tpu.memory_space<vmem>>) target(%dma_start3A_97 : memref<4096xf32, #tpu.memory_space<hbm>>) target_semaphore(%arg18 : memref<!tpu.dma_semaphore, #tpu.memory_space<semaphore_mem>>)
    %mul3A_100 = arith.constant 4 : i32
    %mul3A_101 = arith.muli %add3A, %mul3A_100 : i32
    %add3A_102 = arith.constant 768 : i32
    %add3A_103 = arith.addi %add3A_102, %mul3A_101 : i32
    %mul3A_104 = arith.constant 1024 : i32
    %mul3A_105 = arith.muli %add3A_103, %mul3A_104 : i32
    %dma_start3A_106 = arith.constant 8192 : i32
    %dma_start3A_107 = tpu.memref_slice %arg14[%dma_start3A_106] : memref<16384xf32, #tpu.memory_space<vmem>> -> memref<4096xf32, #tpu.memory_space<vmem>>
    %dma_start3A_108 = tpu.memref_slice %arg4[%mul3A_105] : memref<1048576xf32, #tpu.memory_space<hbm>> -> memref<4096xf32, #tpu.memory_space<hbm>>
    %dma_start3A_109 = tpu.memref_slice %arg4[%mul3A_105] : memref<1048576xf32, #tpu.memory_space<hbm>> -> memref<4096xf32, #tpu.memory_space<hbm>>
    %dma_start3A_110 = arith.constant 8192 : i32
    %dma_start3A_111 = tpu.memref_slice %arg14[%dma_start3A_110] : memref<16384xf32, #tpu.memory_space<vmem>> -> memref<4096xf32, #tpu.memory_space<vmem>>
    tpu.enqueue_dma source(%dma_start3A_111 : memref<4096xf32, #tpu.memory_space<vmem>>) target(%dma_start3A_109 : memref<4096xf32, #tpu.memory_space<hbm>>) target_semaphore(%arg18 : memref<!tpu.dma_semaphore, #tpu.memory_space<semaphore_mem>>)
    %mul3A_112 = arith.constant 4 : i32
    %mul3A_113 = arith.muli %add3A, %mul3A_112 : i32
    %add3A_114 = arith.constant 896 : i32
    %add3A_115 = arith.addi %add3A_114, %mul3A_113 : i32
    %mul3A_116 = arith.constant 1024 : i32
    %mul3A_117 = arith.muli %add3A_115, %mul3A_116 : i32
    %dma_start3A_118 = arith.constant 12288 : i32
    %dma_start3A_119 = tpu.memref_slice %arg14[%dma_start3A_118] : memref<16384xf32, #tpu.memory_space<vmem>> -> memref<4096xf32, #tpu.memory_space<vmem>>
    %dma_start3A_120 = tpu.memref_slice %arg4[%mul3A_117] : memref<1048576xf32, #tpu.memory_space<hbm>> -> memref<4096xf32, #tpu.memory_space<hbm>>
    %dma_start3A_121 = tpu.memref_slice %arg4[%mul3A_117] : memref<1048576xf32, #tpu.memory_space<hbm>> -> memref<4096xf32, #tpu.memory_space<hbm>>
    %dma_start3A_122 = arith.constant 12288 : i32
    %dma_start3A_123 = tpu.memref_slice %arg14[%dma_start3A_122] : memref<16384xf32, #tpu.memory_space<vmem>> -> memref<4096xf32, #tpu.memory_space<vmem>>
    tpu.enqueue_dma source(%dma_start3A_123 : memref<4096xf32, #tpu.memory_space<vmem>>) target(%dma_start3A_121 : memref<4096xf32, #tpu.memory_space<hbm>>) target_semaphore(%arg18 : memref<!tpu.dma_semaphore, #tpu.memory_space<semaphore_mem>>)
    %dma_start3A_124 = arith.constant 98304 : i32
    %dma_start3A_125 = tpu.memref_slice %arg9[%dma_start3A_124] : memref<327680xf32, #tpu.memory_space<vmem_shared>> -> memref<32768xf32, #tpu.memory_space<vmem_shared>>
    %dma_start3A_126 = arith.constant 98304 : i32
    %dma_start3A_127 = tpu.memref_slice %arg9[%dma_start3A_126] : memref<327680xf32, #tpu.memory_space<vmem_shared>> -> memref<32768xf32, #tpu.memory_space<vmem_shared>>
    tpu.enqueue_dma source(%dma_start3A_127 : memref<32768xf32, #tpu.memory_space<vmem_shared>>) target(%arg12 : memref<32768xf32, #tpu.memory_space<vmem>>) target_semaphore(%arg16 : memref<!tpu.dma_semaphore, #tpu.memory_space<semaphore_mem>>)
    %dma_wait3A_128 = arith.constant 65536 : i32
    %dma_wait3A_129 = tpu.memref_slice %arg9[%dma_wait3A_128] : memref<327680xf32, #tpu.memory_space<vmem_shared>> -> memref<32768xf32, #tpu.memory_space<vmem_shared>>
    %dma_wait3A_130 = arith.constant 65536 : i32
    %dma_wait3A_131 = tpu.memref_slice %arg9[%dma_wait3A_130] : memref<327680xf32, #tpu.memory_space<vmem_shared>> -> memref<32768xf32, #tpu.memory_space<vmem_shared>>
    tpu.wait_dma2 semaphore(%arg15 : memref<!tpu.dma_semaphore, #tpu.memory_space<semaphore_mem>>) src(%dma_wait3A_131 : memref<32768xf32, #tpu.memory_space<vmem_shared>>) dst(%arg11 : memref<32768xf32, #tpu.memory_space<vmem>>)
    %dma_wait3A_132 = arith.constant 0 : i32
    %dma_wait3A_133 = tpu.memref_slice %arg13[%dma_wait3A_132] : memref<16384xf32, #tpu.memory_space<vmem>> -> memref<4096xf32, #tpu.memory_space<vmem>>
    %dma_wait3A_134 = tpu.memref_slice %arg4[%mul3A_22] : memref<1048576xf32, #tpu.memory_space<hbm>> -> memref<4096xf32, #tpu.memory_space<hbm>>
    %dma_wait3A_135 = tpu.memref_slice %arg4[%mul3A_22] : memref<1048576xf32, #tpu.memory_space<hbm>> -> memref<4096xf32, #tpu.memory_space<hbm>>
    %dma_wait3A_136 = arith.constant 0 : i32
    %dma_wait3A_137 = tpu.memref_slice %arg13[%dma_wait3A_136] : memref<16384xf32, #tpu.memory_space<vmem>> -> memref<4096xf32, #tpu.memory_space<vmem>>
    tpu.wait_dma2 semaphore(%arg17 : memref<!tpu.dma_semaphore, #tpu.memory_space<semaphore_mem>>) src(%dma_wait3A_137 : memref<4096xf32, #tpu.memory_space<vmem>>) dst(%dma_wait3A_135 : memref<4096xf32, #tpu.memory_space<hbm>>)
    %dma_wait3A_138 = arith.constant 4096 : i32
    %dma_wait3A_139 = tpu.memref_slice %arg13[%dma_wait3A_138] : memref<16384xf32, #tpu.memory_space<vmem>> -> memref<4096xf32, #tpu.memory_space<vmem>>
    %dma_wait3A_140 = tpu.memref_slice %arg4[%mul3A_34] : memref<1048576xf32, #tpu.memory_space<hbm>> -> memref<4096xf32, #tpu.memory_space<hbm>>
    %dma_wait3A_141 = tpu.memref_slice %arg4[%mul3A_34] : memref<1048576xf32, #tpu.memory_space<hbm>> -> memref<4096xf32, #tpu.memory_space<hbm>>
    %dma_wait3A_142 = arith.constant 4096 : i32
    %dma_wait3A_143 = tpu.memref_slice %arg13[%dma_wait3A_142] : memref<16384xf32, #tpu.memory_space<vmem>> -> memref<4096xf32, #tpu.memory_space<vmem>>
    tpu.wait_dma2 semaphore(%arg17 : memref<!tpu.dma_semaphore, #tpu.memory_space<semaphore_mem>>) src(%dma_wait3A_143 : memref<4096xf32, #tpu.memory_space<vmem>>) dst(%dma_wait3A_141 : memref<4096xf32, #tpu.memory_space<hbm>>)
    %dma_wait3A_144 = arith.constant 8192 : i32
    %dma_wait3A_145 = tpu.memref_slice %arg13[%dma_wait3A_144] : memref<16384xf32, #tpu.memory_space<vmem>> -> memref<4096xf32, #tpu.memory_space<vmem>>
    %dma_wait3A_146 = tpu.memref_slice %arg4[%mul3A_46] : memref<1048576xf32, #tpu.memory_space<hbm>> -> memref<4096xf32, #tpu.memory_space<hbm>>
    %dma_wait3A_147 = tpu.memref_slice %arg4[%mul3A_46] : memref<1048576xf32, #tpu.memory_space<hbm>> -> memref<4096xf32, #tpu.memory_space<hbm>>
    %dma_wait3A_148 = arith.constant 8192 : i32
    %dma_wait3A_149 = tpu.memref_slice %arg13[%dma_wait3A_148] : memref<16384xf32, #tpu.memory_space<vmem>> -> memref<4096xf32, #tpu.memory_space<vmem>>
    tpu.wait_dma2 semaphore(%arg17 : memref<!tpu.dma_semaphore, #tpu.memory_space<semaphore_mem>>) src(%dma_wait3A_149 : memref<4096xf32, #tpu.memory_space<vmem>>) dst(%dma_wait3A_147 : memref<4096xf32, #tpu.memory_space<hbm>>)
    %dma_wait3A_150 = arith.constant 12288 : i32
    %dma_wait3A_151 = tpu.memref_slice %arg13[%dma_wait3A_150] : memref<16384xf32, #tpu.memory_space<vmem>> -> memref<4096xf32, #tpu.memory_space<vmem>>
    %dma_wait3A_152 = tpu.memref_slice %arg4[%mul3A_58] : memref<1048576xf32, #tpu.memory_space<hbm>> -> memref<4096xf32, #tpu.memory_space<hbm>>
    %dma_wait3A_153 = tpu.memref_slice %arg4[%mul3A_58] : memref<1048576xf32, #tpu.memory_space<hbm>> -> memref<4096xf32, #tpu.memory_space<hbm>>
    %dma_wait3A_154 = arith.constant 12288 : i32
    %dma_wait3A_155 = tpu.memref_slice %arg13[%dma_wait3A_154] : memref<16384xf32, #tpu.memory_space<vmem>> -> memref<4096xf32, #tpu.memory_space<vmem>>
    tpu.wait_dma2 semaphore(%arg17 : memref<!tpu.dma_semaphore, #tpu.memory_space<semaphore_mem>>) src(%dma_wait3A_155 : memref<4096xf32, #tpu.memory_space<vmem>>) dst(%dma_wait3A_153 : memref<4096xf32, #tpu.memory_space<hbm>>)
    %parallel_loop3A_156 = arith.constant 0 : i32
    %parallel_loop3A_157 = arith.constant 1024 : i32
    %parallel_loop3A_158 = arith.constant 1 : i32
    scf.for %parallel_loop3A_832 = %parallel_loop3A_156 to %parallel_loop3A_157 step %parallel_loop3A_158  : i32 {
      %parallel_loop3A_833 = arith.constant 5 : i32
      %parallel_loop3A_834 = arith.shrsi %parallel_loop3A_832, %parallel_loop3A_833 : i32
      %parallel_loop3A_835 = arith.constant 31 : i32
      %parallel_loop3A_836 = arith.andi %parallel_loop3A_832, %parallel_loop3A_835 : i32
      %parallel_loop3A_837 = arith.constant 16 : i32
      %parallel_loop3A_838 = arith.muli %parallel_loop3A_834, %parallel_loop3A_837 : i32
      %parallel_loop3A_839 = arith.constant 1 : i32
      %parallel_loop3A_840 = arith.constant 0 : i32
      %parallel_loop3A_841 = arith.constant 0 : i32
      %parallel_loop3A_842 = arith.index_cast %parallel_loop3A_839 : i32 to index
      %parallel_loop3A_843 = arith.index_cast %parallel_loop3A_840 : i32 to index
      %parallel_loop3A_844 = arith.index_cast %parallel_loop3A_841 : i32 to index
      %parallel_loop3A_845 = arith.index_cast %parallel_loop3A_838 : i32 to index
      %parallel_loop3A_846 = tpu.vector_load %arg10[%parallel_loop3A_842, %parallel_loop3A_843, %parallel_loop3A_844, %parallel_loop3A_845] {strides = array<i32>} : memref<5x1x1x512xi32, #tpu.memory_space<vmem>>, vector<16xi32>,
      %parallel_loop3A_847 = arith.constant 1024 : i32
      %parallel_loop3A_848 = arith.muli %parallel_loop3A_836, %parallel_loop3A_847 : i32
      %parallel_loop3A_849 = vector.broadcast %parallel_loop3A_848 : i32 to vector<16xi32>
      %parallel_loop3A_850 = arith.addi %parallel_loop3A_846, %parallel_loop3A_849 : vector<16xi32>
      %parallel_loop3A_851 = tpu.vector_load_idx %arg11[%parallel_loop3A_850] : memref<32768xf32, #tpu.memory_space<vmem>>[vector<16xi32>], vector<16xf32>,
      %parallel_loop3A_852 = arith.constant 3 : i32
      %parallel_loop3A_853 = arith.shrsi %parallel_loop3A_834, %parallel_loop3A_852 : i32
      %parallel_loop3A_854 = arith.constant 1024 : i32
      %parallel_loop3A_855 = arith.muli %parallel_loop3A_853, %parallel_loop3A_854 : i32
      %parallel_loop3A_856 = arith.constant 7 : i32
      %parallel_loop3A_857 = arith.andi %parallel_loop3A_834, %parallel_loop3A_856 : i32
      %parallel_loop3A_858 = arith.constant 16 : i32
      %parallel_loop3A_859 = arith.muli %parallel_loop3A_857, %parallel_loop3A_858 : i32
      %parallel_loop3A_860 = arith.addi %parallel_loop3A_855, %parallel_loop3A_859 : i32
      %parallel_loop3A_861 = arith.constant 3 : i32
      %parallel_loop3A_862 = arith.shrsi %parallel_loop3A_836, %parallel_loop3A_861 : i32
      %parallel_loop3A_863 = arith.constant 4096 : i32
      %parallel_loop3A_864 = arith.muli %parallel_loop3A_862, %parallel_loop3A_863 : i32
      %parallel_loop3A_865 = arith.constant 7 : i32
      %parallel_loop3A_866 = arith.andi %parallel_loop3A_836, %parallel_loop3A_865 : i32
      %parallel_loop3A_867 = arith.constant 128 : i32
      %parallel_loop3A_868 = arith.muli %parallel_loop3A_866, %parallel_loop3A_867 : i32
      %parallel_loop3A_869 = arith.addi %parallel_loop3A_864, %parallel_loop3A_868 : i32
      %parallel_loop3A_870 = arith.addi %parallel_loop3A_860, %parallel_loop3A_869 : i32
      %parallel_loop3A_871 = arith.index_cast %parallel_loop3A_870 : i32 to index
      %parallel_loop3A_872 = tpu.vector_load %arg13[%parallel_loop3A_871] {strides = array<i32>} : memref<16384xf32, #tpu.memory_space<vmem>>, vector<16xf32>,
      tpu.vector_store %arg13[%parallel_loop3A_871], %parallel_loop3A_851 {strides = array<i32>} : memref<16384xf32, #tpu.memory_space<vmem>>, vector<16xf32>,
    } {sc.loop_unroll_factor = 8 : i64, sc.parallel_access}
    %mul3A_159 = arith.constant 4 : i32
    %mul3A_160 = arith.muli %add3A, %mul3A_159 : i32
    %add3A_161 = arith.constant 0 : i32
    %add3A_162 = arith.addi %add3A_161, %mul3A_160 : i32
    %mul3A_163 = arith.constant 1024 : i32
    %mul3A_164 = arith.muli %add3A_162, %mul3A_163 : i32
    %dma_start3A_165 = arith.constant 0 : i32
    %dma_start3A_166 = tpu.memref_slice %arg13[%dma_start3A_165] : memref<16384xf32, #tpu.memory_space<vmem>> -> memref<4096xf32, #tpu.memory_space<vmem>>
    %dma_start3A_167 = tpu.memref_slice %arg5[%mul3A_164] : memref<1048576xf32, #tpu.memory_space<hbm>> -> memref<4096xf32, #tpu.memory_space<hbm>>
    %dma_start3A_168 = tpu.memref_slice %arg5[%mul3A_164] : memref<1048576xf32, #tpu.memory_space<hbm>> -> memref<4096xf32, #tpu.memory_space<hbm>>
    %dma_start3A_169 = arith.constant 0 : i32
    %dma_start3A_170 = tpu.memref_slice %arg13[%dma_start3A_169] : memref<16384xf32, #tpu.memory_space<vmem>> -> memref<4096xf32, #tpu.memory_space<vmem>>
    tpu.enqueue_dma source(%dma_start3A_170 : memref<4096xf32, #tpu.memory_space<vmem>>) target(%dma_start3A_168 : memref<4096xf32, #tpu.memory_space<hbm>>) target_semaphore(%arg17 : memref<!tpu.dma_semaphore, #tpu.memory_space<semaphore_mem>>)
    %mul3A_171 = arith.constant 4 : i32
    %mul3A_172 = arith.muli %add3A, %mul3A_171 : i32
    %add3A_173 = arith.constant 128 : i32
    %add3A_174 = arith.addi %add3A_173, %mul3A_172 : i32
    %mul3A_175 = arith.constant 1024 : i32
    %mul3A_176 = arith.muli %add3A_174, %mul3A_175 : i32
    %dma_start3A_177 = arith.constant 4096 : i32
    %dma_start3A_178 = tpu.memref_slice %arg13[%dma_start3A_177] : memref<16384xf32, #tpu.memory_space<vmem>> -> memref<4096xf32, #tpu.memory_space<vmem>>
    %dma_start3A_179 = tpu.memref_slice %arg5[%mul3A_176] : memref<1048576xf32, #tpu.memory_space<hbm>> -> memref<4096xf32, #tpu.memory_space<hbm>>
    %dma_start3A_180 = tpu.memref_slice %arg5[%mul3A_176] : memref<1048576xf32, #tpu.memory_space<hbm>> -> memref<4096xf32, #tpu.memory_space<hbm>>
    %dma_start3A_181 = arith.constant 4096 : i32
    %dma_start3A_182 = tpu.memref_slice %arg13[%dma_start3A_181] : memref<16384xf32, #tpu.memory_space<vmem>> -> memref<4096xf32, #tpu.memory_space<vmem>>
    tpu.enqueue_dma source(%dma_start3A_182 : memref<4096xf32, #tpu.memory_space<vmem>>) target(%dma_start3A_180 : memref<4096xf32, #tpu.memory_space<hbm>>) target_semaphore(%arg17 : memref<!tpu.dma_semaphore, #tpu.memory_space<semaphore_mem>>)
    %mul3A_183 = arith.constant 4 : i32
    %mul3A_184 = arith.muli %add3A, %mul3A_183 : i32
    %add3A_185 = arith.constant 256 : i32
    %add3A_186 = arith.addi %add3A_185, %mul3A_184 : i32
    %mul3A_187 = arith.constant 1024 : i32
    %mul3A_188 = arith.muli %add3A_186, %mul3A_187 : i32
    %dma_start3A_189 = arith.constant 8192 : i32
    %dma_start3A_190 = tpu.memref_slice %arg13[%dma_start3A_189] : memref<16384xf32, #tpu.memory_space<vmem>> -> memref<4096xf32, #tpu.memory_space<vmem>>
    %dma_start3A_191 = tpu.memref_slice %arg5[%mul3A_188] : memref<1048576xf32, #tpu.memory_space<hbm>> -> memref<4096xf32, #tpu.memory_space<hbm>>
    %dma_start3A_192 = tpu.memref_slice %arg5[%mul3A_188] : memref<1048576xf32, #tpu.memory_space<hbm>> -> memref<4096xf32, #tpu.memory_space<hbm>>
    %dma_start3A_193 = arith.constant 8192 : i32
    %dma_start3A_194 = tpu.memref_slice %arg13[%dma_start3A_193] : memref<16384xf32, #tpu.memory_space<vmem>> -> memref<4096xf32, #tpu.memory_space<vmem>>
    tpu.enqueue_dma source(%dma_start3A_194 : memref<4096xf32, #tpu.memory_space<vmem>>) target(%dma_start3A_192 : memref<4096xf32, #tpu.memory_space<hbm>>) target_semaphore(%arg17 : memref<!tpu.dma_semaphore, #tpu.memory_space<semaphore_mem>>)
    %mul3A_195 = arith.constant 4 : i32
    %mul3A_196 = arith.muli %add3A, %mul3A_195 : i32
    %add3A_197 = arith.constant 384 : i32
    %add3A_198 = arith.addi %add3A_197, %mul3A_196 : i32
    %mul3A_199 = arith.constant 1024 : i32
    %mul3A_200 = arith.muli %add3A_198, %mul3A_199 : i32
    %dma_start3A_201 = arith.constant 12288 : i32
    %dma_start3A_202 = tpu.memref_slice %arg13[%dma_start3A_201] : memref<16384xf32, #tpu.memory_space<vmem>> -> memref<4096xf32, #tpu.memory_space<vmem>>
    %dma_start3A_203 = tpu.memref_slice %arg5[%mul3A_200] : memref<1048576xf32, #tpu.memory_space<hbm>> -> memref<4096xf32, #tpu.memory_space<hbm>>
    %dma_start3A_204 = tpu.memref_slice %arg5[%mul3A_200] : memref<1048576xf32, #tpu.memory_space<hbm>> -> memref<4096xf32, #tpu.memory_space<hbm>>
    %dma_start3A_205 = arith.constant 12288 : i32
    %dma_start3A_206 = tpu.memref_slice %arg13[%dma_start3A_205] : memref<16384xf32, #tpu.memory_space<vmem>> -> memref<4096xf32, #tpu.memory_space<vmem>>
    tpu.enqueue_dma source(%dma_start3A_206 : memref<4096xf32, #tpu.memory_space<vmem>>) target(%dma_start3A_204 : memref<4096xf32, #tpu.memory_space<hbm>>) target_semaphore(%arg17 : memref<!tpu.dma_semaphore, #tpu.memory_space<semaphore_mem>>)
    %dma_start3A_207 = arith.constant 131072 : i32
    %dma_start3A_208 = tpu.memref_slice %arg9[%dma_start3A_207] : memref<327680xf32, #tpu.memory_space<vmem_shared>> -> memref<32768xf32, #tpu.memory_space<vmem_shared>>
    %dma_start3A_209 = arith.constant 131072 : i32
    %dma_start3A_210 = tpu.memref_slice %arg9[%dma_start3A_209] : memref<327680xf32, #tpu.memory_space<vmem_shared>> -> memref<32768xf32, #tpu.memory_space<vmem_shared>>
    tpu.enqueue_dma source(%dma_start3A_210 : memref<32768xf32, #tpu.memory_space<vmem_shared>>) target(%arg11 : memref<32768xf32, #tpu.memory_space<vmem>>) target_semaphore(%arg15 : memref<!tpu.dma_semaphore, #tpu.memory_space<semaphore_mem>>)
    %dma_wait3A_211 = arith.constant 98304 : i32
    %dma_wait3A_212 = tpu.memref_slice %arg9[%dma_wait3A_211] : memref<327680xf32, #tpu.memory_space<vmem_shared>> -> memref<32768xf32, #tpu.memory_space<vmem_shared>>
    %dma_wait3A_213 = arith.constant 98304 : i32
    %dma_wait3A_214 = tpu.memref_slice %arg9[%dma_wait3A_213] : memref<327680xf32, #tpu.memory_space<vmem_shared>> -> memref<32768xf32, #tpu.memory_space<vmem_shared>>
    tpu.wait_dma2 semaphore(%arg16 : memref<!tpu.dma_semaphore, #tpu.memory_space<semaphore_mem>>) src(%dma_wait3A_214 : memref<32768xf32, #tpu.memory_space<vmem_shared>>) dst(%arg12 : memref<32768xf32, #tpu.memory_space<vmem>>)
    %dma_wait3A_215 = arith.constant 0 : i32
    %dma_wait3A_216 = tpu.memref_slice %arg14[%dma_wait3A_215] : memref<16384xf32, #tpu.memory_space<vmem>> -> memref<4096xf32, #tpu.memory_space<vmem>>
    %dma_wait3A_217 = tpu.memref_slice %arg4[%mul3A_81] : memref<1048576xf32, #tpu.memory_space<hbm>> -> memref<4096xf32, #tpu.memory_space<hbm>>
    %dma_wait3A_218 = tpu.memref_slice %arg4[%mul3A_81] : memref<1048576xf32, #tpu.memory_space<hbm>> -> memref<4096xf32, #tpu.memory_space<hbm>>
    %dma_wait3A_219 = arith.constant 0 : i32
    %dma_wait3A_220 = tpu.memref_slice %arg14[%dma_wait3A_219] : memref<16384xf32, #tpu.memory_space<vmem>> -> memref<4096xf32, #tpu.memory_space<vmem>>
    tpu.wait_dma2 semaphore(%arg18 : memref<!tpu.dma_semaphore, #tpu.memory_space<semaphore_mem>>) src(%dma_wait3A_220 : memref<4096xf32, #tpu.memory_space<vmem>>) dst(%dma_wait3A_218 : memref<4096xf32, #tpu.memory_space<hbm>>)
    %dma_wait3A_221 = arith.constant 4096 : i32
    %dma_wait3A_222 = tpu.memref_slice %arg14[%dma_wait3A_221] : memref<16384xf32, #tpu.memory_space<vmem>> -> memref<4096xf32, #tpu.memory_space<vmem>>
    %dma_wait3A_223 = tpu.memref_slice %arg4[%mul3A_93] : memref<1048576xf32, #tpu.memory_space<hbm>> -> memref<4096xf32, #tpu.memory_space<hbm>>
    %dma_wait3A_224 = tpu.memref_slice %arg4[%mul3A_93] : memref<1048576xf32, #tpu.memory_space<hbm>> -> memref<4096xf32, #tpu.memory_space<hbm>>
    %dma_wait3A_225 = arith.constant 4096 : i32
    %dma_wait3A_226 = tpu.memref_slice %arg14[%dma_wait3A_225] : memref<16384xf32, #tpu.memory_space<vmem>> -> memref<4096xf32, #tpu.memory_space<vmem>>
    tpu.wait_dma2 semaphore(%arg18 : memref<!tpu.dma_semaphore, #tpu.memory_space<semaphore_mem>>) src(%dma_wait3A_226 : memref<4096xf32, #tpu.memory_space<vmem>>) dst(%dma_wait3A_224 : memref<4096xf32, #tpu.memory_space<hbm>>)
    %dma_wait3A_227 = arith.constant 8192 : i32
    %dma_wait3A_228 = tpu.memref_slice %arg14[%dma_wait3A_227] : memref<16384xf32, #tpu.memory_space<vmem>> -> memref<4096xf32, #tpu.memory_space<vmem>>
    %dma_wait3A_229 = tpu.memref_slice %arg4[%mul3A_105] : memref<1048576xf32, #tpu.memory_space<hbm>> -> memref<4096xf32, #tpu.memory_space<hbm>>
    %dma_wait3A_230 = tpu.memref_slice %arg4[%mul3A_105] : memref<1048576xf32, #tpu.memory_space<hbm>> -> memref<4096xf32, #tpu.memory_space<hbm>>
    %dma_wait3A_231 = arith.constant 8192 : i32
    %dma_wait3A_232 = tpu.memref_slice %arg14[%dma_wait3A_231] : memref<16384xf32, #tpu.memory_space<vmem>> -> memref<4096xf32, #tpu.memory_space<vmem>>
    tpu.wait_dma2 semaphore(%arg18 : memref<!tpu.dma_semaphore, #tpu.memory_space<semaphore_mem>>) src(%dma_wait3A_232 : memref<4096xf32, #tpu.memory_space<vmem>>) dst(%dma_wait3A_230 : memref<4096xf32, #tpu.memory_space<hbm>>)
    %dma_wait3A_233 = arith.constant 12288 : i32
    %dma_wait3A_234 = tpu.memref_slice %arg14[%dma_wait3A_233] : memref<16384xf32, #tpu.memory_space<vmem>> -> memref<4096xf32, #tpu.memory_space<vmem>>
    %dma_wait3A_235 = tpu.memref_slice %arg4[%mul3A_117] : memref<1048576xf32, #tpu.memory_space<hbm>> -> memref<4096xf32, #tpu.memory_space<hbm>>
    %dma_wait3A_236 = tpu.memref_slice %arg4[%mul3A_117] : memref<1048576xf32, #tpu.memory_space<hbm>> -> memref<4096xf32, #tpu.memory_space<hbm>>
    %dma_wait3A_237 = arith.constant 12288 : i32
    %dma_wait3A_238 = tpu.memref_slice %arg14[%dma_wait3A_237] : memref<16384xf32, #tpu.memory_space<vmem>> -> memref<4096xf32, #tpu.memory_space<vmem>>
    tpu.wait_dma2 semaphore(%arg18 : memref<!tpu.dma_semaphore, #tpu.memory_space<semaphore_mem>>) src(%dma_wait3A_238 : memref<4096xf32, #tpu.memory_space<vmem>>) dst(%dma_wait3A_236 : memref<4096xf32, #tpu.memory_space<hbm>>)
    %parallel_loop3A_239 = arith.constant 0 : i32
    %parallel_loop3A_240 = arith.constant 1024 : i32
    %parallel_loop3A_241 = arith.constant 1 : i32
    scf.for %parallel_loop3A_832 = %parallel_loop3A_239 to %parallel_loop3A_240 step %parallel_loop3A_241  : i32 {
      %parallel_loop3A_833 = arith.constant 5 : i32
      %parallel_loop3A_834 = arith.shrsi %parallel_loop3A_832, %parallel_loop3A_833 : i32
      %parallel_loop3A_835 = arith.constant 31 : i32
      %parallel_loop3A_836 = arith.andi %parallel_loop3A_832, %parallel_loop3A_835 : i32
      %parallel_loop3A_837 = arith.constant 16 : i32
      %parallel_loop3A_838 = arith.muli %parallel_loop3A_834, %parallel_loop3A_837 : i32
      %parallel_loop3A_839 = arith.constant 1 : i32
      %parallel_loop3A_840 = arith.constant 0 : i32
      %parallel_loop3A_841 = arith.constant 0 : i32
      %parallel_loop3A_842 = arith.index_cast %parallel_loop3A_839 : i32 to index
      %parallel_loop3A_843 = arith.index_cast %parallel_loop3A_840 : i32 to index
      %parallel_loop3A_844 = arith.index_cast %parallel_loop3A_841 : i32 to index
      %parallel_loop3A_845 = arith.index_cast %parallel_loop3A_838 : i32 to index
      %parallel_loop3A_846 = tpu.vector_load %arg10[%parallel_loop3A_842, %parallel_loop3A_843, %parallel_loop3A_844, %parallel_loop3A_845] {strides = array<i32>} : memref<5x1x1x512xi32, #tpu.memory_space<vmem>>, vector<16xi32>,
      %parallel_loop3A_847 = arith.constant 1024 : i32
      %parallel_loop3A_848 = arith.muli %parallel_loop3A_836, %parallel_loop3A_847 : i32
      %parallel_loop3A_849 = vector.broadcast %parallel_loop3A_848 : i32 to vector<16xi32>
      %parallel_loop3A_850 = arith.addi %parallel_loop3A_846, %parallel_loop3A_849 : vector<16xi32>
      %parallel_loop3A_851 = tpu.vector_load_idx %arg12[%parallel_loop3A_850] : memref<32768xf32, #tpu.memory_space<vmem>>[vector<16xi32>], vector<16xf32>,
      %parallel_loop3A_852 = arith.constant 3 : i32
      %parallel_loop3A_853 = arith.shrsi %parallel_loop3A_834, %parallel_loop3A_852 : i32
      %parallel_loop3A_854 = arith.constant 1024 : i32
      %parallel_loop3A_855 = arith.muli %parallel_loop3A_853, %parallel_loop3A_854 : i32
      %parallel_loop3A_856 = arith.constant 7 : i32
      %parallel_loop3A_857 = arith.andi %parallel_loop3A_834, %parallel_loop3A_856 : i32
      %parallel_loop3A_858 = arith.constant 16 : i32
      %parallel_loop3A_859 = arith.muli %parallel_loop3A_857, %parallel_loop3A_858 : i32
      %parallel_loop3A_860 = arith.addi %parallel_loop3A_855, %parallel_loop3A_859 : i32
      %parallel_loop3A_861 = arith.constant 3 : i32
      %parallel_loop3A_862 = arith.shrsi %parallel_loop3A_836, %parallel_loop3A_861 : i32
      %parallel_loop3A_863 = arith.constant 4096 : i32
      %parallel_loop3A_864 = arith.muli %parallel_loop3A_862, %parallel_loop3A_863 : i32
      %parallel_loop3A_865 = arith.constant 7 : i32
      %parallel_loop3A_866 = arith.andi %parallel_loop3A_836, %parallel_loop3A_865 : i32
      %parallel_loop3A_867 = arith.constant 128 : i32
      %parallel_loop3A_868 = arith.muli %parallel_loop3A_866, %parallel_loop3A_867 : i32
      %parallel_loop3A_869 = arith.addi %parallel_loop3A_864, %parallel_loop3A_868 : i32
      %parallel_loop3A_870 = arith.addi %parallel_loop3A_860, %parallel_loop3A_869 : i32
      %parallel_loop3A_871 = arith.index_cast %parallel_loop3A_870 : i32 to index
      %parallel_loop3A_872 = tpu.vector_load %arg14[%parallel_loop3A_871] {strides = array<i32>} : memref<16384xf32, #tpu.memory_space<vmem>>, vector<16xf32>,
      tpu.vector_store %arg14[%parallel_loop3A_871], %parallel_loop3A_851 {strides = array<i32>} : memref<16384xf32, #tpu.memory_space<vmem>>, vector<16xf32>,
    } {sc.loop_unroll_factor = 8 : i64, sc.parallel_access}
    %mul3A_242 = arith.constant 4 : i32
    %mul3A_243 = arith.muli %add3A, %mul3A_242 : i32
    %add3A_244 = arith.constant 512 : i32
    %add3A_245 = arith.addi %add3A_244, %mul3A_243 : i32
    %mul3A_246 = arith.constant 1024 : i32
    %mul3A_247 = arith.muli %add3A_245, %mul3A_246 : i32
    %dma_start3A_248 = arith.constant 0 : i32
    %dma_start3A_249 = tpu.memref_slice %arg14[%dma_start3A_248] : memref<16384xf32, #tpu.memory_space<vmem>> -> memref<4096xf32, #tpu.memory_space<vmem>>
    %dma_start3A_250 = tpu.memref_slice %arg5[%mul3A_247] : memref<1048576xf32, #tpu.memory_space<hbm>> -> memref<4096xf32, #tpu.memory_space<hbm>>
    %dma_start3A_251 = tpu.memref_slice %arg5[%mul3A_247] : memref<1048576xf32, #tpu.memory_space<hbm>> -> memref<4096xf32, #tpu.memory_space<hbm>>
    %dma_start3A_252 = arith.constant 0 : i32
    %dma_start3A_253 = tpu.memref_slice %arg14[%dma_start3A_252] : memref<16384xf32, #tpu.memory_space<vmem>> -> memref<4096xf32, #tpu.memory_space<vmem>>
    tpu.enqueue_dma source(%dma_start3A_253 : memref<4096xf32, #tpu.memory_space<vmem>>) target(%dma_start3A_251 : memref<4096xf32, #tpu.memory_space<hbm>>) target_semaphore(%arg18 : memref<!tpu.dma_semaphore, #tpu.memory_space<semaphore_mem>>)
    %mul3A_254 = arith.constant 4 : i32
    %mul3A_255 = arith.muli %add3A, %mul3A_254 : i32
    %add3A_256 = arith.constant 640 : i32
    %add3A_257 = arith.addi %add3A_256, %mul3A_255 : i32
    %mul3A_258 = arith.constant 1024 : i32
    %mul3A_259 = arith.muli %add3A_257, %mul3A_258 : i32
    %dma_start3A_260 = arith.constant 4096 : i32
    %dma_start3A_261 = tpu.memref_slice %arg14[%dma_start3A_260] : memref<16384xf32, #tpu.memory_space<vmem>> -> memref<4096xf32, #tpu.memory_space<vmem>>
    %dma_start3A_262 = tpu.memref_slice %arg5[%mul3A_259] : memref<1048576xf32, #tpu.memory_space<hbm>> -> memref<4096xf32, #tpu.memory_space<hbm>>
    %dma_start3A_263 = tpu.memref_slice %arg5[%mul3A_259] : memref<1048576xf32, #tpu.memory_space<hbm>> -> memref<4096xf32, #tpu.memory_space<hbm>>
    %dma_start3A_264 = arith.constant 4096 : i32
    %dma_start3A_265 = tpu.memref_slice %arg14[%dma_start3A_264] : memref<16384xf32, #tpu.memory_space<vmem>> -> memref<4096xf32, #tpu.memory_space<vmem>>
    tpu.enqueue_dma source(%dma_start3A_265 : memref<4096xf32, #tpu.memory_space<vmem>>) target(%dma_start3A_263 : memref<4096xf32, #tpu.memory_space<hbm>>) target_semaphore(%arg18 : memref<!tpu.dma_semaphore, #tpu.memory_space<semaphore_mem>>)
    %mul3A_266 = arith.constant 4 : i32
    %mul3A_267 = arith.muli %add3A, %mul3A_266 : i32
    %add3A_268 = arith.constant 768 : i32
    %add3A_269 = arith.addi %add3A_268, %mul3A_267 : i32
    %mul3A_270 = arith.constant 1024 : i32
    %mul3A_271 = arith.muli %add3A_269, %mul3A_270 : i32
    %dma_start3A_272 = arith.constant 8192 : i32
    %dma_start3A_273 = tpu.memref_slice %arg14[%dma_start3A_272] : memref<16384xf32, #tpu.memory_space<vmem>> -> memref<4096xf32, #tpu.memory_space<vmem>>
    %dma_start3A_274 = tpu.memref_slice %arg5[%mul3A_271] : memref<1048576xf32, #tpu.memory_space<hbm>> -> memref<4096xf32, #tpu.memory_space<hbm>>
    %dma_start3A_275 = tpu.memref_slice %arg5[%mul3A_271] : memref<1048576xf32, #tpu.memory_space<hbm>> -> memref<4096xf32, #tpu.memory_space<hbm>>
    %dma_start3A_276 = arith.constant 8192 : i32
    %dma_start3A_277 = tpu.memref_slice %arg14[%dma_start3A_276] : memref<16384xf32, #tpu.memory_space<vmem>> -> memref<4096xf32, #tpu.memory_space<vmem>>
    tpu.enqueue_dma source(%dma_start3A_277 : memref<4096xf32, #tpu.memory_space<vmem>>) target(%dma_start3A_275 : memref<4096xf32, #tpu.memory_space<hbm>>) target_semaphore(%arg18 : memref<!tpu.dma_semaphore, #tpu.memory_space<semaphore_mem>>)
    %mul3A_278 = arith.constant 4 : i32
    %mul3A_279 = arith.muli %add3A, %mul3A_278 : i32
    %add3A_280 = arith.constant 896 : i32
    %add3A_281 = arith.addi %add3A_280, %mul3A_279 : i32
    %mul3A_282 = arith.constant 1024 : i32
    %mul3A_283 = arith.muli %add3A_281, %mul3A_282 : i32
    %dma_start3A_284 = arith.constant 12288 : i32
    %dma_start3A_285 = tpu.memref_slice %arg14[%dma_start3A_284] : memref<16384xf32, #tpu.memory_space<vmem>> -> memref<4096xf32, #tpu.memory_space<vmem>>
    %dma_start3A_286 = tpu.memref_slice %arg5[%mul3A_283] : memref<1048576xf32, #tpu.memory_space<hbm>> -> memref<4096xf32, #tpu.memory_space<hbm>>
    %dma_start3A_287 = tpu.memref_slice %arg5[%mul3A_283] : memref<1048576xf32, #tpu.memory_space<hbm>> -> memref<4096xf32, #tpu.memory_space<hbm>>
    %dma_start3A_288 = arith.constant 12288 : i32
    %dma_start3A_289 = tpu.memref_slice %arg14[%dma_start3A_288] : memref<16384xf32, #tpu.memory_space<vmem>> -> memref<4096xf32, #tpu.memory_space<vmem>>
    tpu.enqueue_dma source(%dma_start3A_289 : memref<4096xf32, #tpu.memory_space<vmem>>) target(%dma_start3A_287 : memref<4096xf32, #tpu.memory_space<hbm>>) target_semaphore(%arg18 : memref<!tpu.dma_semaphore, #tpu.memory_space<semaphore_mem>>)
    %dma_start3A_290 = arith.constant 163840 : i32
    %dma_start3A_291 = tpu.memref_slice %arg9[%dma_start3A_290] : memref<327680xf32, #tpu.memory_space<vmem_shared>> -> memref<32768xf32, #tpu.memory_space<vmem_shared>>
    %dma_start3A_292 = arith.constant 163840 : i32
    %dma_start3A_293 = tpu.memref_slice %arg9[%dma_start3A_292] : memref<327680xf32, #tpu.memory_space<vmem_shared>> -> memref<32768xf32, #tpu.memory_space<vmem_shared>>
    tpu.enqueue_dma source(%dma_start3A_293 : memref<32768xf32, #tpu.memory_space<vmem_shared>>) target(%arg12 : memref<32768xf32, #tpu.memory_space<vmem>>) target_semaphore(%arg16 : memref<!tpu.dma_semaphore, #tpu.memory_space<semaphore_mem>>)
    %dma_wait3A_294 = arith.constant 131072 : i32
    %dma_wait3A_295 = tpu.memref_slice %arg9[%dma_wait3A_294] : memref<327680xf32, #tpu.memory_space<vmem_shared>> -> memref<32768xf32, #tpu.memory_space<vmem_shared>>
    %dma_wait3A_296 = arith.constant 131072 : i32
    %dma_wait3A_297 = tpu.memref_slice %arg9[%dma_wait3A_296] : memref<327680xf32, #tpu.memory_space<vmem_shared>> -> memref<32768xf32, #tpu.memory_space<vmem_shared>>
    tpu.wait_dma2 semaphore(%arg15 : memref<!tpu.dma_semaphore, #tpu.memory_space<semaphore_mem>>) src(%dma_wait3A_297 : memref<32768xf32, #tpu.memory_space<vmem_shared>>) dst(%arg11 : memref<32768xf32, #tpu.memory_space<vmem>>)
    %dma_wait3A_298 = arith.constant 0 : i32
    %dma_wait3A_299 = tpu.memref_slice %arg13[%dma_wait3A_298] : memref<16384xf32, #tpu.memory_space<vmem>> -> memref<4096xf32, #tpu.memory_space<vmem>>
    %dma_wait3A_300 = tpu.memref_slice %arg5[%mul3A_164] : memref<1048576xf32, #tpu.memory_space<hbm>> -> memref<4096xf32, #tpu.memory_space<hbm>>
    %dma_wait3A_301 = tpu.memref_slice %arg5[%mul3A_164] : memref<1048576xf32, #tpu.memory_space<hbm>> -> memref<4096xf32, #tpu.memory_space<hbm>>
    %dma_wait3A_302 = arith.constant 0 : i32
    %dma_wait3A_303 = tpu.memref_slice %arg13[%dma_wait3A_302] : memref<16384xf32, #tpu.memory_space<vmem>> -> memref<4096xf32, #tpu.memory_space<vmem>>
    tpu.wait_dma2 semaphore(%arg17 : memref<!tpu.dma_semaphore, #tpu.memory_space<semaphore_mem>>) src(%dma_wait3A_303 : memref<4096xf32, #tpu.memory_space<vmem>>) dst(%dma_wait3A_301 : memref<4096xf32, #tpu.memory_space<hbm>>)
    %dma_wait3A_304 = arith.constant 4096 : i32
    %dma_wait3A_305 = tpu.memref_slice %arg13[%dma_wait3A_304] : memref<16384xf32, #tpu.memory_space<vmem>> -> memref<4096xf32, #tpu.memory_space<vmem>>
    %dma_wait3A_306 = tpu.memref_slice %arg5[%mul3A_176] : memref<1048576xf32, #tpu.memory_space<hbm>> -> memref<4096xf32, #tpu.memory_space<hbm>>
    %dma_wait3A_307 = tpu.memref_slice %arg5[%mul3A_176] : memref<1048576xf32, #tpu.memory_space<hbm>> -> memref<4096xf32, #tpu.memory_space<hbm>>
    %dma_wait3A_308 = arith.constant 4096 : i32
    %dma_wait3A_309 = tpu.memref_slice %arg13[%dma_wait3A_308] : memref<16384xf32, #tpu.memory_space<vmem>> -> memref<4096xf32, #tpu.memory_space<vmem>>
    tpu.wait_dma2 semaphore(%arg17 : memref<!tpu.dma_semaphore, #tpu.memory_space<semaphore_mem>>) src(%dma_wait3A_309 : memref<4096xf32, #tpu.memory_space<vmem>>) dst(%dma_wait3A_307 : memref<4096xf32, #tpu.memory_space<hbm>>)
    %dma_wait3A_310 = arith.constant 8192 : i32
    %dma_wait3A_311 = tpu.memref_slice %arg13[%dma_wait3A_310] : memref<16384xf32, #tpu.memory_space<vmem>> -> memref<4096xf32, #tpu.memory_space<vmem>>
    %dma_wait3A_312 = tpu.memref_slice %arg5[%mul3A_188] : memref<1048576xf32, #tpu.memory_space<hbm>> -> memref<4096xf32, #tpu.memory_space<hbm>>
    %dma_wait3A_313 = tpu.memref_slice %arg5[%mul3A_188] : memref<1048576xf32, #tpu.memory_space<hbm>> -> memref<4096xf32, #tpu.memory_space<hbm>>
    %dma_wait3A_314 = arith.constant 8192 : i32
    %dma_wait3A_315 = tpu.memref_slice %arg13[%dma_wait3A_314] : memref<16384xf32, #tpu.memory_space<vmem>> -> memref<4096xf32, #tpu.memory_space<vmem>>
    tpu.wait_dma2 semaphore(%arg17 : memref<!tpu.dma_semaphore, #tpu.memory_space<semaphore_mem>>) src(%dma_wait3A_315 : memref<4096xf32, #tpu.memory_space<vmem>>) dst(%dma_wait3A_313 : memref<4096xf32, #tpu.memory_space<hbm>>)
    %dma_wait3A_316 = arith.constant 12288 : i32
    %dma_wait3A_317 = tpu.memref_slice %arg13[%dma_wait3A_316] : memref<16384xf32, #tpu.memory_space<vmem>> -> memref<4096xf32, #tpu.memory_space<vmem>>
    %dma_wait3A_318 = tpu.memref_slice %arg5[%mul3A_200] : memref<1048576xf32, #tpu.memory_space<hbm>> -> memref<4096xf32, #tpu.memory_space<hbm>>
    %dma_wait3A_319 = tpu.memref_slice %arg5[%mul3A_200] : memref<1048576xf32, #tpu.memory_space<hbm>> -> memref<4096xf32, #tpu.memory_space<hbm>>
    %dma_wait3A_320 = arith.constant 12288 : i32
    %dma_wait3A_321 = tpu.memref_slice %arg13[%dma_wait3A_320] : memref<16384xf32, #tpu.memory_space<vmem>> -> memref<4096xf32, #tpu.memory_space<vmem>>
    tpu.wait_dma2 semaphore(%arg17 : memref<!tpu.dma_semaphore, #tpu.memory_space<semaphore_mem>>) src(%dma_wait3A_321 : memref<4096xf32, #tpu.memory_space<vmem>>) dst(%dma_wait3A_319 : memref<4096xf32, #tpu.memory_space<hbm>>)
    %parallel_loop3A_322 = arith.constant 0 : i32
    %parallel_loop3A_323 = arith.constant 1024 : i32
    %parallel_loop3A_324 = arith.constant 1 : i32
    scf.for %parallel_loop3A_832 = %parallel_loop3A_322 to %parallel_loop3A_323 step %parallel_loop3A_324  : i32 {
      %parallel_loop3A_833 = arith.constant 5 : i32
      %parallel_loop3A_834 = arith.shrsi %parallel_loop3A_832, %parallel_loop3A_833 : i32
      %parallel_loop3A_835 = arith.constant 31 : i32
      %parallel_loop3A_836 = arith.andi %parallel_loop3A_832, %parallel_loop3A_835 : i32
      %parallel_loop3A_837 = arith.constant 16 : i32
      %parallel_loop3A_838 = arith.muli %parallel_loop3A_834, %parallel_loop3A_837 : i32
      %parallel_loop3A_839 = arith.constant 2 : i32
      %parallel_loop3A_840 = arith.constant 0 : i32
      %parallel_loop3A_841 = arith.constant 0 : i32
      %parallel_loop3A_842 = arith.index_cast %parallel_loop3A_839 : i32 to index
      %parallel_loop3A_843 = arith.index_cast %parallel_loop3A_840 : i32 to index
      %parallel_loop3A_844 = arith.index_cast %parallel_loop3A_841 : i32 to index
      %parallel_loop3A_845 = arith.index_cast %parallel_loop3A_838 : i32 to index
      %parallel_loop3A_846 = tpu.vector_load %arg10[%parallel_loop3A_842, %parallel_loop3A_843, %parallel_loop3A_844, %parallel_loop3A_845] {strides = array<i32>} : memref<5x1x1x512xi32, #tpu.memory_space<vmem>>, vector<16xi32>,
      %parallel_loop3A_847 = arith.constant 1024 : i32
      %parallel_loop3A_848 = arith.muli %parallel_loop3A_836, %parallel_loop3A_847 : i32
      %parallel_loop3A_849 = vector.broadcast %parallel_loop3A_848 : i32 to vector<16xi32>
      %parallel_loop3A_850 = arith.addi %parallel_loop3A_846, %parallel_loop3A_849 : vector<16xi32>
      %parallel_loop3A_851 = tpu.vector_load_idx %arg11[%parallel_loop3A_850] : memref<32768xf32, #tpu.memory_space<vmem>>[vector<16xi32>], vector<16xf32>,
      %parallel_loop3A_852 = arith.constant 3 : i32
      %parallel_loop3A_853 = arith.shrsi %parallel_loop3A_834, %parallel_loop3A_852 : i32
      %parallel_loop3A_854 = arith.constant 1024 : i32
      %parallel_loop3A_855 = arith.muli %parallel_loop3A_853, %parallel_loop3A_854 : i32
      %parallel_loop3A_856 = arith.constant 7 : i32
      %parallel_loop3A_857 = arith.andi %parallel_loop3A_834, %parallel_loop3A_856 : i32
      %parallel_loop3A_858 = arith.constant 16 : i32
      %parallel_loop3A_859 = arith.muli %parallel_loop3A_857, %parallel_loop3A_858 : i32
      %parallel_loop3A_860 = arith.addi %parallel_loop3A_855, %parallel_loop3A_859 : i32
      %parallel_loop3A_861 = arith.constant 3 : i32
      %parallel_loop3A_862 = arith.shrsi %parallel_loop3A_836, %parallel_loop3A_861 : i32
      %parallel_loop3A_863 = arith.constant 4096 : i32
      %parallel_loop3A_864 = arith.muli %parallel_loop3A_862, %parallel_loop3A_863 : i32
      %parallel_loop3A_865 = arith.constant 7 : i32
      %parallel_loop3A_866 = arith.andi %parallel_loop3A_836, %parallel_loop3A_865 : i32
      %parallel_loop3A_867 = arith.constant 128 : i32
      %parallel_loop3A_868 = arith.muli %parallel_loop3A_866, %parallel_loop3A_867 : i32
      %parallel_loop3A_869 = arith.addi %parallel_loop3A_864, %parallel_loop3A_868 : i32
      %parallel_loop3A_870 = arith.addi %parallel_loop3A_860, %parallel_loop3A_869 : i32
      %parallel_loop3A_871 = arith.index_cast %parallel_loop3A_870 : i32 to index
      %parallel_loop3A_872 = tpu.vector_load %arg13[%parallel_loop3A_871] {strides = array<i32>} : memref<16384xf32, #tpu.memory_space<vmem>>, vector<16xf32>,
      tpu.vector_store %arg13[%parallel_loop3A_871], %parallel_loop3A_851 {strides = array<i32>} : memref<16384xf32, #tpu.memory_space<vmem>>, vector<16xf32>,
    } {sc.loop_unroll_factor = 8 : i64, sc.parallel_access}
    %mul3A_325 = arith.constant 4 : i32
    %mul3A_326 = arith.muli %add3A, %mul3A_325 : i32
    %add3A_327 = arith.constant 0 : i32
    %add3A_328 = arith.addi %add3A_327, %mul3A_326 : i32
    %mul3A_329 = arith.constant 1024 : i32
    %mul3A_330 = arith.muli %add3A_328, %mul3A_329 : i32
    %dma_start3A_331 = arith.constant 0 : i32
    %dma_start3A_332 = tpu.memref_slice %arg13[%dma_start3A_331] : memref<16384xf32, #tpu.memory_space<vmem>> -> memref<4096xf32, #tpu.memory_space<vmem>>
    %dma_start3A_333 = tpu.memref_slice %arg6[%mul3A_330] : memref<1048576xf32, #tpu.memory_space<hbm>> -> memref<4096xf32, #tpu.memory_space<hbm>>
    %dma_start3A_334 = tpu.memref_slice %arg6[%mul3A_330] : memref<1048576xf32, #tpu.memory_space<hbm>> -> memref<4096xf32, #tpu.memory_space<hbm>>
    %dma_start3A_335 = arith.constant 0 : i32
    %dma_start3A_336 = tpu.memref_slice %arg13[%dma_start3A_335] : memref<16384xf32, #tpu.memory_space<vmem>> -> memref<4096xf32, #tpu.memory_space<vmem>>
    tpu.enqueue_dma source(%dma_start3A_336 : memref<4096xf32, #tpu.memory_space<vmem>>) target(%dma_start3A_334 : memref<4096xf32, #tpu.memory_space<hbm>>) target_semaphore(%arg17 : memref<!tpu.dma_semaphore, #tpu.memory_space<semaphore_mem>>)
    %mul3A_337 = arith.constant 4 : i32
    %mul3A_338 = arith.muli %add3A, %mul3A_337 : i32
    %add3A_339 = arith.constant 128 : i32
    %add3A_340 = arith.addi %add3A_339, %mul3A_338 : i32
    %mul3A_341 = arith.constant 1024 : i32
    %mul3A_342 = arith.muli %add3A_340, %mul3A_341 : i32
    %dma_start3A_343 = arith.constant 4096 : i32
    %dma_start3A_344 = tpu.memref_slice %arg13[%dma_start3A_343] : memref<16384xf32, #tpu.memory_space<vmem>> -> memref<4096xf32, #tpu.memory_space<vmem>>
    %dma_start3A_345 = tpu.memref_slice %arg6[%mul3A_342] : memref<1048576xf32, #tpu.memory_space<hbm>> -> memref<4096xf32, #tpu.memory_space<hbm>>
    %dma_start3A_346 = tpu.memref_slice %arg6[%mul3A_342] : memref<1048576xf32, #tpu.memory_space<hbm>> -> memref<4096xf32, #tpu.memory_space<hbm>>
    %dma_start3A_347 = arith.constant 4096 : i32
    %dma_start3A_348 = tpu.memref_slice %arg13[%dma_start3A_347] : memref<16384xf32, #tpu.memory_space<vmem>> -> memref<4096xf32, #tpu.memory_space<vmem>>
    tpu.enqueue_dma source(%dma_start3A_348 : memref<4096xf32, #tpu.memory_space<vmem>>) target(%dma_start3A_346 : memref<4096xf32, #tpu.memory_space<hbm>>) target_semaphore(%arg17 : memref<!tpu.dma_semaphore, #tpu.memory_space<semaphore_mem>>)
    %mul3A_349 = arith.constant 4 : i32
    %mul3A_350 = arith.muli %add3A, %mul3A_349 : i32
    %add3A_351 = arith.constant 256 : i32
    %add3A_352 = arith.addi %add3A_351, %mul3A_350 : i32
    %mul3A_353 = arith.constant 1024 : i32
    %mul3A_354 = arith.muli %add3A_352, %mul3A_353 : i32
    %dma_start3A_355 = arith.constant 8192 : i32
    %dma_start3A_356 = tpu.memref_slice %arg13[%dma_start3A_355] : memref<16384xf32, #tpu.memory_space<vmem>> -> memref<4096xf32, #tpu.memory_space<vmem>>
    %dma_start3A_357 = tpu.memref_slice %arg6[%mul3A_354] : memref<1048576xf32, #tpu.memory_space<hbm>> -> memref<4096xf32, #tpu.memory_space<hbm>>
    %dma_start3A_358 = tpu.memref_slice %arg6[%mul3A_354] : memref<1048576xf32, #tpu.memory_space<hbm>> -> memref<4096xf32, #tpu.memory_space<hbm>>
    %dma_start3A_359 = arith.constant 8192 : i32
    %dma_start3A_360 = tpu.memref_slice %arg13[%dma_start3A_359] : memref<16384xf32, #tpu.memory_space<vmem>> -> memref<4096xf32, #tpu.memory_space<vmem>>
    tpu.enqueue_dma source(%dma_start3A_360 : memref<4096xf32, #tpu.memory_space<vmem>>) target(%dma_start3A_358 : memref<4096xf32, #tpu.memory_space<hbm>>) target_semaphore(%arg17 : memref<!tpu.dma_semaphore, #tpu.memory_space<semaphore_mem>>)
    %mul3A_361 = arith.constant 4 : i32
    %mul3A_362 = arith.muli %add3A, %mul3A_361 : i32
    %add3A_363 = arith.constant 384 : i32
    %add3A_364 = arith.addi %add3A_363, %mul3A_362 : i32
    %mul3A_365 = arith.constant 1024 : i32
    %mul3A_366 = arith.muli %add3A_364, %mul3A_365 : i32
    %dma_start3A_367 = arith.constant 12288 : i32
    %dma_start3A_368 = tpu.memref_slice %arg13[%dma_start3A_367] : memref<16384xf32, #tpu.memory_space<vmem>> -> memref<4096xf32, #tpu.memory_space<vmem>>
    %dma_start3A_369 = tpu.memref_slice %arg6[%mul3A_366] : memref<1048576xf32, #tpu.memory_space<hbm>> -> memref<4096xf32, #tpu.memory_space<hbm>>
    %dma_start3A_370 = tpu.memref_slice %arg6[%mul3A_366] : memref<1048576xf32, #tpu.memory_space<hbm>> -> memref<4096xf32, #tpu.memory_space<hbm>>
    %dma_start3A_371 = arith.constant 12288 : i32
    %dma_start3A_372 = tpu.memref_slice %arg13[%dma_start3A_371] : memref<16384xf32, #tpu.memory_space<vmem>> -> memref<4096xf32, #tpu.memory_space<vmem>>
    tpu.enqueue_dma source(%dma_start3A_372 : memref<4096xf32, #tpu.memory_space<vmem>>) target(%dma_start3A_370 : memref<4096xf32, #tpu.memory_space<hbm>>) target_semaphore(%arg17 : memref<!tpu.dma_semaphore, #tpu.memory_space<semaphore_mem>>)
    %dma_start3A_373 = arith.constant 196608 : i32
    %dma_start3A_374 = tpu.memref_slice %arg9[%dma_start3A_373] : memref<327680xf32, #tpu.memory_space<vmem_shared>> -> memref<32768xf32, #tpu.memory_space<vmem_shared>>
    %dma_start3A_375 = arith.constant 196608 : i32
    %dma_start3A_376 = tpu.memref_slice %arg9[%dma_start3A_375] : memref<327680xf32, #tpu.memory_space<vmem_shared>> -> memref<32768xf32, #tpu.memory_space<vmem_shared>>
    tpu.enqueue_dma source(%dma_start3A_376 : memref<32768xf32, #tpu.memory_space<vmem_shared>>) target(%arg11 : memref<32768xf32, #tpu.memory_space<vmem>>) target_semaphore(%arg15 : memref<!tpu.dma_semaphore, #tpu.memory_space<semaphore_mem>>)
    %dma_wait3A_377 = arith.constant 163840 : i32
    %dma_wait3A_378 = tpu.memref_slice %arg9[%dma_wait3A_377] : memref<327680xf32, #tpu.memory_space<vmem_shared>> -> memref<32768xf32, #tpu.memory_space<vmem_shared>>
    %dma_wait3A_379 = arith.constant 163840 : i32
    %dma_wait3A_380 = tpu.memref_slice %arg9[%dma_wait3A_379] : memref<327680xf32, #tpu.memory_space<vmem_shared>> -> memref<32768xf32, #tpu.memory_space<vmem_shared>>
    tpu.wait_dma2 semaphore(%arg16 : memref<!tpu.dma_semaphore, #tpu.memory_space<semaphore_mem>>) src(%dma_wait3A_380 : memref<32768xf32, #tpu.memory_space<vmem_shared>>) dst(%arg12 : memref<32768xf32, #tpu.memory_space<vmem>>)
    %dma_wait3A_381 = arith.constant 0 : i32
    %dma_wait3A_382 = tpu.memref_slice %arg14[%dma_wait3A_381] : memref<16384xf32, #tpu.memory_space<vmem>> -> memref<4096xf32, #tpu.memory_space<vmem>>
    %dma_wait3A_383 = tpu.memref_slice %arg5[%mul3A_247] : memref<1048576xf32, #tpu.memory_space<hbm>> -> memref<4096xf32, #tpu.memory_space<hbm>>
    %dma_wait3A_384 = tpu.memref_slice %arg5[%mul3A_247] : memref<1048576xf32, #tpu.memory_space<hbm>> -> memref<4096xf32, #tpu.memory_space<hbm>>
    %dma_wait3A_385 = arith.constant 0 : i32
    %dma_wait3A_386 = tpu.memref_slice %arg14[%dma_wait3A_385] : memref<16384xf32, #tpu.memory_space<vmem>> -> memref<4096xf32, #tpu.memory_space<vmem>>
    tpu.wait_dma2 semaphore(%arg18 : memref<!tpu.dma_semaphore, #tpu.memory_space<semaphore_mem>>) src(%dma_wait3A_386 : memref<4096xf32, #tpu.memory_space<vmem>>) dst(%dma_wait3A_384 : memref<4096xf32, #tpu.memory_space<hbm>>)
    %dma_wait3A_387 = arith.constant 4096 : i32
    %dma_wait3A_388 = tpu.memref_slice %arg14[%dma_wait3A_387] : memref<16384xf32, #tpu.memory_space<vmem>> -> memref<4096xf32, #tpu.memory_space<vmem>>
    %dma_wait3A_389 = tpu.memref_slice %arg5[%mul3A_259] : memref<1048576xf32, #tpu.memory_space<hbm>> -> memref<4096xf32, #tpu.memory_space<hbm>>
    %dma_wait3A_390 = tpu.memref_slice %arg5[%mul3A_259] : memref<1048576xf32, #tpu.memory_space<hbm>> -> memref<4096xf32, #tpu.memory_space<hbm>>
    %dma_wait3A_391 = arith.constant 4096 : i32
    %dma_wait3A_392 = tpu.memref_slice %arg14[%dma_wait3A_391] : memref<16384xf32, #tpu.memory_space<vmem>> -> memref<4096xf32, #tpu.memory_space<vmem>>
    tpu.wait_dma2 semaphore(%arg18 : memref<!tpu.dma_semaphore, #tpu.memory_space<semaphore_mem>>) src(%dma_wait3A_392 : memref<4096xf32, #tpu.memory_space<vmem>>) dst(%dma_wait3A_390 : memref<4096xf32, #tpu.memory_space<hbm>>)
    %dma_wait3A_393 = arith.constant 8192 : i32
    %dma_wait3A_394 = tpu.memref_slice %arg14[%dma_wait3A_393] : memref<16384xf32, #tpu.memory_space<vmem>> -> memref<4096xf32, #tpu.memory_space<vmem>>
    %dma_wait3A_395 = tpu.memref_slice %arg5[%mul3A_271] : memref<1048576xf32, #tpu.memory_space<hbm>> -> memref<4096xf32, #tpu.memory_space<hbm>>
    %dma_wait3A_396 = tpu.memref_slice %arg5[%mul3A_271] : memref<1048576xf32, #tpu.memory_space<hbm>> -> memref<4096xf32, #tpu.memory_space<hbm>>
    %dma_wait3A_397 = arith.constant 8192 : i32
    %dma_wait3A_398 = tpu.memref_slice %arg14[%dma_wait3A_397] : memref<16384xf32, #tpu.memory_space<vmem>> -> memref<4096xf32, #tpu.memory_space<vmem>>
    tpu.wait_dma2 semaphore(%arg18 : memref<!tpu.dma_semaphore, #tpu.memory_space<semaphore_mem>>) src(%dma_wait3A_398 : memref<4096xf32, #tpu.memory_space<vmem>>) dst(%dma_wait3A_396 : memref<4096xf32, #tpu.memory_space<hbm>>)
    %dma_wait3A_399 = arith.constant 12288 : i32
    %dma_wait3A_400 = tpu.memref_slice %arg14[%dma_wait3A_399] : memref<16384xf32, #tpu.memory_space<vmem>> -> memref<4096xf32, #tpu.memory_space<vmem>>
    %dma_wait3A_401 = tpu.memref_slice %arg5[%mul3A_283] : memref<1048576xf32, #tpu.memory_space<hbm>> -> memref<4096xf32, #tpu.memory_space<hbm>>
    %dma_wait3A_402 = tpu.memref_slice %arg5[%mul3A_283] : memref<1048576xf32, #tpu.memory_space<hbm>> -> memref<4096xf32, #tpu.memory_space<hbm>>
    %dma_wait3A_403 = arith.constant 12288 : i32
    %dma_wait3A_404 = tpu.memref_slice %arg14[%dma_wait3A_403] : memref<16384xf32, #tpu.memory_space<vmem>> -> memref<4096xf32, #tpu.memory_space<vmem>>
    tpu.wait_dma2 semaphore(%arg18 : memref<!tpu.dma_semaphore, #tpu.memory_space<semaphore_mem>>) src(%dma_wait3A_404 : memref<4096xf32, #tpu.memory_space<vmem>>) dst(%dma_wait3A_402 : memref<4096xf32, #tpu.memory_space<hbm>>)
    %parallel_loop3A_405 = arith.constant 0 : i32
    %parallel_loop3A_406 = arith.constant 1024 : i32
    %parallel_loop3A_407 = arith.constant 1 : i32
    scf.for %parallel_loop3A_832 = %parallel_loop3A_405 to %parallel_loop3A_406 step %parallel_loop3A_407  : i32 {
      %parallel_loop3A_833 = arith.constant 5 : i32
      %parallel_loop3A_834 = arith.shrsi %parallel_loop3A_832, %parallel_loop3A_833 : i32
      %parallel_loop3A_835 = arith.constant 31 : i32
      %parallel_loop3A_836 = arith.andi %parallel_loop3A_832, %parallel_loop3A_835 : i32
      %parallel_loop3A_837 = arith.constant 16 : i32
      %parallel_loop3A_838 = arith.muli %parallel_loop3A_834, %parallel_loop3A_837 : i32
      %parallel_loop3A_839 = arith.constant 2 : i32
      %parallel_loop3A_840 = arith.constant 0 : i32
      %parallel_loop3A_841 = arith.constant 0 : i32
      %parallel_loop3A_842 = arith.index_cast %parallel_loop3A_839 : i32 to index
      %parallel_loop3A_843 = arith.index_cast %parallel_loop3A_840 : i32 to index
      %parallel_loop3A_844 = arith.index_cast %parallel_loop3A_841 : i32 to index
      %parallel_loop3A_845 = arith.index_cast %parallel_loop3A_838 : i32 to index
      %parallel_loop3A_846 = tpu.vector_load %arg10[%parallel_loop3A_842, %parallel_loop3A_843, %parallel_loop3A_844, %parallel_loop3A_845] {strides = array<i32>} : memref<5x1x1x512xi32, #tpu.memory_space<vmem>>, vector<16xi32>,
      %parallel_loop3A_847 = arith.constant 1024 : i32
      %parallel_loop3A_848 = arith.muli %parallel_loop3A_836, %parallel_loop3A_847 : i32
      %parallel_loop3A_849 = vector.broadcast %parallel_loop3A_848 : i32 to vector<16xi32>
      %parallel_loop3A_850 = arith.addi %parallel_loop3A_846, %parallel_loop3A_849 : vector<16xi32>
      %parallel_loop3A_851 = tpu.vector_load_idx %arg12[%parallel_loop3A_850] : memref<32768xf32, #tpu.memory_space<vmem>>[vector<16xi32>], vector<16xf32>,
      %parallel_loop3A_852 = arith.constant 3 : i32
      %parallel_loop3A_853 = arith.shrsi %parallel_loop3A_834, %parallel_loop3A_852 : i32
      %parallel_loop3A_854 = arith.constant 1024 : i32
      %parallel_loop3A_855 = arith.muli %parallel_loop3A_853, %parallel_loop3A_854 : i32
      %parallel_loop3A_856 = arith.constant 7 : i32
      %parallel_loop3A_857 = arith.andi %parallel_loop3A_834, %parallel_loop3A_856 : i32
      %parallel_loop3A_858 = arith.constant 16 : i32
      %parallel_loop3A_859 = arith.muli %parallel_loop3A_857, %parallel_loop3A_858 : i32
      %parallel_loop3A_860 = arith.addi %parallel_loop3A_855, %parallel_loop3A_859 : i32
      %parallel_loop3A_861 = arith.constant 3 : i32
      %parallel_loop3A_862 = arith.shrsi %parallel_loop3A_836, %parallel_loop3A_861 : i32
      %parallel_loop3A_863 = arith.constant 4096 : i32
      %parallel_loop3A_864 = arith.muli %parallel_loop3A_862, %parallel_loop3A_863 : i32
      %parallel_loop3A_865 = arith.constant 7 : i32
      %parallel_loop3A_866 = arith.andi %parallel_loop3A_836, %parallel_loop3A_865 : i32
      %parallel_loop3A_867 = arith.constant 128 : i32
      %parallel_loop3A_868 = arith.muli %parallel_loop3A_866, %parallel_loop3A_867 : i32
      %parallel_loop3A_869 = arith.addi %parallel_loop3A_864, %parallel_loop3A_868 : i32
      %parallel_loop3A_870 = arith.addi %parallel_loop3A_860, %parallel_loop3A_869 : i32
      %parallel_loop3A_871 = arith.index_cast %parallel_loop3A_870 : i32 to index
      %parallel_loop3A_872 = tpu.vector_load %arg14[%parallel_loop3A_871] {strides = array<i32>} : memref<16384xf32, #tpu.memory_space<vmem>>, vector<16xf32>,
      tpu.vector_store %arg14[%parallel_loop3A_871], %parallel_loop3A_851 {strides = array<i32>} : memref<16384xf32, #tpu.memory_space<vmem>>, vector<16xf32>,
    } {sc.loop_unroll_factor = 8 : i64, sc.parallel_access}
    %mul3A_408 = arith.constant 4 : i32
    %mul3A_409 = arith.muli %add3A, %mul3A_408 : i32
    %add3A_410 = arith.constant 512 : i32
    %add3A_411 = arith.addi %add3A_410, %mul3A_409 : i32
    %mul3A_412 = arith.constant 1024 : i32
    %mul3A_413 = arith.muli %add3A_411, %mul3A_412 : i32
    %dma_start3A_414 = arith.constant 0 : i32
    %dma_start3A_415 = tpu.memref_slice %arg14[%dma_start3A_414] : memref<16384xf32, #tpu.memory_space<vmem>> -> memref<4096xf32, #tpu.memory_space<vmem>>
    %dma_start3A_416 = tpu.memref_slice %arg6[%mul3A_413] : memref<1048576xf32, #tpu.memory_space<hbm>> -> memref<4096xf32, #tpu.memory_space<hbm>>
    %dma_start3A_417 = tpu.memref_slice %arg6[%mul3A_413] : memref<1048576xf32, #tpu.memory_space<hbm>> -> memref<4096xf32, #tpu.memory_space<hbm>>
    %dma_start3A_418 = arith.constant 0 : i32
    %dma_start3A_419 = tpu.memref_slice %arg14[%dma_start3A_418] : memref<16384xf32, #tpu.memory_space<vmem>> -> memref<4096xf32, #tpu.memory_space<vmem>>
    tpu.enqueue_dma source(%dma_start3A_419 : memref<4096xf32, #tpu.memory_space<vmem>>) target(%dma_start3A_417 : memref<4096xf32, #tpu.memory_space<hbm>>) target_semaphore(%arg18 : memref<!tpu.dma_semaphore, #tpu.memory_space<semaphore_mem>>)
    %mul3A_420 = arith.constant 4 : i32
    %mul3A_421 = arith.muli %add3A, %mul3A_420 : i32
    %add3A_422 = arith.constant 640 : i32
    %add3A_423 = arith.addi %add3A_422, %mul3A_421 : i32
    %mul3A_424 = arith.constant 1024 : i32
    %mul3A_425 = arith.muli %add3A_423, %mul3A_424 : i32
    %dma_start3A_426 = arith.constant 4096 : i32
    %dma_start3A_427 = tpu.memref_slice %arg14[%dma_start3A_426] : memref<16384xf32, #tpu.memory_space<vmem>> -> memref<4096xf32, #tpu.memory_space<vmem>>
    %dma_start3A_428 = tpu.memref_slice %arg6[%mul3A_425] : memref<1048576xf32, #tpu.memory_space<hbm>> -> memref<4096xf32, #tpu.memory_space<hbm>>
    %dma_start3A_429 = tpu.memref_slice %arg6[%mul3A_425] : memref<1048576xf32, #tpu.memory_space<hbm>> -> memref<4096xf32, #tpu.memory_space<hbm>>
    %dma_start3A_430 = arith.constant 4096 : i32
    %dma_start3A_431 = tpu.memref_slice %arg14[%dma_start3A_430] : memref<16384xf32, #tpu.memory_space<vmem>> -> memref<4096xf32, #tpu.memory_space<vmem>>
    tpu.enqueue_dma source(%dma_start3A_431 : memref<4096xf32, #tpu.memory_space<vmem>>) target(%dma_start3A_429 : memref<4096xf32, #tpu.memory_space<hbm>>) target_semaphore(%arg18 : memref<!tpu.dma_semaphore, #tpu.memory_space<semaphore_mem>>)
    %mul3A_432 = arith.constant 4 : i32
    %mul3A_433 = arith.muli %add3A, %mul3A_432 : i32
    %add3A_434 = arith.constant 768 : i32
    %add3A_435 = arith.addi %add3A_434, %mul3A_433 : i32
    %mul3A_436 = arith.constant 1024 : i32
    %mul3A_437 = arith.muli %add3A_435, %mul3A_436 : i32
    %dma_start3A_438 = arith.constant 8192 : i32
    %dma_start3A_439 = tpu.memref_slice %arg14[%dma_start3A_438] : memref<16384xf32, #tpu.memory_space<vmem>> -> memref<4096xf32, #tpu.memory_space<vmem>>
    %dma_start3A_440 = tpu.memref_slice %arg6[%mul3A_437] : memref<1048576xf32, #tpu.memory_space<hbm>> -> memref<4096xf32, #tpu.memory_space<hbm>>
    %dma_start3A_441 = tpu.memref_slice %arg6[%mul3A_437] : memref<1048576xf32, #tpu.memory_space<hbm>> -> memref<4096xf32, #tpu.memory_space<hbm>>
    %dma_start3A_442 = arith.constant 8192 : i32
    %dma_start3A_443 = tpu.memref_slice %arg14[%dma_start3A_442] : memref<16384xf32, #tpu.memory_space<vmem>> -> memref<4096xf32, #tpu.memory_space<vmem>>
    tpu.enqueue_dma source(%dma_start3A_443 : memref<4096xf32, #tpu.memory_space<vmem>>) target(%dma_start3A_441 : memref<4096xf32, #tpu.memory_space<hbm>>) target_semaphore(%arg18 : memref<!tpu.dma_semaphore, #tpu.memory_space<semaphore_mem>>)
    %mul3A_444 = arith.constant 4 : i32
    %mul3A_445 = arith.muli %add3A, %mul3A_444 : i32
    %add3A_446 = arith.constant 896 : i32
    %add3A_447 = arith.addi %add3A_446, %mul3A_445 : i32
    %mul3A_448 = arith.constant 1024 : i32
    %mul3A_449 = arith.muli %add3A_447, %mul3A_448 : i32
    %dma_start3A_450 = arith.constant 12288 : i32
    %dma_start3A_451 = tpu.memref_slice %arg14[%dma_start3A_450] : memref<16384xf32, #tpu.memory_space<vmem>> -> memref<4096xf32, #tpu.memory_space<vmem>>
    %dma_start3A_452 = tpu.memref_slice %arg6[%mul3A_449] : memref<1048576xf32, #tpu.memory_space<hbm>> -> memref<4096xf32, #tpu.memory_space<hbm>>
    %dma_start3A_453 = tpu.memref_slice %arg6[%mul3A_449] : memref<1048576xf32, #tpu.memory_space<hbm>> -> memref<4096xf32, #tpu.memory_space<hbm>>
    %dma_start3A_454 = arith.constant 12288 : i32
    %dma_start3A_455 = tpu.memref_slice %arg14[%dma_start3A_454] : memref<16384xf32, #tpu.memory_space<vmem>> -> memref<4096xf32, #tpu.memory_space<vmem>>
    tpu.enqueue_dma source(%dma_start3A_455 : memref<4096xf32, #tpu.memory_space<vmem>>) target(%dma_start3A_453 : memref<4096xf32, #tpu.memory_space<hbm>>) target_semaphore(%arg18 : memref<!tpu.dma_semaphore, #tpu.memory_space<semaphore_mem>>)
    %dma_start3A_456 = arith.constant 229376 : i32
    %dma_start3A_457 = tpu.memref_slice %arg9[%dma_start3A_456] : memref<327680xf32, #tpu.memory_space<vmem_shared>> -> memref<32768xf32, #tpu.memory_space<vmem_shared>>
    %dma_start3A_458 = arith.constant 229376 : i32
    %dma_start3A_459 = tpu.memref_slice %arg9[%dma_start3A_458] : memref<327680xf32, #tpu.memory_space<vmem_shared>> -> memref<32768xf32, #tpu.memory_space<vmem_shared>>
    tpu.enqueue_dma source(%dma_start3A_459 : memref<32768xf32, #tpu.memory_space<vmem_shared>>) target(%arg12 : memref<32768xf32, #tpu.memory_space<vmem>>) target_semaphore(%arg16 : memref<!tpu.dma_semaphore, #tpu.memory_space<semaphore_mem>>)
    %dma_wait3A_460 = arith.constant 196608 : i32
    %dma_wait3A_461 = tpu.memref_slice %arg9[%dma_wait3A_460] : memref<327680xf32, #tpu.memory_space<vmem_shared>> -> memref<32768xf32, #tpu.memory_space<vmem_shared>>
    %dma_wait3A_462 = arith.constant 196608 : i32
    %dma_wait3A_463 = tpu.memref_slice %arg9[%dma_wait3A_462] : memref<327680xf32, #tpu.memory_space<vmem_shared>> -> memref<32768xf32, #tpu.memory_space<vmem_shared>>
    tpu.wait_dma2 semaphore(%arg15 : memref<!tpu.dma_semaphore, #tpu.memory_space<semaphore_mem>>) src(%dma_wait3A_463 : memref<32768xf32, #tpu.memory_space<vmem_shared>>) dst(%arg11 : memref<32768xf32, #tpu.memory_space<vmem>>)
    %dma_wait3A_464 = arith.constant 0 : i32
    %dma_wait3A_465 = tpu.memref_slice %arg13[%dma_wait3A_464] : memref<16384xf32, #tpu.memory_space<vmem>> -> memref<4096xf32, #tpu.memory_space<vmem>>
    %dma_wait3A_466 = tpu.memref_slice %arg6[%mul3A_330] : memref<1048576xf32, #tpu.memory_space<hbm>> -> memref<4096xf32, #tpu.memory_space<hbm>>
    %dma_wait3A_467 = tpu.memref_slice %arg6[%mul3A_330] : memref<1048576xf32, #tpu.memory_space<hbm>> -> memref<4096xf32, #tpu.memory_space<hbm>>
    %dma_wait3A_468 = arith.constant 0 : i32
    %dma_wait3A_469 = tpu.memref_slice %arg13[%dma_wait3A_468] : memref<16384xf32, #tpu.memory_space<vmem>> -> memref<4096xf32, #tpu.memory_space<vmem>>
    tpu.wait_dma2 semaphore(%arg17 : memref<!tpu.dma_semaphore, #tpu.memory_space<semaphore_mem>>) src(%dma_wait3A_469 : memref<4096xf32, #tpu.memory_space<vmem>>) dst(%dma_wait3A_467 : memref<4096xf32, #tpu.memory_space<hbm>>)
    %dma_wait3A_470 = arith.constant 4096 : i32
    %dma_wait3A_471 = tpu.memref_slice %arg13[%dma_wait3A_470] : memref<16384xf32, #tpu.memory_space<vmem>> -> memref<4096xf32, #tpu.memory_space<vmem>>
    %dma_wait3A_472 = tpu.memref_slice %arg6[%mul3A_342] : memref<1048576xf32, #tpu.memory_space<hbm>> -> memref<4096xf32, #tpu.memory_space<hbm>>
    %dma_wait3A_473 = tpu.memref_slice %arg6[%mul3A_342] : memref<1048576xf32, #tpu.memory_space<hbm>> -> memref<4096xf32, #tpu.memory_space<hbm>>
    %dma_wait3A_474 = arith.constant 4096 : i32
    %dma_wait3A_475 = tpu.memref_slice %arg13[%dma_wait3A_474] : memref<16384xf32, #tpu.memory_space<vmem>> -> memref<4096xf32, #tpu.memory_space<vmem>>
    tpu.wait_dma2 semaphore(%arg17 : memref<!tpu.dma_semaphore, #tpu.memory_space<semaphore_mem>>) src(%dma_wait3A_475 : memref<4096xf32, #tpu.memory_space<vmem>>) dst(%dma_wait3A_473 : memref<4096xf32, #tpu.memory_space<hbm>>)
    %dma_wait3A_476 = arith.constant 8192 : i32
    %dma_wait3A_477 = tpu.memref_slice %arg13[%dma_wait3A_476] : memref<16384xf32, #tpu.memory_space<vmem>> -> memref<4096xf32, #tpu.memory_space<vmem>>
    %dma_wait3A_478 = tpu.memref_slice %arg6[%mul3A_354] : memref<1048576xf32, #tpu.memory_space<hbm>> -> memref<4096xf32, #tpu.memory_space<hbm>>
    %dma_wait3A_479 = tpu.memref_slice %arg6[%mul3A_354] : memref<1048576xf32, #tpu.memory_space<hbm>> -> memref<4096xf32, #tpu.memory_space<hbm>>
    %dma_wait3A_480 = arith.constant 8192 : i32
    %dma_wait3A_481 = tpu.memref_slice %arg13[%dma_wait3A_480] : memref<16384xf32, #tpu.memory_space<vmem>> -> memref<4096xf32, #tpu.memory_space<vmem>>
    tpu.wait_dma2 semaphore(%arg17 : memref<!tpu.dma_semaphore, #tpu.memory_space<semaphore_mem>>) src(%dma_wait3A_481 : memref<4096xf32, #tpu.memory_space<vmem>>) dst(%dma_wait3A_479 : memref<4096xf32, #tpu.memory_space<hbm>>)
    %dma_wait3A_482 = arith.constant 12288 : i32
    %dma_wait3A_483 = tpu.memref_slice %arg13[%dma_wait3A_482] : memref<16384xf32, #tpu.memory_space<vmem>> -> memref<4096xf32, #tpu.memory_space<vmem>>
    %dma_wait3A_484 = tpu.memref_slice %arg6[%mul3A_366] : memref<1048576xf32, #tpu.memory_space<hbm>> -> memref<4096xf32, #tpu.memory_space<hbm>>
    %dma_wait3A_485 = tpu.memref_slice %arg6[%mul3A_366] : memref<1048576xf32, #tpu.memory_space<hbm>> -> memref<4096xf32, #tpu.memory_space<hbm>>
    %dma_wait3A_486 = arith.constant 12288 : i32
    %dma_wait3A_487 = tpu.memref_slice %arg13[%dma_wait3A_486] : memref<16384xf32, #tpu.memory_space<vmem>> -> memref<4096xf32, #tpu.memory_space<vmem>>
    tpu.wait_dma2 semaphore(%arg17 : memref<!tpu.dma_semaphore, #tpu.memory_space<semaphore_mem>>) src(%dma_wait3A_487 : memref<4096xf32, #tpu.memory_space<vmem>>) dst(%dma_wait3A_485 : memref<4096xf32, #tpu.memory_space<hbm>>)
    %parallel_loop3A_488 = arith.constant 0 : i32
    %parallel_loop3A_489 = arith.constant 1024 : i32
    %parallel_loop3A_490 = arith.constant 1 : i32
    scf.for %parallel_loop3A_832 = %parallel_loop3A_488 to %parallel_loop3A_489 step %parallel_loop3A_490  : i32 {
      %parallel_loop3A_833 = arith.constant 5 : i32
      %parallel_loop3A_834 = arith.shrsi %parallel_loop3A_832, %parallel_loop3A_833 : i32
      %parallel_loop3A_835 = arith.constant 31 : i32
      %parallel_loop3A_836 = arith.andi %parallel_loop3A_832, %parallel_loop3A_835 : i32
      %parallel_loop3A_837 = arith.constant 16 : i32
      %parallel_loop3A_838 = arith.muli %parallel_loop3A_834, %parallel_loop3A_837 : i32
      %parallel_loop3A_839 = arith.constant 3 : i32
      %parallel_loop3A_840 = arith.constant 0 : i32
      %parallel_loop3A_841 = arith.constant 0 : i32
      %parallel_loop3A_842 = arith.index_cast %parallel_loop3A_839 : i32 to index
      %parallel_loop3A_843 = arith.index_cast %parallel_loop3A_840 : i32 to index
      %parallel_loop3A_844 = arith.index_cast %parallel_loop3A_841 : i32 to index
      %parallel_loop3A_845 = arith.index_cast %parallel_loop3A_838 : i32 to index
      %parallel_loop3A_846 = tpu.vector_load %arg10[%parallel_loop3A_842, %parallel_loop3A_843, %parallel_loop3A_844, %parallel_loop3A_845] {strides = array<i32>} : memref<5x1x1x512xi32, #tpu.memory_space<vmem>>, vector<16xi32>,
      %parallel_loop3A_847 = arith.constant 1024 : i32
      %parallel_loop3A_848 = arith.muli %parallel_loop3A_836, %parallel_loop3A_847 : i32
      %parallel_loop3A_849 = vector.broadcast %parallel_loop3A_848 : i32 to vector<16xi32>
      %parallel_loop3A_850 = arith.addi %parallel_loop3A_846, %parallel_loop3A_849 : vector<16xi32>
      %parallel_loop3A_851 = tpu.vector_load_idx %arg11[%parallel_loop3A_850] : memref<32768xf32, #tpu.memory_space<vmem>>[vector<16xi32>], vector<16xf32>,
      %parallel_loop3A_852 = arith.constant 3 : i32
      %parallel_loop3A_853 = arith.shrsi %parallel_loop3A_834, %parallel_loop3A_852 : i32
      %parallel_loop3A_854 = arith.constant 1024 : i32
      %parallel_loop3A_855 = arith.muli %parallel_loop3A_853, %parallel_loop3A_854 : i32
      %parallel_loop3A_856 = arith.constant 7 : i32
      %parallel_loop3A_857 = arith.andi %parallel_loop3A_834, %parallel_loop3A_856 : i32
      %parallel_loop3A_858 = arith.constant 16 : i32
      %parallel_loop3A_859 = arith.muli %parallel_loop3A_857, %parallel_loop3A_858 : i32
      %parallel_loop3A_860 = arith.addi %parallel_loop3A_855, %parallel_loop3A_859 : i32
      %parallel_loop3A_861 = arith.constant 3 : i32
      %parallel_loop3A_862 = arith.shrsi %parallel_loop3A_836, %parallel_loop3A_861 : i32
      %parallel_loop3A_863 = arith.constant 4096 : i32
      %parallel_loop3A_864 = arith.muli %parallel_loop3A_862, %parallel_loop3A_863 : i32
      %parallel_loop3A_865 = arith.constant 7 : i32
      %parallel_loop3A_866 = arith.andi %parallel_loop3A_836, %parallel_loop3A_865 : i32
      %parallel_loop3A_867 = arith.constant 128 : i32
      %parallel_loop3A_868 = arith.muli %parallel_loop3A_866, %parallel_loop3A_867 : i32
      %parallel_loop3A_869 = arith.addi %parallel_loop3A_864, %parallel_loop3A_868 : i32
      %parallel_loop3A_870 = arith.addi %parallel_loop3A_860, %parallel_loop3A_869 : i32
      %parallel_loop3A_871 = arith.index_cast %parallel_loop3A_870 : i32 to index
      %parallel_loop3A_872 = tpu.vector_load %arg13[%parallel_loop3A_871] {strides = array<i32>} : memref<16384xf32, #tpu.memory_space<vmem>>, vector<16xf32>,
      tpu.vector_store %arg13[%parallel_loop3A_871], %parallel_loop3A_851 {strides = array<i32>} : memref<16384xf32, #tpu.memory_space<vmem>>, vector<16xf32>,
    } {sc.loop_unroll_factor = 8 : i64, sc.parallel_access}
    %mul3A_491 = arith.constant 4 : i32
    %mul3A_492 = arith.muli %add3A, %mul3A_491 : i32
    %add3A_493 = arith.constant 0 : i32
    %add3A_494 = arith.addi %add3A_493, %mul3A_492 : i32
    %mul3A_495 = arith.constant 1024 : i32
    %mul3A_496 = arith.muli %add3A_494, %mul3A_495 : i32
    %dma_start3A_497 = arith.constant 0 : i32
    %dma_start3A_498 = tpu.memref_slice %arg13[%dma_start3A_497] : memref<16384xf32, #tpu.memory_space<vmem>> -> memref<4096xf32, #tpu.memory_space<vmem>>
    %dma_start3A_499 = tpu.memref_slice %arg7[%mul3A_496] : memref<1048576xf32, #tpu.memory_space<hbm>> -> memref<4096xf32, #tpu.memory_space<hbm>>
    %dma_start3A_500 = tpu.memref_slice %arg7[%mul3A_496] : memref<1048576xf32, #tpu.memory_space<hbm>> -> memref<4096xf32, #tpu.memory_space<hbm>>
    %dma_start3A_501 = arith.constant 0 : i32
    %dma_start3A_502 = tpu.memref_slice %arg13[%dma_start3A_501] : memref<16384xf32, #tpu.memory_space<vmem>> -> memref<4096xf32, #tpu.memory_space<vmem>>
    tpu.enqueue_dma source(%dma_start3A_502 : memref<4096xf32, #tpu.memory_space<vmem>>) target(%dma_start3A_500 : memref<4096xf32, #tpu.memory_space<hbm>>) target_semaphore(%arg17 : memref<!tpu.dma_semaphore, #tpu.memory_space<semaphore_mem>>)
    %mul3A_503 = arith.constant 4 : i32
    %mul3A_504 = arith.muli %add3A, %mul3A_503 : i32
    %add3A_505 = arith.constant 128 : i32
    %add3A_506 = arith.addi %add3A_505, %mul3A_504 : i32
    %mul3A_507 = arith.constant 1024 : i32
    %mul3A_508 = arith.muli %add3A_506, %mul3A_507 : i32
    %dma_start3A_509 = arith.constant 4096 : i32
    %dma_start3A_510 = tpu.memref_slice %arg13[%dma_start3A_509] : memref<16384xf32, #tpu.memory_space<vmem>> -> memref<4096xf32, #tpu.memory_space<vmem>>
    %dma_start3A_511 = tpu.memref_slice %arg7[%mul3A_508] : memref<1048576xf32, #tpu.memory_space<hbm>> -> memref<4096xf32, #tpu.memory_space<hbm>>
    %dma_start3A_512 = tpu.memref_slice %arg7[%mul3A_508] : memref<1048576xf32, #tpu.memory_space<hbm>> -> memref<4096xf32, #tpu.memory_space<hbm>>
    %dma_start3A_513 = arith.constant 4096 : i32
    %dma_start3A_514 = tpu.memref_slice %arg13[%dma_start3A_513] : memref<16384xf32, #tpu.memory_space<vmem>> -> memref<4096xf32, #tpu.memory_space<vmem>>
    tpu.enqueue_dma source(%dma_start3A_514 : memref<4096xf32, #tpu.memory_space<vmem>>) target(%dma_start3A_512 : memref<4096xf32, #tpu.memory_space<hbm>>) target_semaphore(%arg17 : memref<!tpu.dma_semaphore, #tpu.memory_space<semaphore_mem>>)
    %mul3A_515 = arith.constant 4 : i32
    %mul3A_516 = arith.muli %add3A, %mul3A_515 : i32
    %add3A_517 = arith.constant 256 : i32
    %add3A_518 = arith.addi %add3A_517, %mul3A_516 : i32
    %mul3A_519 = arith.constant 1024 : i32
    %mul3A_520 = arith.muli %add3A_518, %mul3A_519 : i32
    %dma_start3A_521 = arith.constant 8192 : i32
    %dma_start3A_522 = tpu.memref_slice %arg13[%dma_start3A_521] : memref<16384xf32, #tpu.memory_space<vmem>> -> memref<4096xf32, #tpu.memory_space<vmem>>
    %dma_start3A_523 = tpu.memref_slice %arg7[%mul3A_520] : memref<1048576xf32, #tpu.memory_space<hbm>> -> memref<4096xf32, #tpu.memory_space<hbm>>
    %dma_start3A_524 = tpu.memref_slice %arg7[%mul3A_520] : memref<1048576xf32, #tpu.memory_space<hbm>> -> memref<4096xf32, #tpu.memory_space<hbm>>
    %dma_start3A_525 = arith.constant 8192 : i32
    %dma_start3A_526 = tpu.memref_slice %arg13[%dma_start3A_525] : memref<16384xf32, #tpu.memory_space<vmem>> -> memref<4096xf32, #tpu.memory_space<vmem>>
    tpu.enqueue_dma source(%dma_start3A_526 : memref<4096xf32, #tpu.memory_space<vmem>>) target(%dma_start3A_524 : memref<4096xf32, #tpu.memory_space<hbm>>) target_semaphore(%arg17 : memref<!tpu.dma_semaphore, #tpu.memory_space<semaphore_mem>>)
    %mul3A_527 = arith.constant 4 : i32
    %mul3A_528 = arith.muli %add3A, %mul3A_527 : i32
    %add3A_529 = arith.constant 384 : i32
    %add3A_530 = arith.addi %add3A_529, %mul3A_528 : i32
    %mul3A_531 = arith.constant 1024 : i32
    %mul3A_532 = arith.muli %add3A_530, %mul3A_531 : i32
    %dma_start3A_533 = arith.constant 12288 : i32
    %dma_start3A_534 = tpu.memref_slice %arg13[%dma_start3A_533] : memref<16384xf32, #tpu.memory_space<vmem>> -> memref<4096xf32, #tpu.memory_space<vmem>>
    %dma_start3A_535 = tpu.memref_slice %arg7[%mul3A_532] : memref<1048576xf32, #tpu.memory_space<hbm>> -> memref<4096xf32, #tpu.memory_space<hbm>>
    %dma_start3A_536 = tpu.memref_slice %arg7[%mul3A_532] : memref<1048576xf32, #tpu.memory_space<hbm>> -> memref<4096xf32, #tpu.memory_space<hbm>>
    %dma_start3A_537 = arith.constant 12288 : i32
    %dma_start3A_538 = tpu.memref_slice %arg13[%dma_start3A_537] : memref<16384xf32, #tpu.memory_space<vmem>> -> memref<4096xf32, #tpu.memory_space<vmem>>
    tpu.enqueue_dma source(%dma_start3A_538 : memref<4096xf32, #tpu.memory_space<vmem>>) target(%dma_start3A_536 : memref<4096xf32, #tpu.memory_space<hbm>>) target_semaphore(%arg17 : memref<!tpu.dma_semaphore, #tpu.memory_space<semaphore_mem>>)
    %dma_start3A_539 = arith.constant 262144 : i32
    %dma_start3A_540 = tpu.memref_slice %arg9[%dma_start3A_539] : memref<327680xf32, #tpu.memory_space<vmem_shared>> -> memref<32768xf32, #tpu.memory_space<vmem_shared>>
    %dma_start3A_541 = arith.constant 262144 : i32
    %dma_start3A_542 = tpu.memref_slice %arg9[%dma_start3A_541] : memref<327680xf32, #tpu.memory_space<vmem_shared>> -> memref<32768xf32, #tpu.memory_space<vmem_shared>>
    tpu.enqueue_dma source(%dma_start3A_542 : memref<32768xf32, #tpu.memory_space<vmem_shared>>) target(%arg11 : memref<32768xf32, #tpu.memory_space<vmem>>) target_semaphore(%arg15 : memref<!tpu.dma_semaphore, #tpu.memory_space<semaphore_mem>>)
    %dma_wait3A_543 = arith.constant 229376 : i32
    %dma_wait3A_544 = tpu.memref_slice %arg9[%dma_wait3A_543] : memref<327680xf32, #tpu.memory_space<vmem_shared>> -> memref<32768xf32, #tpu.memory_space<vmem_shared>>
    %dma_wait3A_545 = arith.constant 229376 : i32
    %dma_wait3A_546 = tpu.memref_slice %arg9[%dma_wait3A_545] : memref<327680xf32, #tpu.memory_space<vmem_shared>> -> memref<32768xf32, #tpu.memory_space<vmem_shared>>
    tpu.wait_dma2 semaphore(%arg16 : memref<!tpu.dma_semaphore, #tpu.memory_space<semaphore_mem>>) src(%dma_wait3A_546 : memref<32768xf32, #tpu.memory_space<vmem_shared>>) dst(%arg12 : memref<32768xf32, #tpu.memory_space<vmem>>)
    %dma_wait3A_547 = arith.constant 0 : i32
    %dma_wait3A_548 = tpu.memref_slice %arg14[%dma_wait3A_547] : memref<16384xf32, #tpu.memory_space<vmem>> -> memref<4096xf32, #tpu.memory_space<vmem>>
    %dma_wait3A_549 = tpu.memref_slice %arg6[%mul3A_413] : memref<1048576xf32, #tpu.memory_space<hbm>> -> memref<4096xf32, #tpu.memory_space<hbm>>
    %dma_wait3A_550 = tpu.memref_slice %arg6[%mul3A_413] : memref<1048576xf32, #tpu.memory_space<hbm>> -> memref<4096xf32, #tpu.memory_space<hbm>>
    %dma_wait3A_551 = arith.constant 0 : i32
    %dma_wait3A_552 = tpu.memref_slice %arg14[%dma_wait3A_551] : memref<16384xf32, #tpu.memory_space<vmem>> -> memref<4096xf32, #tpu.memory_space<vmem>>
    tpu.wait_dma2 semaphore(%arg18 : memref<!tpu.dma_semaphore, #tpu.memory_space<semaphore_mem>>) src(%dma_wait3A_552 : memref<4096xf32, #tpu.memory_space<vmem>>) dst(%dma_wait3A_550 : memref<4096xf32, #tpu.memory_space<hbm>>)
    %dma_wait3A_553 = arith.constant 4096 : i32
    %dma_wait3A_554 = tpu.memref_slice %arg14[%dma_wait3A_553] : memref<16384xf32, #tpu.memory_space<vmem>> -> memref<4096xf32, #tpu.memory_space<vmem>>
    %dma_wait3A_555 = tpu.memref_slice %arg6[%mul3A_425] : memref<1048576xf32, #tpu.memory_space<hbm>> -> memref<4096xf32, #tpu.memory_space<hbm>>
    %dma_wait3A_556 = tpu.memref_slice %arg6[%mul3A_425] : memref<1048576xf32, #tpu.memory_space<hbm>> -> memref<4096xf32, #tpu.memory_space<hbm>>
    %dma_wait3A_557 = arith.constant 4096 : i32
    %dma_wait3A_558 = tpu.memref_slice %arg14[%dma_wait3A_557] : memref<16384xf32, #tpu.memory_space<vmem>> -> memref<4096xf32, #tpu.memory_space<vmem>>
    tpu.wait_dma2 semaphore(%arg18 : memref<!tpu.dma_semaphore, #tpu.memory_space<semaphore_mem>>) src(%dma_wait3A_558 : memref<4096xf32, #tpu.memory_space<vmem>>) dst(%dma_wait3A_556 : memref<4096xf32, #tpu.memory_space<hbm>>)
    %dma_wait3A_559 = arith.constant 8192 : i32
    %dma_wait3A_560 = tpu.memref_slice %arg14[%dma_wait3A_559] : memref<16384xf32, #tpu.memory_space<vmem>> -> memref<4096xf32, #tpu.memory_space<vmem>>
    %dma_wait3A_561 = tpu.memref_slice %arg6[%mul3A_437] : memref<1048576xf32, #tpu.memory_space<hbm>> -> memref<4096xf32, #tpu.memory_space<hbm>>
    %dma_wait3A_562 = tpu.memref_slice %arg6[%mul3A_437] : memref<1048576xf32, #tpu.memory_space<hbm>> -> memref<4096xf32, #tpu.memory_space<hbm>>
    %dma_wait3A_563 = arith.constant 8192 : i32
    %dma_wait3A_564 = tpu.memref_slice %arg14[%dma_wait3A_563] : memref<16384xf32, #tpu.memory_space<vmem>> -> memref<4096xf32, #tpu.memory_space<vmem>>
    tpu.wait_dma2 semaphore(%arg18 : memref<!tpu.dma_semaphore, #tpu.memory_space<semaphore_mem>>) src(%dma_wait3A_564 : memref<4096xf32, #tpu.memory_space<vmem>>) dst(%dma_wait3A_562 : memref<4096xf32, #tpu.memory_space<hbm>>)
    %dma_wait3A_565 = arith.constant 12288 : i32
    %dma_wait3A_566 = tpu.memref_slice %arg14[%dma_wait3A_565] : memref<16384xf32, #tpu.memory_space<vmem>> -> memref<4096xf32, #tpu.memory_space<vmem>>
    %dma_wait3A_567 = tpu.memref_slice %arg6[%mul3A_449] : memref<1048576xf32, #tpu.memory_space<hbm>> -> memref<4096xf32, #tpu.memory_space<hbm>>
    %dma_wait3A_568 = tpu.memref_slice %arg6[%mul3A_449] : memref<1048576xf32, #tpu.memory_space<hbm>> -> memref<4096xf32, #tpu.memory_space<hbm>>
    %dma_wait3A_569 = arith.constant 12288 : i32
    %dma_wait3A_570 = tpu.memref_slice %arg14[%dma_wait3A_569] : memref<16384xf32, #tpu.memory_space<vmem>> -> memref<4096xf32, #tpu.memory_space<vmem>>
    tpu.wait_dma2 semaphore(%arg18 : memref<!tpu.dma_semaphore, #tpu.memory_space<semaphore_mem>>) src(%dma_wait3A_570 : memref<4096xf32, #tpu.memory_space<vmem>>) dst(%dma_wait3A_568 : memref<4096xf32, #tpu.memory_space<hbm>>)
    %parallel_loop3A_571 = arith.constant 0 : i32
    %parallel_loop3A_572 = arith.constant 1024 : i32
    %parallel_loop3A_573 = arith.constant 1 : i32
    scf.for %parallel_loop3A_832 = %parallel_loop3A_571 to %parallel_loop3A_572 step %parallel_loop3A_573  : i32 {
      %parallel_loop3A_833 = arith.constant 5 : i32
      %parallel_loop3A_834 = arith.shrsi %parallel_loop3A_832, %parallel_loop3A_833 : i32
      %parallel_loop3A_835 = arith.constant 31 : i32
      %parallel_loop3A_836 = arith.andi %parallel_loop3A_832, %parallel_loop3A_835 : i32
      %parallel_loop3A_837 = arith.constant 16 : i32
      %parallel_loop3A_838 = arith.muli %parallel_loop3A_834, %parallel_loop3A_837 : i32
      %parallel_loop3A_839 = arith.constant 3 : i32
      %parallel_loop3A_840 = arith.constant 0 : i32
      %parallel_loop3A_841 = arith.constant 0 : i32
      %parallel_loop3A_842 = arith.index_cast %parallel_loop3A_839 : i32 to index
      %parallel_loop3A_843 = arith.index_cast %parallel_loop3A_840 : i32 to index
      %parallel_loop3A_844 = arith.index_cast %parallel_loop3A_841 : i32 to index
      %parallel_loop3A_845 = arith.index_cast %parallel_loop3A_838 : i32 to index
      %parallel_loop3A_846 = tpu.vector_load %arg10[%parallel_loop3A_842, %parallel_loop3A_843, %parallel_loop3A_844, %parallel_loop3A_845] {strides = array<i32>} : memref<5x1x1x512xi32, #tpu.memory_space<vmem>>, vector<16xi32>,
      %parallel_loop3A_847 = arith.constant 1024 : i32
      %parallel_loop3A_848 = arith.muli %parallel_loop3A_836, %parallel_loop3A_847 : i32
      %parallel_loop3A_849 = vector.broadcast %parallel_loop3A_848 : i32 to vector<16xi32>
      %parallel_loop3A_850 = arith.addi %parallel_loop3A_846, %parallel_loop3A_849 : vector<16xi32>
      %parallel_loop3A_851 = tpu.vector_load_idx %arg12[%parallel_loop3A_850] : memref<32768xf32, #tpu.memory_space<vmem>>[vector<16xi32>], vector<16xf32>,
      %parallel_loop3A_852 = arith.constant 3 : i32
      %parallel_loop3A_853 = arith.shrsi %parallel_loop3A_834, %parallel_loop3A_852 : i32
      %parallel_loop3A_854 = arith.constant 1024 : i32
      %parallel_loop3A_855 = arith.muli %parallel_loop3A_853, %parallel_loop3A_854 : i32
      %parallel_loop3A_856 = arith.constant 7 : i32
      %parallel_loop3A_857 = arith.andi %parallel_loop3A_834, %parallel_loop3A_856 : i32
      %parallel_loop3A_858 = arith.constant 16 : i32
      %parallel_loop3A_859 = arith.muli %parallel_loop3A_857, %parallel_loop3A_858 : i32
      %parallel_loop3A_860 = arith.addi %parallel_loop3A_855, %parallel_loop3A_859 : i32
      %parallel_loop3A_861 = arith.constant 3 : i32
      %parallel_loop3A_862 = arith.shrsi %parallel_loop3A_836, %parallel_loop3A_861 : i32
      %parallel_loop3A_863 = arith.constant 4096 : i32
      %parallel_loop3A_864 = arith.muli %parallel_loop3A_862, %parallel_loop3A_863 : i32
      %parallel_loop3A_865 = arith.constant 7 : i32
      %parallel_loop3A_866 = arith.andi %parallel_loop3A_836, %parallel_loop3A_865 : i32
      %parallel_loop3A_867 = arith.constant 128 : i32
      %parallel_loop3A_868 = arith.muli %parallel_loop3A_866, %parallel_loop3A_867 : i32
      %parallel_loop3A_869 = arith.addi %parallel_loop3A_864, %parallel_loop3A_868 : i32
      %parallel_loop3A_870 = arith.addi %parallel_loop3A_860, %parallel_loop3A_869 : i32
      %parallel_loop3A_871 = arith.index_cast %parallel_loop3A_870 : i32 to index
      %parallel_loop3A_872 = tpu.vector_load %arg14[%parallel_loop3A_871] {strides = array<i32>} : memref<16384xf32, #tpu.memory_space<vmem>>, vector<16xf32>,
      tpu.vector_store %arg14[%parallel_loop3A_871], %parallel_loop3A_851 {strides = array<i32>} : memref<16384xf32, #tpu.memory_space<vmem>>, vector<16xf32>,
    } {sc.loop_unroll_factor = 8 : i64, sc.parallel_access}
    %mul3A_574 = arith.constant 4 : i32
    %mul3A_575 = arith.muli %add3A, %mul3A_574 : i32
    %add3A_576 = arith.constant 512 : i32
    %add3A_577 = arith.addi %add3A_576, %mul3A_575 : i32
    %mul3A_578 = arith.constant 1024 : i32
    %mul3A_579 = arith.muli %add3A_577, %mul3A_578 : i32
    %dma_start3A_580 = arith.constant 0 : i32
    %dma_start3A_581 = tpu.memref_slice %arg14[%dma_start3A_580] : memref<16384xf32, #tpu.memory_space<vmem>> -> memref<4096xf32, #tpu.memory_space<vmem>>
    %dma_start3A_582 = tpu.memref_slice %arg7[%mul3A_579] : memref<1048576xf32, #tpu.memory_space<hbm>> -> memref<4096xf32, #tpu.memory_space<hbm>>
    %dma_start3A_583 = tpu.memref_slice %arg7[%mul3A_579] : memref<1048576xf32, #tpu.memory_space<hbm>> -> memref<4096xf32, #tpu.memory_space<hbm>>
    %dma_start3A_584 = arith.constant 0 : i32
    %dma_start3A_585 = tpu.memref_slice %arg14[%dma_start3A_584] : memref<16384xf32, #tpu.memory_space<vmem>> -> memref<4096xf32, #tpu.memory_space<vmem>>
    tpu.enqueue_dma source(%dma_start3A_585 : memref<4096xf32, #tpu.memory_space<vmem>>) target(%dma_start3A_583 : memref<4096xf32, #tpu.memory_space<hbm>>) target_semaphore(%arg18 : memref<!tpu.dma_semaphore, #tpu.memory_space<semaphore_mem>>)
    %mul3A_586 = arith.constant 4 : i32
    %mul3A_587 = arith.muli %add3A, %mul3A_586 : i32
    %add3A_588 = arith.constant 640 : i32
    %add3A_589 = arith.addi %add3A_588, %mul3A_587 : i32
    %mul3A_590 = arith.constant 1024 : i32
    %mul3A_591 = arith.muli %add3A_589, %mul3A_590 : i32
    %dma_start3A_592 = arith.constant 4096 : i32
    %dma_start3A_593 = tpu.memref_slice %arg14[%dma_start3A_592] : memref<16384xf32, #tpu.memory_space<vmem>> -> memref<4096xf32, #tpu.memory_space<vmem>>
    %dma_start3A_594 = tpu.memref_slice %arg7[%mul3A_591] : memref<1048576xf32, #tpu.memory_space<hbm>> -> memref<4096xf32, #tpu.memory_space<hbm>>
    %dma_start3A_595 = tpu.memref_slice %arg7[%mul3A_591] : memref<1048576xf32, #tpu.memory_space<hbm>> -> memref<4096xf32, #tpu.memory_space<hbm>>
    %dma_start3A_596 = arith.constant 4096 : i32
    %dma_start3A_597 = tpu.memref_slice %arg14[%dma_start3A_596] : memref<16384xf32, #tpu.memory_space<vmem>> -> memref<4096xf32, #tpu.memory_space<vmem>>
    tpu.enqueue_dma source(%dma_start3A_597 : memref<4096xf32, #tpu.memory_space<vmem>>) target(%dma_start3A_595 : memref<4096xf32, #tpu.memory_space<hbm>>) target_semaphore(%arg18 : memref<!tpu.dma_semaphore, #tpu.memory_space<semaphore_mem>>)
    %mul3A_598 = arith.constant 4 : i32
    %mul3A_599 = arith.muli %add3A, %mul3A_598 : i32
    %add3A_600 = arith.constant 768 : i32
    %add3A_601 = arith.addi %add3A_600, %mul3A_599 : i32
    %mul3A_602 = arith.constant 1024 : i32
    %mul3A_603 = arith.muli %add3A_601, %mul3A_602 : i32
    %dma_start3A_604 = arith.constant 8192 : i32
    %dma_start3A_605 = tpu.memref_slice %arg14[%dma_start3A_604] : memref<16384xf32, #tpu.memory_space<vmem>> -> memref<4096xf32, #tpu.memory_space<vmem>>
    %dma_start3A_606 = tpu.memref_slice %arg7[%mul3A_603] : memref<1048576xf32, #tpu.memory_space<hbm>> -> memref<4096xf32, #tpu.memory_space<hbm>>
    %dma_start3A_607 = tpu.memref_slice %arg7[%mul3A_603] : memref<1048576xf32, #tpu.memory_space<hbm>> -> memref<4096xf32, #tpu.memory_space<hbm>>
    %dma_start3A_608 = arith.constant 8192 : i32
    %dma_start3A_609 = tpu.memref_slice %arg14[%dma_start3A_608] : memref<16384xf32, #tpu.memory_space<vmem>> -> memref<4096xf32, #tpu.memory_space<vmem>>
    tpu.enqueue_dma source(%dma_start3A_609 : memref<4096xf32, #tpu.memory_space<vmem>>) target(%dma_start3A_607 : memref<4096xf32, #tpu.memory_space<hbm>>) target_semaphore(%arg18 : memref<!tpu.dma_semaphore, #tpu.memory_space<semaphore_mem>>)
    %mul3A_610 = arith.constant 4 : i32
    %mul3A_611 = arith.muli %add3A, %mul3A_610 : i32
    %add3A_612 = arith.constant 896 : i32
    %add3A_613 = arith.addi %add3A_612, %mul3A_611 : i32
    %mul3A_614 = arith.constant 1024 : i32
    %mul3A_615 = arith.muli %add3A_613, %mul3A_614 : i32
    %dma_start3A_616 = arith.constant 12288 : i32
    %dma_start3A_617 = tpu.memref_slice %arg14[%dma_start3A_616] : memref<16384xf32, #tpu.memory_space<vmem>> -> memref<4096xf32, #tpu.memory_space<vmem>>
    %dma_start3A_618 = tpu.memref_slice %arg7[%mul3A_615] : memref<1048576xf32, #tpu.memory_space<hbm>> -> memref<4096xf32, #tpu.memory_space<hbm>>
    %dma_start3A_619 = tpu.memref_slice %arg7[%mul3A_615] : memref<1048576xf32, #tpu.memory_space<hbm>> -> memref<4096xf32, #tpu.memory_space<hbm>>
    %dma_start3A_620 = arith.constant 12288 : i32
    %dma_start3A_621 = tpu.memref_slice %arg14[%dma_start3A_620] : memref<16384xf32, #tpu.memory_space<vmem>> -> memref<4096xf32, #tpu.memory_space<vmem>>
    tpu.enqueue_dma source(%dma_start3A_621 : memref<4096xf32, #tpu.memory_space<vmem>>) target(%dma_start3A_619 : memref<4096xf32, #tpu.memory_space<hbm>>) target_semaphore(%arg18 : memref<!tpu.dma_semaphore, #tpu.memory_space<semaphore_mem>>)
    %dma_start3A_622 = arith.constant 294912 : i32
    %dma_start3A_623 = tpu.memref_slice %arg9[%dma_start3A_622] : memref<327680xf32, #tpu.memory_space<vmem_shared>> -> memref<32768xf32, #tpu.memory_space<vmem_shared>>
    %dma_start3A_624 = arith.constant 294912 : i32
    %dma_start3A_625 = tpu.memref_slice %arg9[%dma_start3A_624] : memref<327680xf32, #tpu.memory_space<vmem_shared>> -> memref<32768xf32, #tpu.memory_space<vmem_shared>>
    tpu.enqueue_dma source(%dma_start3A_625 : memref<32768xf32, #tpu.memory_space<vmem_shared>>) target(%arg12 : memref<32768xf32, #tpu.memory_space<vmem>>) target_semaphore(%arg16 : memref<!tpu.dma_semaphore, #tpu.memory_space<semaphore_mem>>)
    %dma_wait3A_626 = arith.constant 262144 : i32
    %dma_wait3A_627 = tpu.memref_slice %arg9[%dma_wait3A_626] : memref<327680xf32, #tpu.memory_space<vmem_shared>> -> memref<32768xf32, #tpu.memory_space<vmem_shared>>
    %dma_wait3A_628 = arith.constant 262144 : i32
    %dma_wait3A_629 = tpu.memref_slice %arg9[%dma_wait3A_628] : memref<327680xf32, #tpu.memory_space<vmem_shared>> -> memref<32768xf32, #tpu.memory_space<vmem_shared>>
    tpu.wait_dma2 semaphore(%arg15 : memref<!tpu.dma_semaphore, #tpu.memory_space<semaphore_mem>>) src(%dma_wait3A_629 : memref<32768xf32, #tpu.memory_space<vmem_shared>>) dst(%arg11 : memref<32768xf32, #tpu.memory_space<vmem>>)
    %dma_wait3A_630 = arith.constant 0 : i32
    %dma_wait3A_631 = tpu.memref_slice %arg13[%dma_wait3A_630] : memref<16384xf32, #tpu.memory_space<vmem>> -> memref<4096xf32, #tpu.memory_space<vmem>>
    %dma_wait3A_632 = tpu.memref_slice %arg7[%mul3A_496] : memref<1048576xf32, #tpu.memory_space<hbm>> -> memref<4096xf32, #tpu.memory_space<hbm>>
    %dma_wait3A_633 = tpu.memref_slice %arg7[%mul3A_496] : memref<1048576xf32, #tpu.memory_space<hbm>> -> memref<4096xf32, #tpu.memory_space<hbm>>
    %dma_wait3A_634 = arith.constant 0 : i32
    %dma_wait3A_635 = tpu.memref_slice %arg13[%dma_wait3A_634] : memref<16384xf32, #tpu.memory_space<vmem>> -> memref<4096xf32, #tpu.memory_space<vmem>>
    tpu.wait_dma2 semaphore(%arg17 : memref<!tpu.dma_semaphore, #tpu.memory_space<semaphore_mem>>) src(%dma_wait3A_635 : memref<4096xf32, #tpu.memory_space<vmem>>) dst(%dma_wait3A_633 : memref<4096xf32, #tpu.memory_space<hbm>>)
    %dma_wait3A_636 = arith.constant 4096 : i32
    %dma_wait3A_637 = tpu.memref_slice %arg13[%dma_wait3A_636] : memref<16384xf32, #tpu.memory_space<vmem>> -> memref<4096xf32, #tpu.memory_space<vmem>>
    %dma_wait3A_638 = tpu.memref_slice %arg7[%mul3A_508] : memref<1048576xf32, #tpu.memory_space<hbm>> -> memref<4096xf32, #tpu.memory_space<hbm>>
    %dma_wait3A_639 = tpu.memref_slice %arg7[%mul3A_508] : memref<1048576xf32, #tpu.memory_space<hbm>> -> memref<4096xf32, #tpu.memory_space<hbm>>
    %dma_wait3A_640 = arith.constant 4096 : i32
    %dma_wait3A_641 = tpu.memref_slice %arg13[%dma_wait3A_640] : memref<16384xf32, #tpu.memory_space<vmem>> -> memref<4096xf32, #tpu.memory_space<vmem>>
    tpu.wait_dma2 semaphore(%arg17 : memref<!tpu.dma_semaphore, #tpu.memory_space<semaphore_mem>>) src(%dma_wait3A_641 : memref<4096xf32, #tpu.memory_space<vmem>>) dst(%dma_wait3A_639 : memref<4096xf32, #tpu.memory_space<hbm>>)
    %dma_wait3A_642 = arith.constant 8192 : i32
    %dma_wait3A_643 = tpu.memref_slice %arg13[%dma_wait3A_642] : memref<16384xf32, #tpu.memory_space<vmem>> -> memref<4096xf32, #tpu.memory_space<vmem>>
    %dma_wait3A_644 = tpu.memref_slice %arg7[%mul3A_520] : memref<1048576xf32, #tpu.memory_space<hbm>> -> memref<4096xf32, #tpu.memory_space<hbm>>
    %dma_wait3A_645 = tpu.memref_slice %arg7[%mul3A_520] : memref<1048576xf32, #tpu.memory_space<hbm>> -> memref<4096xf32, #tpu.memory_space<hbm>>
    %dma_wait3A_646 = arith.constant 8192 : i32
    %dma_wait3A_647 = tpu.memref_slice %arg13[%dma_wait3A_646] : memref<16384xf32, #tpu.memory_space<vmem>> -> memref<4096xf32, #tpu.memory_space<vmem>>
    tpu.wait_dma2 semaphore(%arg17 : memref<!tpu.dma_semaphore, #tpu.memory_space<semaphore_mem>>) src(%dma_wait3A_647 : memref<4096xf32, #tpu.memory_space<vmem>>) dst(%dma_wait3A_645 : memref<4096xf32, #tpu.memory_space<hbm>>)
    %dma_wait3A_648 = arith.constant 12288 : i32
    %dma_wait3A_649 = tpu.memref_slice %arg13[%dma_wait3A_648] : memref<16384xf32, #tpu.memory_space<vmem>> -> memref<4096xf32, #tpu.memory_space<vmem>>
    %dma_wait3A_650 = tpu.memref_slice %arg7[%mul3A_532] : memref<1048576xf32, #tpu.memory_space<hbm>> -> memref<4096xf32, #tpu.memory_space<hbm>>
    %dma_wait3A_651 = tpu.memref_slice %arg7[%mul3A_532] : memref<1048576xf32, #tpu.memory_space<hbm>> -> memref<4096xf32, #tpu.memory_space<hbm>>
    %dma_wait3A_652 = arith.constant 12288 : i32
    %dma_wait3A_653 = tpu.memref_slice %arg13[%dma_wait3A_652] : memref<16384xf32, #tpu.memory_space<vmem>> -> memref<4096xf32, #tpu.memory_space<vmem>>
    tpu.wait_dma2 semaphore(%arg17 : memref<!tpu.dma_semaphore, #tpu.memory_space<semaphore_mem>>) src(%dma_wait3A_653 : memref<4096xf32, #tpu.memory_space<vmem>>) dst(%dma_wait3A_651 : memref<4096xf32, #tpu.memory_space<hbm>>)
    %parallel_loop3A_654 = arith.constant 0 : i32
    %parallel_loop3A_655 = arith.constant 1024 : i32
    %parallel_loop3A_656 = arith.constant 1 : i32
    scf.for %parallel_loop3A_832 = %parallel_loop3A_654 to %parallel_loop3A_655 step %parallel_loop3A_656  : i32 {
      %parallel_loop3A_833 = arith.constant 5 : i32
      %parallel_loop3A_834 = arith.shrsi %parallel_loop3A_832, %parallel_loop3A_833 : i32
      %parallel_loop3A_835 = arith.constant 31 : i32
      %parallel_loop3A_836 = arith.andi %parallel_loop3A_832, %parallel_loop3A_835 : i32
      %parallel_loop3A_837 = arith.constant 16 : i32
      %parallel_loop3A_838 = arith.muli %parallel_loop3A_834, %parallel_loop3A_837 : i32
      %parallel_loop3A_839 = arith.constant 4 : i32
      %parallel_loop3A_840 = arith.constant 0 : i32
      %parallel_loop3A_841 = arith.constant 0 : i32
      %parallel_loop3A_842 = arith.index_cast %parallel_loop3A_839 : i32 to index
      %parallel_loop3A_843 = arith.index_cast %parallel_loop3A_840 : i32 to index
      %parallel_loop3A_844 = arith.index_cast %parallel_loop3A_841 : i32 to index
      %parallel_loop3A_845 = arith.index_cast %parallel_loop3A_838 : i32 to index
      %parallel_loop3A_846 = tpu.vector_load %arg10[%parallel_loop3A_842, %parallel_loop3A_843, %parallel_loop3A_844, %parallel_loop3A_845] {strides = array<i32>} : memref<5x1x1x512xi32, #tpu.memory_space<vmem>>, vector<16xi32>,
      %parallel_loop3A_847 = arith.constant 1024 : i32
      %parallel_loop3A_848 = arith.muli %parallel_loop3A_836, %parallel_loop3A_847 : i32
      %parallel_loop3A_849 = vector.broadcast %parallel_loop3A_848 : i32 to vector<16xi32>
      %parallel_loop3A_850 = arith.addi %parallel_loop3A_846, %parallel_loop3A_849 : vector<16xi32>
      %parallel_loop3A_851 = tpu.vector_load_idx %arg11[%parallel_loop3A_850] : memref<32768xf32, #tpu.memory_space<vmem>>[vector<16xi32>], vector<16xf32>,
      %parallel_loop3A_852 = arith.constant 3 : i32
      %parallel_loop3A_853 = arith.shrsi %parallel_loop3A_834, %parallel_loop3A_852 : i32
      %parallel_loop3A_854 = arith.constant 1024 : i32
      %parallel_loop3A_855 = arith.muli %parallel_loop3A_853, %parallel_loop3A_854 : i32
      %parallel_loop3A_856 = arith.constant 7 : i32
      %parallel_loop3A_857 = arith.andi %parallel_loop3A_834, %parallel_loop3A_856 : i32
      %parallel_loop3A_858 = arith.constant 16 : i32
      %parallel_loop3A_859 = arith.muli %parallel_loop3A_857, %parallel_loop3A_858 : i32
      %parallel_loop3A_860 = arith.addi %parallel_loop3A_855, %parallel_loop3A_859 : i32
      %parallel_loop3A_861 = arith.constant 3 : i32
      %parallel_loop3A_862 = arith.shrsi %parallel_loop3A_836, %parallel_loop3A_861 : i32
      %parallel_loop3A_863 = arith.constant 4096 : i32
      %parallel_loop3A_864 = arith.muli %parallel_loop3A_862, %parallel_loop3A_863 : i32
      %parallel_loop3A_865 = arith.constant 7 : i32
      %parallel_loop3A_866 = arith.andi %parallel_loop3A_836, %parallel_loop3A_865 : i32
      %parallel_loop3A_867 = arith.constant 128 : i32
      %parallel_loop3A_868 = arith.muli %parallel_loop3A_866, %parallel_loop3A_867 : i32
      %parallel_loop3A_869 = arith.addi %parallel_loop3A_864, %parallel_loop3A_868 : i32
      %parallel_loop3A_870 = arith.addi %parallel_loop3A_860, %parallel_loop3A_869 : i32
      %parallel_loop3A_871 = arith.index_cast %parallel_loop3A_870 : i32 to index
      %parallel_loop3A_872 = tpu.vector_load %arg13[%parallel_loop3A_871] {strides = array<i32>} : memref<16384xf32, #tpu.memory_space<vmem>>, vector<16xf32>,
      tpu.vector_store %arg13[%parallel_loop3A_871], %parallel_loop3A_851 {strides = array<i32>} : memref<16384xf32, #tpu.memory_space<vmem>>, vector<16xf32>,
    } {sc.loop_unroll_factor = 8 : i64, sc.parallel_access}
    %mul3A_657 = arith.constant 4 : i32
    %mul3A_658 = arith.muli %add3A, %mul3A_657 : i32
    %add3A_659 = arith.constant 0 : i32
    %add3A_660 = arith.addi %add3A_659, %mul3A_658 : i32
    %mul3A_661 = arith.constant 1024 : i32
    %mul3A_662 = arith.muli %add3A_660, %mul3A_661 : i32
    %dma_start3A_663 = arith.constant 0 : i32
    %dma_start3A_664 = tpu.memref_slice %arg13[%dma_start3A_663] : memref<16384xf32, #tpu.memory_space<vmem>> -> memref<4096xf32, #tpu.memory_space<vmem>>
    %dma_start3A_665 = tpu.memref_slice %arg8[%mul3A_662] : memref<1048576xf32, #tpu.memory_space<hbm>> -> memref<4096xf32, #tpu.memory_space<hbm>>
    %dma_start3A_666 = tpu.memref_slice %arg8[%mul3A_662] : memref<1048576xf32, #tpu.memory_space<hbm>> -> memref<4096xf32, #tpu.memory_space<hbm>>
    %dma_start3A_667 = arith.constant 0 : i32
    %dma_start3A_668 = tpu.memref_slice %arg13[%dma_start3A_667] : memref<16384xf32, #tpu.memory_space<vmem>> -> memref<4096xf32, #tpu.memory_space<vmem>>
    tpu.enqueue_dma source(%dma_start3A_668 : memref<4096xf32, #tpu.memory_space<vmem>>) target(%dma_start3A_666 : memref<4096xf32, #tpu.memory_space<hbm>>) target_semaphore(%arg17 : memref<!tpu.dma_semaphore, #tpu.memory_space<semaphore_mem>>)
    %mul3A_669 = arith.constant 4 : i32
    %mul3A_670 = arith.muli %add3A, %mul3A_669 : i32
    %add3A_671 = arith.constant 128 : i32
    %add3A_672 = arith.addi %add3A_671, %mul3A_670 : i32
    %mul3A_673 = arith.constant 1024 : i32
    %mul3A_674 = arith.muli %add3A_672, %mul3A_673 : i32
    %dma_start3A_675 = arith.constant 4096 : i32
    %dma_start3A_676 = tpu.memref_slice %arg13[%dma_start3A_675] : memref<16384xf32, #tpu.memory_space<vmem>> -> memref<4096xf32, #tpu.memory_space<vmem>>
    %dma_start3A_677 = tpu.memref_slice %arg8[%mul3A_674] : memref<1048576xf32, #tpu.memory_space<hbm>> -> memref<4096xf32, #tpu.memory_space<hbm>>
    %dma_start3A_678 = tpu.memref_slice %arg8[%mul3A_674] : memref<1048576xf32, #tpu.memory_space<hbm>> -> memref<4096xf32, #tpu.memory_space<hbm>>
    %dma_start3A_679 = arith.constant 4096 : i32
    %dma_start3A_680 = tpu.memref_slice %arg13[%dma_start3A_679] : memref<16384xf32, #tpu.memory_space<vmem>> -> memref<4096xf32, #tpu.memory_space<vmem>>
    tpu.enqueue_dma source(%dma_start3A_680 : memref<4096xf32, #tpu.memory_space<vmem>>) target(%dma_start3A_678 : memref<4096xf32, #tpu.memory_space<hbm>>) target_semaphore(%arg17 : memref<!tpu.dma_semaphore, #tpu.memory_space<semaphore_mem>>)
    %mul3A_681 = arith.constant 4 : i32
    %mul3A_682 = arith.muli %add3A, %mul3A_681 : i32
    %add3A_683 = arith.constant 256 : i32
    %add3A_684 = arith.addi %add3A_683, %mul3A_682 : i32
    %mul3A_685 = arith.constant 1024 : i32
    %mul3A_686 = arith.muli %add3A_684, %mul3A_685 : i32
    %dma_start3A_687 = arith.constant 8192 : i32
    %dma_start3A_688 = tpu.memref_slice %arg13[%dma_start3A_687] : memref<16384xf32, #tpu.memory_space<vmem>> -> memref<4096xf32, #tpu.memory_space<vmem>>
    %dma_start3A_689 = tpu.memref_slice %arg8[%mul3A_686] : memref<1048576xf32, #tpu.memory_space<hbm>> -> memref<4096xf32, #tpu.memory_space<hbm>>
    %dma_start3A_690 = tpu.memref_slice %arg8[%mul3A_686] : memref<1048576xf32, #tpu.memory_space<hbm>> -> memref<4096xf32, #tpu.memory_space<hbm>>
    %dma_start3A_691 = arith.constant 8192 : i32
    %dma_start3A_692 = tpu.memref_slice %arg13[%dma_start3A_691] : memref<16384xf32, #tpu.memory_space<vmem>> -> memref<4096xf32, #tpu.memory_space<vmem>>
    tpu.enqueue_dma source(%dma_start3A_692 : memref<4096xf32, #tpu.memory_space<vmem>>) target(%dma_start3A_690 : memref<4096xf32, #tpu.memory_space<hbm>>) target_semaphore(%arg17 : memref<!tpu.dma_semaphore, #tpu.memory_space<semaphore_mem>>)
    %mul3A_693 = arith.constant 4 : i32
    %mul3A_694 = arith.muli %add3A, %mul3A_693 : i32
    %add3A_695 = arith.constant 384 : i32
    %add3A_696 = arith.addi %add3A_695, %mul3A_694 : i32
    %mul3A_697 = arith.constant 1024 : i32
    %mul3A_698 = arith.muli %add3A_696, %mul3A_697 : i32
    %dma_start3A_699 = arith.constant 12288 : i32
    %dma_start3A_700 = tpu.memref_slice %arg13[%dma_start3A_699] : memref<16384xf32, #tpu.memory_space<vmem>> -> memref<4096xf32, #tpu.memory_space<vmem>>
    %dma_start3A_701 = tpu.memref_slice %arg8[%mul3A_698] : memref<1048576xf32, #tpu.memory_space<hbm>> -> memref<4096xf32, #tpu.memory_space<hbm>>
    %dma_start3A_702 = tpu.memref_slice %arg8[%mul3A_698] : memref<1048576xf32, #tpu.memory_space<hbm>> -> memref<4096xf32, #tpu.memory_space<hbm>>
    %dma_start3A_703 = arith.constant 12288 : i32
    %dma_start3A_704 = tpu.memref_slice %arg13[%dma_start3A_703] : memref<16384xf32, #tpu.memory_space<vmem>> -> memref<4096xf32, #tpu.memory_space<vmem>>
    tpu.enqueue_dma source(%dma_start3A_704 : memref<4096xf32, #tpu.memory_space<vmem>>) target(%dma_start3A_702 : memref<4096xf32, #tpu.memory_space<hbm>>) target_semaphore(%arg17 : memref<!tpu.dma_semaphore, #tpu.memory_space<semaphore_mem>>)
    %dma_wait3A_705 = arith.constant 294912 : i32
    %dma_wait3A_706 = tpu.memref_slice %arg9[%dma_wait3A_705] : memref<327680xf32, #tpu.memory_space<vmem_shared>> -> memref<32768xf32, #tpu.memory_space<vmem_shared>>
    %dma_wait3A_707 = arith.constant 294912 : i32
    %dma_wait3A_708 = tpu.memref_slice %arg9[%dma_wait3A_707] : memref<327680xf32, #tpu.memory_space<vmem_shared>> -> memref<32768xf32, #tpu.memory_space<vmem_shared>>
    tpu.wait_dma2 semaphore(%arg16 : memref<!tpu.dma_semaphore, #tpu.memory_space<semaphore_mem>>) src(%dma_wait3A_708 : memref<32768xf32, #tpu.memory_space<vmem_shared>>) dst(%arg12 : memref<32768xf32, #tpu.memory_space<vmem>>)
    %dma_wait3A_709 = arith.constant 0 : i32
    %dma_wait3A_710 = tpu.memref_slice %arg14[%dma_wait3A_709] : memref<16384xf32, #tpu.memory_space<vmem>> -> memref<4096xf32, #tpu.memory_space<vmem>>
    %dma_wait3A_711 = tpu.memref_slice %arg7[%mul3A_579] : memref<1048576xf32, #tpu.memory_space<hbm>> -> memref<4096xf32, #tpu.memory_space<hbm>>
    %dma_wait3A_712 = tpu.memref_slice %arg7[%mul3A_579] : memref<1048576xf32, #tpu.memory_space<hbm>> -> memref<4096xf32, #tpu.memory_space<hbm>>
    %dma_wait3A_713 = arith.constant 0 : i32
    %dma_wait3A_714 = tpu.memref_slice %arg14[%dma_wait3A_713] : memref<16384xf32, #tpu.memory_space<vmem>> -> memref<4096xf32, #tpu.memory_space<vmem>>
    tpu.wait_dma2 semaphore(%arg18 : memref<!tpu.dma_semaphore, #tpu.memory_space<semaphore_mem>>) src(%dma_wait3A_714 : memref<4096xf32, #tpu.memory_space<vmem>>) dst(%dma_wait3A_712 : memref<4096xf32, #tpu.memory_space<hbm>>)
    %dma_wait3A_715 = arith.constant 4096 : i32
    %dma_wait3A_716 = tpu.memref_slice %arg14[%dma_wait3A_715] : memref<16384xf32, #tpu.memory_space<vmem>> -> memref<4096xf32, #tpu.memory_space<vmem>>
    %dma_wait3A_717 = tpu.memref_slice %arg7[%mul3A_591] : memref<1048576xf32, #tpu.memory_space<hbm>> -> memref<4096xf32, #tpu.memory_space<hbm>>
    %dma_wait3A_718 = tpu.memref_slice %arg7[%mul3A_591] : memref<1048576xf32, #tpu.memory_space<hbm>> -> memref<4096xf32, #tpu.memory_space<hbm>>
    %dma_wait3A_719 = arith.constant 4096 : i32
    %dma_wait3A_720 = tpu.memref_slice %arg14[%dma_wait3A_719] : memref<16384xf32, #tpu.memory_space<vmem>> -> memref<4096xf32, #tpu.memory_space<vmem>>
    tpu.wait_dma2 semaphore(%arg18 : memref<!tpu.dma_semaphore, #tpu.memory_space<semaphore_mem>>) src(%dma_wait3A_720 : memref<4096xf32, #tpu.memory_space<vmem>>) dst(%dma_wait3A_718 : memref<4096xf32, #tpu.memory_space<hbm>>)
    %dma_wait3A_721 = arith.constant 8192 : i32
    %dma_wait3A_722 = tpu.memref_slice %arg14[%dma_wait3A_721] : memref<16384xf32, #tpu.memory_space<vmem>> -> memref<4096xf32, #tpu.memory_space<vmem>>
    %dma_wait3A_723 = tpu.memref_slice %arg7[%mul3A_603] : memref<1048576xf32, #tpu.memory_space<hbm>> -> memref<4096xf32, #tpu.memory_space<hbm>>
    %dma_wait3A_724 = tpu.memref_slice %arg7[%mul3A_603] : memref<1048576xf32, #tpu.memory_space<hbm>> -> memref<4096xf32, #tpu.memory_space<hbm>>
    %dma_wait3A_725 = arith.constant 8192 : i32
    %dma_wait3A_726 = tpu.memref_slice %arg14[%dma_wait3A_725] : memref<16384xf32, #tpu.memory_space<vmem>> -> memref<4096xf32, #tpu.memory_space<vmem>>
    tpu.wait_dma2 semaphore(%arg18 : memref<!tpu.dma_semaphore, #tpu.memory_space<semaphore_mem>>) src(%dma_wait3A_726 : memref<4096xf32, #tpu.memory_space<vmem>>) dst(%dma_wait3A_724 : memref<4096xf32, #tpu.memory_space<hbm>>)
    %dma_wait3A_727 = arith.constant 12288 : i32
    %dma_wait3A_728 = tpu.memref_slice %arg14[%dma_wait3A_727] : memref<16384xf32, #tpu.memory_space<vmem>> -> memref<4096xf32, #tpu.memory_space<vmem>>
    %dma_wait3A_729 = tpu.memref_slice %arg7[%mul3A_615] : memref<1048576xf32, #tpu.memory_space<hbm>> -> memref<4096xf32, #tpu.memory_space<hbm>>
    %dma_wait3A_730 = tpu.memref_slice %arg7[%mul3A_615] : memref<1048576xf32, #tpu.memory_space<hbm>> -> memref<4096xf32, #tpu.memory_space<hbm>>
    %dma_wait3A_731 = arith.constant 12288 : i32
    %dma_wait3A_732 = tpu.memref_slice %arg14[%dma_wait3A_731] : memref<16384xf32, #tpu.memory_space<vmem>> -> memref<4096xf32, #tpu.memory_space<vmem>>
    tpu.wait_dma2 semaphore(%arg18 : memref<!tpu.dma_semaphore, #tpu.memory_space<semaphore_mem>>) src(%dma_wait3A_732 : memref<4096xf32, #tpu.memory_space<vmem>>) dst(%dma_wait3A_730 : memref<4096xf32, #tpu.memory_space<hbm>>)
    %parallel_loop3A_733 = arith.constant 0 : i32
    %parallel_loop3A_734 = arith.constant 1024 : i32
    %parallel_loop3A_735 = arith.constant 1 : i32
    scf.for %parallel_loop3A_832 = %parallel_loop3A_733 to %parallel_loop3A_734 step %parallel_loop3A_735  : i32 {
      %parallel_loop3A_833 = arith.constant 5 : i32
      %parallel_loop3A_834 = arith.shrsi %parallel_loop3A_832, %parallel_loop3A_833 : i32
      %parallel_loop3A_835 = arith.constant 31 : i32
      %parallel_loop3A_836 = arith.andi %parallel_loop3A_832, %parallel_loop3A_835 : i32
      %parallel_loop3A_837 = arith.constant 16 : i32
      %parallel_loop3A_838 = arith.muli %parallel_loop3A_834, %parallel_loop3A_837 : i32
      %parallel_loop3A_839 = arith.constant 4 : i32
      %parallel_loop3A_840 = arith.constant 0 : i32
      %parallel_loop3A_841 = arith.constant 0 : i32
      %parallel_loop3A_842 = arith.index_cast %parallel_loop3A_839 : i32 to index
      %parallel_loop3A_843 = arith.index_cast %parallel_loop3A_840 : i32 to index
      %parallel_loop3A_844 = arith.index_cast %parallel_loop3A_841 : i32 to index
      %parallel_loop3A_845 = arith.index_cast %parallel_loop3A_838 : i32 to index
      %parallel_loop3A_846 = tpu.vector_load %arg10[%parallel_loop3A_842, %parallel_loop3A_843, %parallel_loop3A_844, %parallel_loop3A_845] {strides = array<i32>} : memref<5x1x1x512xi32, #tpu.memory_space<vmem>>, vector<16xi32>,
      %parallel_loop3A_847 = arith.constant 1024 : i32
      %parallel_loop3A_848 = arith.muli %parallel_loop3A_836, %parallel_loop3A_847 : i32
      %parallel_loop3A_849 = vector.broadcast %parallel_loop3A_848 : i32 to vector<16xi32>
      %parallel_loop3A_850 = arith.addi %parallel_loop3A_846, %parallel_loop3A_849 : vector<16xi32>
      %parallel_loop3A_851 = tpu.vector_load_idx %arg12[%parallel_loop3A_850] : memref<32768xf32, #tpu.memory_space<vmem>>[vector<16xi32>], vector<16xf32>,
      %parallel_loop3A_852 = arith.constant 3 : i32
      %parallel_loop3A_853 = arith.shrsi %parallel_loop3A_834, %parallel_loop3A_852 : i32
      %parallel_loop3A_854 = arith.constant 1024 : i32
      %parallel_loop3A_855 = arith.muli %parallel_loop3A_853, %parallel_loop3A_854 : i32
      %parallel_loop3A_856 = arith.constant 7 : i32
      %parallel_loop3A_857 = arith.andi %parallel_loop3A_834, %parallel_loop3A_856 : i32
      %parallel_loop3A_858 = arith.constant 16 : i32
      %parallel_loop3A_859 = arith.muli %parallel_loop3A_857, %parallel_loop3A_858 : i32
      %parallel_loop3A_860 = arith.addi %parallel_loop3A_855, %parallel_loop3A_859 : i32
      %parallel_loop3A_861 = arith.constant 3 : i32
      %parallel_loop3A_862 = arith.shrsi %parallel_loop3A_836, %parallel_loop3A_861 : i32
      %parallel_loop3A_863 = arith.constant 4096 : i32
      %parallel_loop3A_864 = arith.muli %parallel_loop3A_862, %parallel_loop3A_863 : i32
      %parallel_loop3A_865 = arith.constant 7 : i32
      %parallel_loop3A_866 = arith.andi %parallel_loop3A_836, %parallel_loop3A_865 : i32
      %parallel_loop3A_867 = arith.constant 128 : i32
      %parallel_loop3A_868 = arith.muli %parallel_loop3A_866, %parallel_loop3A_867 : i32
      %parallel_loop3A_869 = arith.addi %parallel_loop3A_864, %parallel_loop3A_868 : i32
      %parallel_loop3A_870 = arith.addi %parallel_loop3A_860, %parallel_loop3A_869 : i32
      %parallel_loop3A_871 = arith.index_cast %parallel_loop3A_870 : i32 to index
      %parallel_loop3A_872 = tpu.vector_load %arg14[%parallel_loop3A_871] {strides = array<i32>} : memref<16384xf32, #tpu.memory_space<vmem>>, vector<16xf32>,
      tpu.vector_store %arg14[%parallel_loop3A_871], %parallel_loop3A_851 {strides = array<i32>} : memref<16384xf32, #tpu.memory_space<vmem>>, vector<16xf32>,
    } {sc.loop_unroll_factor = 8 : i64, sc.parallel_access}
    %mul3A_736 = arith.constant 4 : i32
    %mul3A_737 = arith.muli %add3A, %mul3A_736 : i32
    %add3A_738 = arith.constant 512 : i32
    %add3A_739 = arith.addi %add3A_738, %mul3A_737 : i32
    %mul3A_740 = arith.constant 1024 : i32
    %mul3A_741 = arith.muli %add3A_739, %mul3A_740 : i32
    %dma_start3A_742 = arith.constant 0 : i32
    %dma_start3A_743 = tpu.memref_slice %arg14[%dma_start3A_742] : memref<16384xf32, #tpu.memory_space<vmem>> -> memref<4096xf32, #tpu.memory_space<vmem>>
    %dma_start3A_744 = tpu.memref_slice %arg8[%mul3A_741] : memref<1048576xf32, #tpu.memory_space<hbm>> -> memref<4096xf32, #tpu.memory_space<hbm>>
    %dma_start3A_745 = tpu.memref_slice %arg8[%mul3A_741] : memref<1048576xf32, #tpu.memory_space<hbm>> -> memref<4096xf32, #tpu.memory_space<hbm>>
    %dma_start3A_746 = arith.constant 0 : i32
    %dma_start3A_747 = tpu.memref_slice %arg14[%dma_start3A_746] : memref<16384xf32, #tpu.memory_space<vmem>> -> memref<4096xf32, #tpu.memory_space<vmem>>
    tpu.enqueue_dma source(%dma_start3A_747 : memref<4096xf32, #tpu.memory_space<vmem>>) target(%dma_start3A_745 : memref<4096xf32, #tpu.memory_space<hbm>>) target_semaphore(%arg18 : memref<!tpu.dma_semaphore, #tpu.memory_space<semaphore_mem>>)
    %mul3A_748 = arith.constant 4 : i32
    %mul3A_749 = arith.muli %add3A, %mul3A_748 : i32
    %add3A_750 = arith.constant 640 : i32
    %add3A_751 = arith.addi %add3A_750, %mul3A_749 : i32
    %mul3A_752 = arith.constant 1024 : i32
    %mul3A_753 = arith.muli %add3A_751, %mul3A_752 : i32
    %dma_start3A_754 = arith.constant 4096 : i32
    %dma_start3A_755 = tpu.memref_slice %arg14[%dma_start3A_754] : memref<16384xf32, #tpu.memory_space<vmem>> -> memref<4096xf32, #tpu.memory_space<vmem>>
    %dma_start3A_756 = tpu.memref_slice %arg8[%mul3A_753] : memref<1048576xf32, #tpu.memory_space<hbm>> -> memref<4096xf32, #tpu.memory_space<hbm>>
    %dma_start3A_757 = tpu.memref_slice %arg8[%mul3A_753] : memref<1048576xf32, #tpu.memory_space<hbm>> -> memref<4096xf32, #tpu.memory_space<hbm>>
    %dma_start3A_758 = arith.constant 4096 : i32
    %dma_start3A_759 = tpu.memref_slice %arg14[%dma_start3A_758] : memref<16384xf32, #tpu.memory_space<vmem>> -> memref<4096xf32, #tpu.memory_space<vmem>>
    tpu.enqueue_dma source(%dma_start3A_759 : memref<4096xf32, #tpu.memory_space<vmem>>) target(%dma_start3A_757 : memref<4096xf32, #tpu.memory_space<hbm>>) target_semaphore(%arg18 : memref<!tpu.dma_semaphore, #tpu.memory_space<semaphore_mem>>)
    %mul3A_760 = arith.constant 4 : i32
    %mul3A_761 = arith.muli %add3A, %mul3A_760 : i32
    %add3A_762 = arith.constant 768 : i32
    %add3A_763 = arith.addi %add3A_762, %mul3A_761 : i32
    %mul3A_764 = arith.constant 1024 : i32
    %mul3A_765 = arith.muli %add3A_763, %mul3A_764 : i32
    %dma_start3A_766 = arith.constant 8192 : i32
    %dma_start3A_767 = tpu.memref_slice %arg14[%dma_start3A_766] : memref<16384xf32, #tpu.memory_space<vmem>> -> memref<4096xf32, #tpu.memory_space<vmem>>
    %dma_start3A_768 = tpu.memref_slice %arg8[%mul3A_765] : memref<1048576xf32, #tpu.memory_space<hbm>> -> memref<4096xf32, #tpu.memory_space<hbm>>
    %dma_start3A_769 = tpu.memref_slice %arg8[%mul3A_765] : memref<1048576xf32, #tpu.memory_space<hbm>> -> memref<4096xf32, #tpu.memory_space<hbm>>
    %dma_start3A_770 = arith.constant 8192 : i32
    %dma_start3A_771 = tpu.memref_slice %arg14[%dma_start3A_770] : memref<16384xf32, #tpu.memory_space<vmem>> -> memref<4096xf32, #tpu.memory_space<vmem>>
    tpu.enqueue_dma source(%dma_start3A_771 : memref<4096xf32, #tpu.memory_space<vmem>>) target(%dma_start3A_769 : memref<4096xf32, #tpu.memory_space<hbm>>) target_semaphore(%arg18 : memref<!tpu.dma_semaphore, #tpu.memory_space<semaphore_mem>>)
    %mul3A_772 = arith.constant 4 : i32
    %mul3A_773 = arith.muli %add3A, %mul3A_772 : i32
    %add3A_774 = arith.constant 896 : i32
    %add3A_775 = arith.addi %add3A_774, %mul3A_773 : i32
    %mul3A_776 = arith.constant 1024 : i32
    %mul3A_777 = arith.muli %add3A_775, %mul3A_776 : i32
    %dma_start3A_778 = arith.constant 12288 : i32
    %dma_start3A_779 = tpu.memref_slice %arg14[%dma_start3A_778] : memref<16384xf32, #tpu.memory_space<vmem>> -> memref<4096xf32, #tpu.memory_space<vmem>>
    %dma_start3A_780 = tpu.memref_slice %arg8[%mul3A_777] : memref<1048576xf32, #tpu.memory_space<hbm>> -> memref<4096xf32, #tpu.memory_space<hbm>>
    %dma_start3A_781 = tpu.memref_slice %arg8[%mul3A_777] : memref<1048576xf32, #tpu.memory_space<hbm>> -> memref<4096xf32, #tpu.memory_space<hbm>>
    %dma_start3A_782 = arith.constant 12288 : i32
    %dma_start3A_783 = tpu.memref_slice %arg14[%dma_start3A_782] : memref<16384xf32, #tpu.memory_space<vmem>> -> memref<4096xf32, #tpu.memory_space<vmem>>
    tpu.enqueue_dma source(%dma_start3A_783 : memref<4096xf32, #tpu.memory_space<vmem>>) target(%dma_start3A_781 : memref<4096xf32, #tpu.memory_space<hbm>>) target_semaphore(%arg18 : memref<!tpu.dma_semaphore, #tpu.memory_space<semaphore_mem>>)
    %dma_wait3A_784 = arith.constant 0 : i32
    %dma_wait3A_785 = tpu.memref_slice %arg13[%dma_wait3A_784] : memref<16384xf32, #tpu.memory_space<vmem>> -> memref<4096xf32, #tpu.memory_space<vmem>>
    %dma_wait3A_786 = tpu.memref_slice %arg8[%mul3A_662] : memref<1048576xf32, #tpu.memory_space<hbm>> -> memref<4096xf32, #tpu.memory_space<hbm>>
    %dma_wait3A_787 = tpu.memref_slice %arg8[%mul3A_662] : memref<1048576xf32, #tpu.memory_space<hbm>> -> memref<4096xf32, #tpu.memory_space<hbm>>
    %dma_wait3A_788 = arith.constant 0 : i32
    %dma_wait3A_789 = tpu.memref_slice %arg13[%dma_wait3A_788] : memref<16384xf32, #tpu.memory_space<vmem>> -> memref<4096xf32, #tpu.memory_space<vmem>>
    tpu.wait_dma2 semaphore(%arg17 : memref<!tpu.dma_semaphore, #tpu.memory_space<semaphore_mem>>) src(%dma_wait3A_789 : memref<4096xf32, #tpu.memory_space<vmem>>) dst(%dma_wait3A_787 : memref<4096xf32, #tpu.memory_space<hbm>>)
    %dma_wait3A_790 = arith.constant 4096 : i32
    %dma_wait3A_791 = tpu.memref_slice %arg13[%dma_wait3A_790] : memref<16384xf32, #tpu.memory_space<vmem>> -> memref<4096xf32, #tpu.memory_space<vmem>>
    %dma_wait3A_792 = tpu.memref_slice %arg8[%mul3A_674] : memref<1048576xf32, #tpu.memory_space<hbm>> -> memref<4096xf32, #tpu.memory_space<hbm>>
    %dma_wait3A_793 = tpu.memref_slice %arg8[%mul3A_674] : memref<1048576xf32, #tpu.memory_space<hbm>> -> memref<4096xf32, #tpu.memory_space<hbm>>
    %dma_wait3A_794 = arith.constant 4096 : i32
    %dma_wait3A_795 = tpu.memref_slice %arg13[%dma_wait3A_794] : memref<16384xf32, #tpu.memory_space<vmem>> -> memref<4096xf32, #tpu.memory_space<vmem>>
    tpu.wait_dma2 semaphore(%arg17 : memref<!tpu.dma_semaphore, #tpu.memory_space<semaphore_mem>>) src(%dma_wait3A_795 : memref<4096xf32, #tpu.memory_space<vmem>>) dst(%dma_wait3A_793 : memref<4096xf32, #tpu.memory_space<hbm>>)
    %dma_wait3A_796 = arith.constant 8192 : i32
    %dma_wait3A_797 = tpu.memref_slice %arg13[%dma_wait3A_796] : memref<16384xf32, #tpu.memory_space<vmem>> -> memref<4096xf32, #tpu.memory_space<vmem>>
    %dma_wait3A_798 = tpu.memref_slice %arg8[%mul3A_686] : memref<1048576xf32, #tpu.memory_space<hbm>> -> memref<4096xf32, #tpu.memory_space<hbm>>
    %dma_wait3A_799 = tpu.memref_slice %arg8[%mul3A_686] : memref<1048576xf32, #tpu.memory_space<hbm>> -> memref<4096xf32, #tpu.memory_space<hbm>>
    %dma_wait3A_800 = arith.constant 8192 : i32
    %dma_wait3A_801 = tpu.memref_slice %arg13[%dma_wait3A_800] : memref<16384xf32, #tpu.memory_space<vmem>> -> memref<4096xf32, #tpu.memory_space<vmem>>
    tpu.wait_dma2 semaphore(%arg17 : memref<!tpu.dma_semaphore, #tpu.memory_space<semaphore_mem>>) src(%dma_wait3A_801 : memref<4096xf32, #tpu.memory_space<vmem>>) dst(%dma_wait3A_799 : memref<4096xf32, #tpu.memory_space<hbm>>)
    %dma_wait3A_802 = arith.constant 12288 : i32
    %dma_wait3A_803 = tpu.memref_slice %arg13[%dma_wait3A_802] : memref<16384xf32, #tpu.memory_space<vmem>> -> memref<4096xf32, #tpu.memory_space<vmem>>
    %dma_wait3A_804 = tpu.memref_slice %arg8[%mul3A_698] : memref<1048576xf32, #tpu.memory_space<hbm>> -> memref<4096xf32, #tpu.memory_space<hbm>>
    %dma_wait3A_805 = tpu.memref_slice %arg8[%mul3A_698] : memref<1048576xf32, #tpu.memory_space<hbm>> -> memref<4096xf32, #tpu.memory_space<hbm>>
    %dma_wait3A_806 = arith.constant 12288 : i32
    %dma_wait3A_807 = tpu.memref_slice %arg13[%dma_wait3A_806] : memref<16384xf32, #tpu.memory_space<vmem>> -> memref<4096xf32, #tpu.memory_space<vmem>>
    tpu.wait_dma2 semaphore(%arg17 : memref<!tpu.dma_semaphore, #tpu.memory_space<semaphore_mem>>) src(%dma_wait3A_807 : memref<4096xf32, #tpu.memory_space<vmem>>) dst(%dma_wait3A_805 : memref<4096xf32, #tpu.memory_space<hbm>>)
    %dma_wait3A_808 = arith.constant 0 : i32
    %dma_wait3A_809 = tpu.memref_slice %arg14[%dma_wait3A_808] : memref<16384xf32, #tpu.memory_space<vmem>> -> memref<4096xf32, #tpu.memory_space<vmem>>
    %dma_wait3A_810 = tpu.memref_slice %arg8[%mul3A_741] : memref<1048576xf32, #tpu.memory_space<hbm>> -> memref<4096xf32, #tpu.memory_space<hbm>>
    %dma_wait3A_811 = tpu.memref_slice %arg8[%mul3A_741] : memref<1048576xf32, #tpu.memory_space<hbm>> -> memref<4096xf32, #tpu.memory_space<hbm>>
    %dma_wait3A_812 = arith.constant 0 : i32
    %dma_wait3A_813 = tpu.memref_slice %arg14[%dma_wait3A_812] : memref<16384xf32, #tpu.memory_space<vmem>> -> memref<4096xf32, #tpu.memory_space<vmem>>
    tpu.wait_dma2 semaphore(%arg18 : memref<!tpu.dma_semaphore, #tpu.memory_space<semaphore_mem>>) src(%dma_wait3A_813 : memref<4096xf32, #tpu.memory_space<vmem>>) dst(%dma_wait3A_811 : memref<4096xf32, #tpu.memory_space<hbm>>)
    %dma_wait3A_814 = arith.constant 4096 : i32
    %dma_wait3A_815 = tpu.memref_slice %arg14[%dma_wait3A_814] : memref<16384xf32, #tpu.memory_space<vmem>> -> memref<4096xf32, #tpu.memory_space<vmem>>
    %dma_wait3A_816 = tpu.memref_slice %arg8[%mul3A_753] : memref<1048576xf32, #tpu.memory_space<hbm>> -> memref<4096xf32, #tpu.memory_space<hbm>>
    %dma_wait3A_817 = tpu.memref_slice %arg8[%mul3A_753] : memref<1048576xf32, #tpu.memory_space<hbm>> -> memref<4096xf32, #tpu.memory_space<hbm>>
    %dma_wait3A_818 = arith.constant 4096 : i32
    %dma_wait3A_819 = tpu.memref_slice %arg14[%dma_wait3A_818] : memref<16384xf32, #tpu.memory_space<vmem>> -> memref<4096xf32, #tpu.memory_space<vmem>>
    tpu.wait_dma2 semaphore(%arg18 : memref<!tpu.dma_semaphore, #tpu.memory_space<semaphore_mem>>) src(%dma_wait3A_819 : memref<4096xf32, #tpu.memory_space<vmem>>) dst(%dma_wait3A_817 : memref<4096xf32, #tpu.memory_space<hbm>>)
    %dma_wait3A_820 = arith.constant 8192 : i32
    %dma_wait3A_821 = tpu.memref_slice %arg14[%dma_wait3A_820] : memref<16384xf32, #tpu.memory_space<vmem>> -> memref<4096xf32, #tpu.memory_space<vmem>>
    %dma_wait3A_822 = tpu.memref_slice %arg8[%mul3A_765] : memref<1048576xf32, #tpu.memory_space<hbm>> -> memref<4096xf32, #tpu.memory_space<hbm>>
    %dma_wait3A_823 = tpu.memref_slice %arg8[%mul3A_765] : memref<1048576xf32, #tpu.memory_space<hbm>> -> memref<4096xf32, #tpu.memory_space<hbm>>
    %dma_wait3A_824 = arith.constant 8192 : i32
    %dma_wait3A_825 = tpu.memref_slice %arg14[%dma_wait3A_824] : memref<16384xf32, #tpu.memory_space<vmem>> -> memref<4096xf32, #tpu.memory_space<vmem>>
    tpu.wait_dma2 semaphore(%arg18 : memref<!tpu.dma_semaphore, #tpu.memory_space<semaphore_mem>>) src(%dma_wait3A_825 : memref<4096xf32, #tpu.memory_space<vmem>>) dst(%dma_wait3A_823 : memref<4096xf32, #tpu.memory_space<hbm>>)
    %dma_wait3A_826 = arith.constant 12288 : i32
    %dma_wait3A_827 = tpu.memref_slice %arg14[%dma_wait3A_826] : memref<16384xf32, #tpu.memory_space<vmem>> -> memref<4096xf32, #tpu.memory_space<vmem>>
    %dma_wait3A_828 = tpu.memref_slice %arg8[%mul3A_777] : memref<1048576xf32, #tpu.memory_space<hbm>> -> memref<4096xf32, #tpu.memory_space<hbm>>
    %dma_wait3A_829 = tpu.memref_slice %arg8[%mul3A_777] : memref<1048576xf32, #tpu.memory_space<hbm>> -> memref<4096xf32, #tpu.memory_space<hbm>>
    %dma_wait3A_830 = arith.constant 12288 : i32
    %dma_wait3A_831 = tpu.memref_slice %arg14[%dma_wait3A_830] : memref<16384xf32, #tpu.memory_space<vmem>> -> memref<4096xf32, #tpu.memory_space<vmem>>
    tpu.wait_dma2 semaphore(%arg18 : memref<!tpu.dma_semaphore, #tpu.memory_space<semaphore_mem>>) src(%dma_wait3A_831 : memref<4096xf32, #tpu.memory_space<vmem>>) dst(%dma_wait3A_829 : memref<4096xf32, #tpu.memory_space<hbm>>)
    return
  }
}

</mosaic_0001>

<sc_bundles>
// kernel: _vdj_gather.3.cloned.1.call-start
scs
__scs_entry_jumppad:
0x0: {  	(pc) =	sbr.rel $0x88, $3  }
0x1: {  	(tag) =	ssettag $0x0;
	lr =	simm.s32 $0x1  }
0x2: {  	[smem:$0x3F9B] =	sst lr;
	_ =	strace $0xD0000000  }
0x3: {  	_ = 	snop  }
0x4: {  	_ = 	snop  }
0x5: {  	_ = 	snop  }
0x6: {  	_ = 	snop  }
0x7: {  	_ = 	snop  }
__scs_overlays_trampoline_lowered:
0x8: {  	[smem:$0x3FAA] =	sst s0  }
0x9: {  	[smem:$0x3FAB] =	sst s1  }
0xa: {  	[smem:$0x3FAC] =	sst s2  }
0xb: {  	[smem:$0x3FAD] =	sst s3  }
0xc: {  	[smem:$0x3FAE] =	sst s4  }
0xd: {  	[smem:$0x3FAF] =	sst s5  }
0xe: {  	[smem:$0x3FB0] =	sst s6  }
0xf: {  	[smem:$0x3FB1] =	sst s7  }
0x10: {  	[smem:$0x3FB2] =	sst s8  }
0x11: {  	[smem:$0x3FB3] =	sst s9;
	s0 =	simm.s32 @!p0 $0x0  }
0x12: {  	s1 =	sld [smem:$0x3F99];
	s0 =	simm.s32 @p0 $0x1  }
0x13: {  	[smem:$0x3FB4] =	sst s0;
	s0 =	simm.s32 @!p1 $0x0  }
0x14: {  	s2 =	sld [smem:$0x3F98];
	s0 =	simm.s32 @p1 $0x1  }
0x15: {  	[smem:$0x3FB5] =	sst s0;
	s0 =	simm.s32 @!p2 $0x0  }
0x16: {  	s3 =	sld [smem:$0x3FDB];
	s0 =	simm.s32 @p2 $0x1  }
0x17: {  	s4 =	simm.s32 $0x1BF5;
	[smem:$0x3FB7] =	sst s0  }
0x18: {  	s0 =	sld [smem:$0x3F9A];
	_ =	swait.ge [sflag:s4], $0x0  }
0x19: {  	s7 =	sld [smem:$0x3F9B]  }
0x1a: {  	s8 =	sadd.s32 $0xFFFFE003, lr  }
0x1b: {  	s9 =	sadd.s32 $0xFFFFFEF7, lr;
	s5 =	simm.s32 $0xFFFFFFFF;
	p2 =	slt.u32 s8, $0xFFFFF086  }
0x1c: {  	p1 =	slt.u32 s9, $0xF7A;
	s5 =	simm.s32 @!p2 $0x0  }
0x1d: {  	s5 =	simm.s32 @p1 $0x1;
	p0 =	seq.s32 s7, s2  }
0x1e: {  	s7 =	smul.u32 @!p0 $0xF7A, s2;
	p2 =	seq.s32 @!p0 s5, $0x0  }
0x1f: {  	s9 =	smul.u32 $0xF7A, s1;
	s8 =	simm.s32 @!p0 $0x1BF5;
	p2 =	por !p2, p0  }
0x20: {  	[sflag:s8] =	ssyncset.s32 @!p0 $0xFFFFF086;
	s6 =	sadd.s32 @!p0 s3, s7;
	s7 =	simm.s32 @!p0 $0x108  }
0x21: {  	s3 =	sadd.s32 s3, s9;
	s6 =	sadd.s32 @!p0 $0x88, s6;
	s7 =	simm.s32 @p2 $0x1082  }
0x22: {  	[simem:s7], [sflag:s8] =	dma.local @!p0 [hbm:s6], $0xF7A  }
0x23: {  	s9 =	sor.u32 $0xD0000000, s2;
	s6 =	simm.s32 $0x108;
	_ =	swait.ge @!p0 [sflag:s8], $0x0  }
0x24: {  	s3 =	sadd.s32 $0x88, s3;
	s6 =	simm.s32 @!p1 $0x1082;
	[sflag:s4] =	ssyncset.s32 $0xFFFFF086  }
0x25: {  	[simem:s6], [sflag:s4] =	dma.local [hbm:s3], $0xF7A  }
0x26: {  	[smem:$0x3F9B] =	sst s1;
	(tag) =	ssettag s2;
	_ =	strace s9  }
0x27: {  	s1 =	sld [smem:$0x3FAB]  }
0x28: {  	s2 =	sld [smem:$0x3FAC]  }
0x29: {  	s4 =	sld [smem:$0x3FAE]  }
0x2a: {  	p0 =	seq.s32 s5, $0x0;
	s5 =	sld [smem:$0x3FAF]  }
0x2b: {  	s6 =	sld [smem:$0x3FB0]  }
0x2c: {  	s7 =	sld [smem:$0x3FB1]  }
0x2d: {  	s3 =	simm.s32 $0x108;
	s8 =	sld [smem:$0x3FB2]  }
0x2e: {  	s3 =	simm.s32 @!p0 $0x1082;
	s9 =	sld [smem:$0x3FB3]  }
0x2f: {  	lr =	sadd.s32 s0, s3;
	s0 =	sld [smem:$0x3FAA]  }
0x30: {  	s3 =	sld [smem:$0x3FAD]  }
0x31: {  	[smem:$0x3FB6] =	sst s10  }
0x32: {  	s10 =	sld [smem:$0x3FB4];
	_ =	sdelay $0x3  }
0x33: {  	p0 =	seq.s32 s10, $0x1;
	s10 =	sld [smem:$0x3FB6];
	_ =	sdelay $0x3  }
0x34: {  	[smem:$0x3FB6] =	sst s10  }
0x35: {  	s10 =	sld [smem:$0x3FB5];
	_ =	sdelay $0x3  }
0x36: {  	p1 =	seq.s32 s10, $0x1;
	s10 =	sld [smem:$0x3FB6];
	_ =	sdelay $0x3  }
0x37: {  	[smem:$0x3FB6] =	sst s10  }
0x38: {  	s10 =	sld [smem:$0x3FB7]  }
0x39: {  	_ = 	snop;
	(pc) =	sbr.ind lr, $3  }
0x3a: {  	_ = 	snop  }
0x3b: {  	_ = 	snop  }
0x3c: {  	p2 =	seq.s32 s10, $0x1;
	s10 =	sld [smem:$0x3FB6]  }
0x3d: {  	_ =	shalt  }
0x3e: {  	_ =	shalt  }
0x3f: {  	_ =	shalt  }
0x40: {  	_ =	shalt  }
0x41: {  	_ =	shalt  }
0x42: {  	_ =	shalt  }
0x43: {  	_ =	shalt  }
0x44: {  	_ =	shalt  }
0x45: {  	_ =	shalt  }
0x46: {  	_ =	shalt  }
0x47: {  	_ =	shalt  }
0x48: {  	_ =	shalt  }
0x49: {  	_ =	shalt  }
0x4a: {  	_ =	shalt  }
0x4b: {  	_ =	shalt  }
0x4c: {  	_ =	shalt  }
0x4d: {  	_ =	shalt  }
0x4e: {  	_ =	shalt  }
0x4f: {  	_ =	shalt  }
0x50: {  	_ =	shalt  }
0x51: {  	_ =	shalt  }
0x52: {  	_ =	shalt  }
0x53: {  	_ =	shalt  }
0x54: {  	_ =	shalt  }
0x55: {  	_ =	shalt  }
0x56: {  	_ =	shalt  }
0x57: {  	_ =	shalt  }
0x58: {  	_ =	shalt  }
0x59: {  	_ =	shalt  }
0x5a: {  	_ =	shalt  }
0x5b: {  	_ =	shalt  }
0x5c: {  	_ =	shalt  }
0x5d: {  	_ =	shalt  }
0x5e: {  	_ =	shalt  }
0x5f: {  	_ =	shalt  }
0x60: {  	_ =	shalt  }
0x61: {  	_ =	shalt  }
0x62: {  	_ =	shalt  }
0x63: {  	_ =	shalt  }
0x64: {  	_ =	shalt  }
0x65: {  	_ =	shalt  }
0x66: {  	_ =	shalt  }
0x67: {  	_ =	shalt  }
0x68: {  	_ =	shalt  }
0x69: {  	_ =	shalt  }
0x6a: {  	_ =	shalt  }
0x6b: {  	_ =	shalt  }
0x6c: {  	_ =	shalt  }
0x6d: {  	_ =	shalt  }
0x6e: {  	_ =	shalt  }
0x6f: {  	_ =	shalt  }
0x70: {  	_ =	shalt  }
0x71: {  	_ =	shalt  }
0x72: {  	_ =	shalt  }
0x73: {  	_ =	shalt  }
0x74: {  	_ =	shalt  }
0x75: {  	_ =	shalt  }
0x76: {  	_ =	shalt  }
0x77: {  	_ =	shalt  }
0x78: {  	_ =	shalt  }
0x79: {  	_ =	shalt  }
0x7a: {  	_ =	shalt  }
0x7b: {  	_ =	shalt  }
0x7c: {  	_ =	shalt  }
0x7d: {  	_ =	shalt  }
0x7e: {  	_ =	shalt  }
0x7f: {  	_ =	shalt  }
0x80: {  	_ =	shalt  }
0x81: {  	_ =	shalt  }
0x82: {  	_ =	shalt  }
0x83: {  	_ =	shalt  }
0x84: {  	_ =	shalt  }
0x85: {  	_ =	shalt  }
0x86: {  	_ =	shalt  }
0x87: {  	_ =	shalt  }
.Lfunc_end0:
.L_simem_size_0:
called_computation_lowered:
.L_overlay_start_0:
0x88: {  	s2 =	sld [smem:$0x3FD9]  }
0x89: {  	s3 =	sld [smem:$0x3FFE];
	_ =	sdelay $0x1  }
0x8a: {  	s1 =	srdreg.scid  }
0x8b: {  	s0 =	sand.u32 $0x1, s1  }
0x8c: {  	s14 =	sshll.u32 s0, $0xA;
	s2 =	sadd.s32 s3, s2  }
0x8d: {  	s2 =	sadd.s32 s2, s14  }
0x8e: {  	[smem:$0x3FC2] =	sst s2  }
0x8f: {  	_ = 	snop  }
0x90: {  	s2 =	sld [smem:$0x3FD0];
	_ =	sdelay $0x2  }
0x91: {  	s15 =	simm.s32 $0xA;
	s4 =	simm.s32 $0x10  }
0x92: {  	[smem:s4], [sflag:s15] =	dma.local [hbm:s2], $0x1  }
0x93: {  	_ =	swait.eq [sflag:s15], $0x1  }
0x94: {  	s16 =	sld [smem:$0x10]  }
0x95: {  	s17 =	sld [smem:$0x11]  }
0x96: {  	s5 =	sld [smem:$0x12];
	[sflag:s15] =	ssyncset.done $0x0  }
0x97: {  	s6 =	sld [smem:$0x13];
	[sflag:s15] =	ssyncadd.s32 $0xFFFFFFFF  }
0x98: {  	s18 =	sld [smem:$0x14];
	(tm) =	ssettm $0x1  }
0x99: {  	s7 =	sld [smem:$0x3FFB];
	_ =	sdelay $0x3  }
0x9a: {  	_ =	strace s7  }
0x9b: {  	s7 =	sld [smem:$0x3FFC];
	_ =	sdelay $0x3  }
0x9c: {  	_ =	strace s7  }
0x9d: {  	s7 =	sld [smem:$0x3FFD];
	_ =	sdelay $0x3  }
0x9e: {  	_ =	strace s7  }
0x9f: {  	_ =	strace $0x8FFFFFFF  }
0xa0: {  	s19 =	sld [smem:$0x3FDB];
	_ =	sdelay $0x1  }
0xa1: {  	s8 =	simm.s32 $_scs_section_size  }
0xa2: {  	s9 =	simm.s32 $_size__tile_overlayer_lowered;
	s10 =	simm.s32 $_tile_overlayer_lowered  }
0xa3: {  	s22 =	simm.s32 $0x1BFF;
	s21 =	sshll.u32 s10, $0x1;
	s7 =	sadd.s32 s8, s19  }
0xa4: {  	s11 =	simm.s32 $0x0;
	s20 =	sshll.u32 s9, $0x1;
	s9 =	sadd.s32 s21, s7  }
0xa5: {  	[timem:s11], [sflag:s22] =	dma.local [hbm:s9], s20  }
0xa6: {  	_ =	swait.ge [sflag:s22], s20  }
0xa7: {  	s8 =	ssub.s32 $0x0, s20;
	[sflag:s22] =	ssyncset.done $0x0  }
0xa8: {  	[sflag:s22] =	ssyncadd.s32 s8;
	_ =	sdelay $0x1  }
0xa9: {  	s23 =	simm.s32 $0x1B8B  }
0xaa: {  	_ =	swait.ge [sflag:s23], $0x1  }
0xab: {  	[sflag:s23] =	ssyncset.done $0x0  }
0xac: {  	s25 =	simm.s32 $0x1B8E;
	s24 =	sld [smem:$0x3FFE];
	[sflag:s23] =	ssyncadd.s32 $0xFFFFFFFF  }
0xad: {  	s26 =	simm.s32 $execute0_lowered;
	[smem:$0x3FD2] =	sst s25  }
0xae: {  	s9 =	sshll.u32 s26, $0x1;
	_ =	strace $0x80000046;
	[dreg:$0x1] =	wrdreg $0xFFFFFFFF  }
0xaf: {  	s28 =	simm.s32 $_size_execute0_lowered;
	s7 =	sadd.s32 s7, s9;
	[dreg:$0x0] =	wrdreg $0x0  }
0xb0: {  	s9 =	sshll.u32 s28, $0x1;
	[dreg:$0x2] =	wrdreg s7  }
0xb1: {  	[dreg:$0x3] =	wrdreg s9  }
0xb2: {  	[dreg:$0x4] =	wrdreg $0xC0  }
0xb3: {  	_ =	task [dreg:s11], $0x5FFFF  }
0xb4: {  	[dreg:$0x1] =	wrdreg $0xFFFFFFFF  }
0xb5: {  	[dreg:$0x0] =	wrdreg $0x60  }
0xb6: {  	[dreg:$0x2] =	wrdreg s24  }
0xb7: {  	[dreg:$0x3] =	wrdreg s16  }
0xb8: {  	[dreg:$0x4] =	wrdreg s17  }
0xb9: {  	[dreg:$0x5] =	wrdreg s5  }
0xba: {  	[dreg:$0x6] =	wrdreg s6  }
0xbb: {  	[dreg:$0x7] =	wrdreg s18  }
0xbc: {  	[dreg:$0x8] =	wrdreg $0x0  }
0xbd: {  	[dreg:$0x9] =	wrdreg $0x9  }
0xbe: {  	_ =	task.clear_ibuf [dreg:s11], $0xAFFFF;
	_ =	strace $0x90000046  }
0xbf: {  	s29 =	simm.s32 $0x9;
	_ =	strace $0x80000048  }
0xc0: {  	_ =	swait.ge [sflag:s29], $0x1  }
0xc1: {  	[sflag:s29] =	ssyncadd.s32 $0xFFFFFFFF  }
0xc2: {  	_ =	strace $0x90000048  }
0xc3: {  	_ =	sfence  }
0xc4: {  	s30 =	sld [smem:$0x0];
	_ =	sdelay $0x2  }
0xc5: {  	s31 =	sshll.u32 s1, $0xD;
	s1 =	sshrl.u32 s1, $0x2  }
0xc6: {  	s3 =	sand.u32 $0x4000, s31;
	s1 =	sadd.s32 s1, s30  }
0xc7: {  	s0 =	sor.u32 s3, s0;
	s1 =	sshll.u32 s1, $0x11  }
0xc8: {  	s0 =	sor.u32 s1, s0  }
0xc9: {  	s0 =	sadd.s32 $0x8F2B, s0  }
0xca: {  	[sflag:s0] =	ssyncadd.remote.s32 $0x1  }
0xcb: {  	_ =	sfence.sel $0xFFFF  }
0xcc: {  	[dreg:$0x0] =	wrdreg $0xFFFFFFFF;
	(pc) =	sbr.abs _section_cstart, $3  }
0xcd: {  	[dreg:$0x1] =	wrdreg $0xFFFFFFFF  }
0xce: {  	_ =	task.clear_ibuf [dreg:s11], $0x2FFFF;
	_ =	strace $0x9FFFFFFF  }
0xcf: {  	(tm) =	ssettm $0x7FFFFFFF  }
tec
execute0_lowered:
.L_overlay_start_1:
0x0: {  	(tag) =	ssettag $0x1  }
0x1: {  	s2 =	rddreg [dreg:$0x0]  }
0x2: {  	s3 =	rddreg [dreg:$0x1]  }
0x3: {  	s0 =	srdreg.scid;
	s4 =	rddreg [dreg:$0x2]  }
0x4: {  	s16 =	stileid.u32;
	s6 =	rddreg [dreg:$0x3];
	s1 =	simm.s32 $0x0  }
0x5: {  	s5 =	sand.u32 $0x1, s0;
	s14 =	sshll.u32 s16, $0x1;
	s8 =	smul.u32 $0x5000, s16  }
0x6: {  	[smem:$0x7FF] =	sst s1;
	s7 =	sor.u32 s5, s14  }
0x7: {  	s0 =	sshll.u32 s7, $0x6;
	s9 =	sshrl.u32 s8, $0x3;
	s7 =	sshll.u32 s7, $0x9  }
0x8: {  	s0 =	sadd.s32 s0, s2;
	s2 =	sadd.s32 s9, s2;
	s17 =	sadd.s32 s3, s7  }
0x9: {  	s10 =	sor.u32 $0x4000, s7;
	s22 =	sadd.s32 s4, s7;
	[dreg:$0x8] =	wrdreg s17  }
0xa: {  	s9 =	sor.u32 $0x8000, s7;
	s18 =	sadd.s32 s3, s10;
	[dreg:$0x10] =	wrdreg s22  }
0xb: {  	s11 =	sor.u32 $0xC000, s7;
	s13 =	sadd.s32 s3, s9;
	[dreg:$0x9] =	wrdreg s18  }
0xc: {  	s12 =	sor.u32 $0x10000, s7;
	s19 =	sadd.s32 s3, s11;
	[dreg:$0xa] =	wrdreg s13  }
0xd: {  	s14 =	sor.u32 $0x18000, s7;
	s20 =	sadd.s32 s3, s12;
	[dreg:$0xb] =	wrdreg s19  }
0xe: {  	s21 =	sadd.s32 s3, s14;
	[dreg:$0xc] =	wrdreg s20  }
0xf: {  	s23 =	sadd.s32 s4, s10;
	[dreg:$0xe] =	wrdreg s21  }
0x10: {  	s24 =	sadd.s32 s4, s9;
	[dreg:$0x11] =	wrdreg s23  }
0x11: {  	s5 =	ssub.s32 $0x2, s5;
	s25 =	sadd.s32 s4, s11;
	[dreg:$0x12] =	wrdreg s24  }
0x12: {  	s15 =	sshrl.u32 s5, $0x1;
	s26 =	sadd.s32 s4, s12;
	[dreg:$0x13] =	wrdreg s25  }
0x13: {  	s5 =	ssub.s32 s5, s15;
	s22 =	sadd.s32 s6, s9;
	[dreg:$0x14] =	wrdreg s26  }
0x14: {  	s15 =	sor.u32 $0x1C000, s7;
	s18 =	sadd.s32 s4, s14;
	[dreg:$0x1a] =	wrdreg s22  }
0x15: {  	s19 =	sadd.s32 s4, s15;
	[dreg:$0x16] =	wrdreg s18  }
0x16: {  	s20 =	sadd.s32 s6, s7;
	[dreg:$0x17] =	wrdreg s19  }
0x17: {  	s21 =	sadd.s32 s6, s10;
	[dreg:$0x18] =	wrdreg s20  }
0x18: {  	s23 =	sadd.s32 s6, s11;
	[dreg:$0x19] =	wrdreg s21  }
0x19: {  	s24 =	sadd.s32 s6, s12;
	[dreg:$0x1b] =	wrdreg s23  }
0x1a: {  	s26 =	sadd.s32 s6, s14;
	[dreg:$0x1c] =	wrdreg s24  }
0x1b: {  	s13 =	sor.u32 $0x14000, s7;
	[dreg:$0x1e] =	wrdreg s26  }
0x1c: {  	s17 =	sadd.s32 s3, s13;
	s18 =	rddreg [dreg:$0x5]  }
0x1d: {  	s3 =	sadd.s32 s3, s15;
	[dreg:$0xd] =	wrdreg s17  }
0x1e: {  	[dreg:$0xf] =	wrdreg s3  }
0x1f: {  	s25 =	sadd.s32 s6, s13;
	s3 =	rddreg [dreg:$0x4]  }
0x20: {  	s17 =	sadd.s32 s4, s13;
	[dreg:$0x1d] =	wrdreg s25  }
0x21: {  	s26 =	sadd.s32 s18, s7;
	[dreg:$0x15] =	wrdreg s17;
	s17 =	sadd.s32 s6, s15  }
0x22: {  	s20 =	sadd.s32 s3, s10;
	s23 =	sadd.s32 s3, s12;
	[smem:$0x7EA] =	sst s26  }
0x23: {  	s6 =	sadd.s32 s18, s10;
	s10 =	sadd.s32 s18, s12;
	s12 =	rddreg [dreg:$0x6]  }
0x24: {  	s19 =	sadd.s32 s3, s7;
	[dreg:$0x1f] =	wrdreg s17  }
0x25: {  	[smem:$0x7E2] =	sst s19  }
0x26: {  	s21 =	sadd.s32 s3, s9;
	[smem:$0x7E3] =	sst s20  }
0x27: {  	s22 =	sadd.s32 s3, s11;
	[smem:$0x7E4] =	sst s21  }
0x28: {  	[smem:$0x7E5] =	sst s22  }
0x29: {  	s24 =	sadd.s32 s3, s13;
	[smem:$0x7E6] =	sst s23  }
0x2a: {  	s25 =	sadd.s32 s3, s14;
	[smem:$0x7E7] =	sst s24  }
0x2b: {  	s3 =	sadd.s32 s3, s15;
	[smem:$0x7E8] =	sst s25  }
0x2c: {  	[smem:$0x7E9] =	sst s3  }
0x2d: {  	s7 =	sadd.s32 s18, s9;
	[smem:$0x7EB] =	sst s6  }
0x2e: {  	s9 =	sadd.s32 s18, s11;
	[smem:$0x7EC] =	sst s7  }
0x2f: {  	s28 =	simm.s32 $0x5A00;
	[smem:$0x7ED] =	sst s9  }
0x30: {  	s29 =	simm.s32 $0xDA00;
	s11 =	sadd.s32 s18, s13;
	[smem:$0x7EE] =	sst s10  }
0x31: {  	s30 =	simm.s32 $0x1;
	s13 =	sadd.s32 s18, s14;
	[smem:$0x7EF] =	sst s11  }
0x32: {  	s31 =	simm.s32 $0x15A00;
	s14 =	sadd.s32 s18, s15;
	[smem:$0x7F0] =	sst s13  }
0x33: {  	s16 =	sshll.u32 s16, $0x6;
	s2 =	sadd.s32 $0x3A00, s2;
	[smem:$0x7F1] =	sst s14  }
0x34: {  	s17 =	sor.u32 $0x1C05, s16;
	_ =	strace $0x80000047;
	[smem:$0x7F2] =	sst s2  }
0x35: {  	s0 =	sadd.s32 $0x1200, s0;
	s4 =	simm.s32 $0x2;
	[smem:$0x7F3] =	sst s17  }
0x36: {  	s18 =	smax.u32 s5, $0x1;
	s5 =	simm.s32 $0x19A00;
	[smem:$0x7F4] =	sst s0  }
0x37: {  	s15 =	sadd.s32 s8, s12;
	s20 =	sadd.s32 $0x8000, s12;
	[smem:$0x7F5] =	sst s18  }
0x38: {  	s21 =	sadd.s32 $0x10000, s12;
	s22 =	sadd.s32 $0x18000, s12;
	[smem:$0x7F7] =	sst s20  }
0x39: {  	s23 =	sadd.s32 $0x20000, s12;
	s24 =	sadd.s32 $0x28000, s12;
	[smem:$0x7F8] =	sst s21  }
0x3a: {  	s25 =	sadd.s32 $0x30000, s12;
	s26 =	sadd.s32 $0x38000, s12;
	[smem:$0x7F9] =	sst s22  }
0x3b: {  	s3 =	simm.s32 $0x18A00;
	s6 =	simm.s32 $0x1AA00;
	[smem:$0x7FA] =	sst s23  }
0x3c: {  	s7 =	simm.s32 $0x1BA00;
	s8 =	simm.s32 $0x1CA00;
	[smem:$0x7FB] =	sst s24  }
0x3d: {  	s9 =	simm.s32 $0x3;
	s10 =	simm.s32 $0x4;
	[smem:$0x7FC] =	sst s25  }
0x3e: {  	s11 =	simm.s32 $0x0;
	s19 =	sshrl.u32 s15, $0x3;
	[smem:$0x7FD] =	sst s26  }
0x3f: {  	s24 =	sadd.s32 $0x40000, s12;
	s25 =	sadd.s32 $0x48000, s12;
	s26 =	simm.s32 $0x5  }
0x40: {  	s0 =	simm.s32 $0x16A00;
	s2 =	simm.s32 $0x17A00;
	[smem:$0x7F6] =	sst s19  }
.LBB2_1:
0x41: {  	s12 =	sld [smem:$0x7F2]  }
0x42: {  	s13 =	sld [smem:$0x7F3]  }
0x43: {  	s14 =	sld [smem:$0x7F6];
	_ =	sdelay $0x2  }
0x44: {  	[spmem:s14], [sflag:s13] =	dma.local [hbm:s12], $0xA00  }
0x45: {  	_ =	swait.ge [sflag:s26], $0xA00  }
0x46: {  	s21 =	sld [smem:$0x7F4]  }
0x47: {  	s22 =	simm.s32 $0x200;
	[sflag:s26] =	ssyncset.done $0x0  }
0x48: {  	s23 =	simm.s32 $0x4000;
	s15 =	simm.s32 $0x5000;
	[sflag:s26] =	ssyncadd.s32 $0xFFFFF600  }
0x49: {  	[tilespmem:s15], [sflag:$0x5] =	stream.strided.gather [hbm4b:s21+s22], $0xA00, s23, s22, $0x38;
	[tilespmem:$0x1DA00] =	vst v63  }
0x4a: {  	_ =	swait.ge [sflag:s26], $0xA00  }
0x4b: {  	[sflag:s26] =	ssyncset.done $0x0  }
0x4c: {  	[sflag:s26] =	ssyncadd.s32 $0xFFFFF600  }
0x4d: {  	[bflag:$0x0] =	sbarrier.arrive $0xFFFF  }
0x4e: {  	s15 =	rddreg [dreg:$0x6]  }
0x4f: {  	s16 =	sld [smem:$0x7F7]  }
0x50: {  	[tilespmem:s28], [sflag:$0x1] =	stream.linear.gather [spmem:s15], $0x8000, $0x38;
	[tilespmem:$0x1DA00] =	vst v63  }
0x51: {  	_ = 	snop  }
0x52: {  	[tilespmem:s29], [sflag:$0x2] =	stream.linear.gather [spmem:s16], $0x8000, $0x38;
	[tilespmem:$0x1DA00] =	vst v63  }
0x53: {  	_ =	swait.ge [sflag:s30], $0x8000  }
0x54: {  	s16 =	simm.s32 $0x0;
	[sflag:s30] =	ssyncset.done $0x0  }
0x55: {  	s17 =	sand.u32 $0x3FFFFFF0, s16;
	[sflag:s30] =	ssyncadd.s32 $0xFFFF8000  }
0x56: {  	v1 =	vld [tilespmem:s17+$0x5000]  }
0x57: {  	s18 =	simm.s32 $0x0  }
0x58: {  	s17 =	sand.u32 $0x18, s18  }
0x59: {  	s15 =	sshll.u32 s17, $0xA  }
0x5a: {  	s19 =	sor.u32 $0x1C00, s15  }
0x5b: {  	v2 =	vadd.s32 s19, v1  }
0x5c: {  	s20 =	sor.u32 $0x400, s15;
	v3 =	vadd.s32 s15, v1  }
0x5d: {  	s12 =	simm.s32 $0x4;
	s21 =	sor.u32 $0x800, s15;
	v4 =	vadd.s32 s20, v1  }
0x5e: {  	s18 =	sand.u32 $0x3FFFFFF0, s12;
	s22 =	sor.u32 $0xC00, s15;
	v6 =	vadd.s32 s21, v1  }
0x5f: {  	v0 =	vld [tilespmem:s18+$0x5000];
	s23 =	sor.u32 $0x1000, s15;
	v9 =	vadd.s32 s22, v1  }
0x60: {  	s14 =	simm.s32 $0x8;
	s19 =	sor.u32 $0x1400, s15;
	v8 =	vadd.s32 s23, v1;
	v5 =	vld.idx.msk [tilespmem:v2+s28+$0x0], $0xffff  }
0x61: {  	s13 =	sand.u32 $0x18, s14;
	s16 =	sand.u32 $0x70, s16;
	s20 =	sor.u32 $0x1800, s15;
	v3 =	vld.idx.msk [tilespmem:v3+s28+$0x0], $0xffff;
	v2 =	vadd.s32 s19, v1  }
0x62: {  	s17 =	sshll.u32 s17, $0x9;
	s15 =	sshll.u32 s13, $0xA;
	s21 =	sand.u32 $0xC00, s1;
	v4 =	vld.idx.msk [tilespmem:v4+s28+$0x0], $0xffff;
	v1 =	vadd.s32 s20, v1  }
0x63: {  	s22 =	sor.u32 $0x1C00, s15;
	s17 =	sor.u32 s17, s21;
	s18 =	sor.u32 $0x400, s15;
	v7 =	vld.idx.msk [tilespmem:v6+s28+$0x0], $0xffff  }
0x64: {  	v10 =	vadd.s32 s22, v0;
	s17 =	sor.u32 s16, s17;
	s16 =	simm.s32 $0x0;
	v6 =	vadd.s32 s15, v0;
	s19 =	sor.u32 $0x800, s15;
	v9 =	vld.idx.msk [tilespmem:v9+s28+$0x0], $0xffff  }
.LBB2_2:
0x65: {  	s14 =	sadd.s32 $0x8, s14;
	v11 =	vadd.s32 s18, v0;
	v12 =	vadd.s32 s19, v0;
	s18 =	sor.u32 $0xC00, s15;
	s20 =	sadd.s32 $0x15A00, s17;
	v13 =	vld.idx.msk [tilespmem:v8+s28+$0x0], $0xffff  }
0x66: {  	s21 =	sor.u32 $0x1400, s15;
	s19 =	sshrl.u32 s14, $0x1;
	v14 =	vadd.s32 s18, v0;
	s18 =	sor.u32 $0x1000, s15;
	v15 =	vld.idx.msk [tilespmem:v2+s28+$0x0], $0xffff;
	[tilespmem:s20+$0x380] =	vst v5  }
0x67: {  	p0 =	slt.u32 s14, $0x3F8;
	v2 =	vadd.s32 s21, v0;
	s15 =	sor.u32 $0x1800, s15;
	s22 =	sand.u32 $0x3FFFFFF0, s19;
	v8 =	vadd.s32 s18, v0;
	[tilespmem:s17+$0x15A00] =	vst v3;
	v16 =	vld.idx.msk [tilespmem:v1+s28+$0x0], $0xffff  }
0x68: {  	v1 =	vadd.s32 s15, v0;
	s17 =	smov.u32 s12;
	s12 =	smov.u32 s19;
	s18 =	smov.u32 s13;
	v0 =	vld [tilespmem:s22+$0x5000];
	[tilespmem:s20+$0x80] =	vst v4  }
.Ltmp0:
0x69: {  	v5 =	vld.idx.msk [tilespmem:v10+s28+$0x0], $0xffff;
	[tilespmem:s20+$0x100] =	vst v7;
	(pc) =	sbr.rel @p0 .LBB2_2-.Ltmp0, $4  }
0x6a: {  	s16 =	sadd.s32 $0x20, s16;
	s13 =	sand.u32 $0x18, s14;
	v3 =	vld.idx.msk [tilespmem:v6+s28+$0x0], $0xffff;
	[tilespmem:s20+$0x180] =	vst v9  }
0x6b: {  	s19 =	sand.u32 $0xC00, s16;
	s15 =	sshll.u32 s13, $0xA;
	s18 =	sshll.u32 s18, $0x9;
	v4 =	vld.idx.msk [tilespmem:v11+s28+$0x0], $0xffff;
	[tilespmem:s20+$0x200] =	vst v13  }
0x6c: {  	s17 =	sand.u32 $0x70, s17;
	s21 =	sor.u32 $0x1C00, s15;
	s22 =	sor.u32 s18, s19;
	v7 =	vld.idx.msk [tilespmem:v12+s28+$0x0], $0xffff;
	[tilespmem:s20+$0x280] =	vst v15  }
0x6d: {  	s18 =	sor.u32 $0x400, s15;
	s19 =	sor.u32 $0x800, s15;
	s17 =	sor.u32 s17, s22;
	v6 =	vadd.s32 s15, v0;
	v10 =	vadd.s32 s21, v0;
	v9 =	vld.idx.msk [tilespmem:v14+s28+$0x0], $0xffff;
	[tilespmem:s20+$0x300] =	vst v16  }
0x6e: {  	_ =	sdelay $0x2  }
0x6f: {  	s14 =	sadd.s32 $0x15A00, s17  }
0x70: {  	v11 =	vadd.s32 s18, v0;
	v8 =	vld.idx.msk [tilespmem:v8+s28+$0x0], $0xffff;
	[tilespmem:s14+$0x380] =	vst v5  }
0x71: {  	s21 =	sor.u32 $0xC00, s15;
	v2 =	vld.idx.msk [tilespmem:v2+s28+$0x0], $0xffff;
	v5 =	vadd.s32 s19, v0;
	[tilespmem:s17+$0x15A00] =	vst v3  }
0x72: {  	s22 =	sor.u32 $0x1000, s15;
	v1 =	vld.idx.msk [tilespmem:v1+s28+$0x0], $0xffff;
	v3 =	vadd.s32 s21, v0;
	[tilespmem:s14+$0x80] =	vst v4  }
0x73: {  	s23 =	sor.u32 $0x1400, s15;
	v10 =	vld.idx.msk [tilespmem:v10+s28+$0x0], $0xffff;
	s16 =	sadd.s32 $0x20, s16;
	v4 =	vadd.s32 s22, v0;
	[tilespmem:s14+$0x100] =	vst v7  }
0x74: {  	v6 =	vld.idx.msk [tilespmem:v6+s28+$0x0], $0xffff;
	s13 =	sshll.u32 s13, $0x9;
	s19 =	sor.u32 $0x1800, s15;
	s16 =	sand.u32 $0xC00, s16;
	v7 =	vadd.s32 s23, v0;
	[tilespmem:s14+$0x180] =	vst v9  }
0x75: {  	s12 =	sand.u32 $0x70, s12;
	s13 =	sor.u32 s13, s16;
	v0 =	vadd.s32 s19, v0;
	v9 =	vld.idx.msk [tilespmem:v11+s28+$0x0], $0xffff;
	[tilespmem:s14+$0x200] =	vst v8  }
0x76: {  	s12 =	sor.u32 s12, s13;
	[tilespmem:s14+$0x280] =	vst v2;
	v5 =	vld.idx.msk [tilespmem:v5+s28+$0x0], $0xffff  }
0x77: {  	s13 =	sadd.s32 $0x15A00, s12;
	[tilespmem:s14+$0x300] =	vst v1;
	v2 =	vld.idx.msk [tilespmem:v3+s28+$0x0], $0xffff  }
0x78: {  	[tilespmem:s13+$0x380] =	vst v10;
	v1 =	vld.idx.msk [tilespmem:v4+s28+$0x0], $0xffff  }
0x79: {  	[tilespmem:s12+$0x15A00] =	vst v6;
	v3 =	vld.idx.msk [tilespmem:v7+s28+$0x0], $0xffff  }
0x7a: {  	v0 =	vld.idx.msk [tilespmem:v0+s28+$0x0], $0xffff;
	[tilespmem:s13+$0x80] =	vst v9  }
0x7b: {  	[tilespmem:s13+$0x100] =	vst v5  }
0x7c: {  	[tilespmem:s13+$0x180] =	vst v2  }
0x7d: {  	[tilespmem:s13+$0x200] =	vst v1  }
0x7e: {  	[tilespmem:s13+$0x280] =	vst v3  }
0x7f: {  	[tilespmem:s13+$0x300] =	vst v0  }
0x80: {  	s13 =	rddreg [dreg:$0x8]  }
0x81: {  	s12 =	simm.s32 $0x0;
	s20 =	rddreg [dreg:$0x9]  }
0x82: {  	[hbm4b:s13+s12] =	stream.linear.scatter [tilespmem:s31], [sflag:$0x3], $0x1000, $0x38;
	[tilespmem:$0x1DA00] =	vst v63  }
0x83: {  	s21 =	rddreg [dreg:$0xa]  }
0x84: {  	[hbm4b:s20+s12] =	stream.linear.scatter [tilespmem:s0], [sflag:$0x3], $0x1000, $0x38;
	[tilespmem:$0x1DA00] =	vst v63  }
0x85: {  	s22 =	rddreg [dreg:$0xb]  }
0x86: {  	[hbm4b:s21+s12] =	stream.linear.scatter [tilespmem:s2], [sflag:$0x3], $0x1000, $0x38;
	[tilespmem:$0x1DA00] =	vst v63  }
0x87: {  	s23 =	sld [smem:$0x7F8]  }
0x88: {  	[hbm4b:s22+s12] =	stream.linear.scatter [tilespmem:s3], [sflag:$0x3], $0x1000, $0x38;
	[tilespmem:$0x1DA00] =	vst v63  }
0x89: {  	_ = 	snop  }
0x8a: {  	[tilespmem:s28], [sflag:$0x1] =	stream.linear.gather [spmem:s23], $0x8000, $0x38;
	[tilespmem:$0x1DA00] =	vst v63  }
0x8b: {  	_ =	swait.ge [sflag:s4], $0x8000  }
0x8c: {  	s17 =	simm.s32 $0x0;
	[sflag:s4] =	ssyncset.done $0x0  }
0x8d: {  	s14 =	sand.u32 $0x3FFFFFF0, s17;
	[sflag:s4] =	ssyncadd.s32 $0xFFFF8000  }
0x8e: {  	v1 =	vld [tilespmem:s14+$0x5000]  }
0x8f: {  	s15 =	simm.s32 $0x0  }
0x90: {  	s18 =	sand.u32 $0x18, s15  }
0x91: {  	s14 =	sshll.u32 s18, $0xA  }
0x92: {  	s16 =	sor.u32 $0x1C00, s14  }
0x93: {  	v2 =	vadd.s32 s16, v1  }
0x94: {  	s19 =	sor.u32 $0x400, s14;
	v3 =	vadd.s32 s14, v1  }
0x95: {  	s13 =	simm.s32 $0x4;
	s20 =	sor.u32 $0x800, s14;
	v4 =	vadd.s32 s19, v1  }
0x96: {  	s22 =	sand.u32 $0x3FFFFFF0, s13;
	s21 =	sor.u32 $0xC00, s14;
	v5 =	vadd.s32 s20, v1  }
0x97: {  	v0 =	vld [tilespmem:s22+$0x5000];
	s23 =	sor.u32 $0x1000, s14;
	v9 =	vadd.s32 s21, v1  }
0x98: {  	s15 =	simm.s32 $0x8;
	s20 =	sor.u32 $0x1400, s14;
	v8 =	vadd.s32 s23, v1;
	v6 =	vld.idx.msk [tilespmem:v2+s29+$0x0], $0xffff  }
0x99: {  	s21 =	sor.u32 $0x1800, s14;
	s14 =	sand.u32 $0x18, s15;
	v3 =	vld.idx.msk [tilespmem:v3+s29+$0x0], $0xffff;
	v2 =	vadd.s32 s20, v1  }
0x9a: {  	s22 =	sand.u32 $0xC00, s12;
	s18 =	sshll.u32 s18, $0x9;
	s16 =	sshll.u32 s14, $0xA;
	v4 =	vld.idx.msk [tilespmem:v4+s29+$0x0], $0xffff;
	v1 =	vadd.s32 s21, v1  }
0x9b: {  	s17 =	sand.u32 $0x70, s17;
	s22 =	sor.u32 s18, s22;
	s23 =	sor.u32 $0x1C00, s16;
	v7 =	vld.idx.msk [tilespmem:v5+s29+$0x0], $0xffff  }
0x9c: {  	s17 =	sor.u32 s17, s22;
	s19 =	sor.u32 $0x400, s16;
	s18 =	sor.u32 $0x800, s16;
	v10 =	vadd.s32 s23, v0;
	v5 =	vadd.s32 s16, v0;
	v9 =	vld.idx.msk [tilespmem:v9+s29+$0x0], $0xffff  }
.LBB2_4:
0x9d: {  	s15 =	sadd.s32 $0x8, s15;
	v11 =	vadd.s32 s19, v0;
	v12 =	vadd.s32 s18, v0;
	s18 =	sor.u32 $0xC00, s16;
	s20 =	sadd.s32 $0x19A00, s17;
	v13 =	vld.idx.msk [tilespmem:v8+s29+$0x0], $0xffff  }
0x9e: {  	s21 =	sor.u32 $0x1400, s16;
	s19 =	sshrl.u32 s15, $0x1;
	v14 =	vadd.s32 s18, v0;
	s18 =	sor.u32 $0x1000, s16;
	v15 =	vld.idx.msk [tilespmem:v2+s29+$0x0], $0xffff;
	[tilespmem:s20+$0x380] =	vst v6  }
0x9f: {  	p0 =	slt.u32 s15, $0x3F8;
	v2 =	vadd.s32 s21, v0;
	s16 =	sor.u32 $0x1800, s16;
	s22 =	sand.u32 $0x3FFFFFF0, s19;
	v8 =	vadd.s32 s18, v0;
	[tilespmem:s17+$0x19A00] =	vst v3;
	v16 =	vld.idx.msk [tilespmem:v1+s29+$0x0], $0xffff  }
0xa0: {  	v1 =	vadd.s32 s16, v0;
	s17 =	smov.u32 s13;
	s13 =	smov.u32 s19;
	s18 =	smov.u32 s14;
	v0 =	vld [tilespmem:s22+$0x5000];
	[tilespmem:s20+$0x80] =	vst v4  }
.Ltmp1:
0xa1: {  	v6 =	vld.idx.msk [tilespmem:v10+s29+$0x0], $0xffff;
	[tilespmem:s20+$0x100] =	vst v7;
	(pc) =	sbr.rel @p0 .LBB2_4-.Ltmp1, $4  }
0xa2: {  	s12 =	sadd.s32 $0x20, s12;
	s14 =	sand.u32 $0x18, s15;
	v3 =	vld.idx.msk [tilespmem:v5+s29+$0x0], $0xffff;
	[tilespmem:s20+$0x180] =	vst v9  }
0xa3: {  	s19 =	sand.u32 $0xC00, s12;
	s16 =	sshll.u32 s14, $0xA;
	s18 =	sshll.u32 s18, $0x9;
	v4 =	vld.idx.msk [tilespmem:v11+s29+$0x0], $0xffff;
	[tilespmem:s20+$0x200] =	vst v13  }
0xa4: {  	s17 =	sand.u32 $0x70, s17;
	s21 =	sor.u32 $0x1C00, s16;
	s22 =	sor.u32 s18, s19;
	v7 =	vld.idx.msk [tilespmem:v12+s29+$0x0], $0xffff;
	[tilespmem:s20+$0x280] =	vst v15  }
0xa5: {  	s19 =	sor.u32 $0x400, s16;
	s18 =	sor.u32 $0x800, s16;
	s17 =	sor.u32 s17, s22;
	v5 =	vadd.s32 s16, v0;
	v10 =	vadd.s32 s21, v0;
	v9 =	vld.idx.msk [tilespmem:v14+s29+$0x0], $0xffff;
	[tilespmem:s20+$0x300] =	vst v16  }
0xa6: {  	_ =	sdelay $0x2  }
0xa7: {  	s15 =	sadd.s32 $0x19A00, s17  }
0xa8: {  	v11 =	vadd.s32 s19, v0;
	v8 =	vld.idx.msk [tilespmem:v8+s29+$0x0], $0xffff;
	[tilespmem:s15+$0x380] =	vst v6  }
0xa9: {  	s20 =	sor.u32 $0xC00, s16;
	v2 =	vld.idx.msk [tilespmem:v2+s29+$0x0], $0xffff;
	v6 =	vadd.s32 s18, v0;
	[tilespmem:s17+$0x19A00] =	vst v3  }
0xaa: {  	s21 =	sor.u32 $0x1000, s16;
	v1 =	vld.idx.msk [tilespmem:v1+s29+$0x0], $0xffff;
	v3 =	vadd.s32 s20, v0;
	[tilespmem:s15+$0x80] =	vst v4  }
0xab: {  	s22 =	sor.u32 $0x1400, s16;
	v10 =	vld.idx.msk [tilespmem:v10+s29+$0x0], $0xffff;
	s12 =	sadd.s32 $0x20, s12;
	v4 =	vadd.s32 s21, v0;
	[tilespmem:s15+$0x100] =	vst v7  }
0xac: {  	s23 =	sor.u32 $0x1800, s16;
	v5 =	vld.idx.msk [tilespmem:v5+s29+$0x0], $0xffff;
	s14 =	sshll.u32 s14, $0x9;
	s12 =	sand.u32 $0xC00, s12;
	v7 =	vadd.s32 s22, v0;
	[tilespmem:s15+$0x180] =	vst v9  }
0xad: {  	s13 =	sand.u32 $0x70, s13;
	s12 =	sor.u32 s14, s12;
	v0 =	vadd.s32 s23, v0;
	v9 =	vld.idx.msk [tilespmem:v11+s29+$0x0], $0xffff;
	[tilespmem:s15+$0x200] =	vst v8  }
0xae: {  	s12 =	sor.u32 s13, s12;
	[tilespmem:s15+$0x280] =	vst v2;
	v6 =	vld.idx.msk [tilespmem:v6+s29+$0x0], $0xffff  }
0xaf: {  	s13 =	sadd.s32 $0x19A00, s12;
	[tilespmem:s15+$0x300] =	vst v1;
	v2 =	vld.idx.msk [tilespmem:v3+s29+$0x0], $0xffff  }
0xb0: {  	[tilespmem:s13+$0x380] =	vst v10;
	v1 =	vld.idx.msk [tilespmem:v4+s29+$0x0], $0xffff  }
0xb1: {  	[tilespmem:s12+$0x19A00] =	vst v5;
	v3 =	vld.idx.msk [tilespmem:v7+s29+$0x0], $0xffff  }
0xb2: {  	v0 =	vld.idx.msk [tilespmem:v0+s29+$0x0], $0xffff;
	[tilespmem:s13+$0x80] =	vst v9  }
0xb3: {  	[tilespmem:s13+$0x100] =	vst v6  }
0xb4: {  	[tilespmem:s13+$0x180] =	vst v2  }
0xb5: {  	[tilespmem:s13+$0x200] =	vst v1  }
0xb6: {  	[tilespmem:s13+$0x280] =	vst v3  }
0xb7: {  	[tilespmem:s13+$0x300] =	vst v0  }
0xb8: {  	s13 =	rddreg [dreg:$0xc]  }
0xb9: {  	s12 =	simm.s32 $0x0;
	s17 =	rddreg [dreg:$0xd]  }
0xba: {  	[hbm4b:s13+s12] =	stream.linear.scatter [tilespmem:s5], [sflag:$0x4], $0x1000, $0x38;
	[tilespmem:$0x1DA00] =	vst v63  }
0xbb: {  	s18 =	rddreg [dreg:$0xe]  }
0xbc: {  	[hbm4b:s17+s12] =	stream.linear.scatter [tilespmem:s6], [sflag:$0x4], $0x1000, $0x38;
	[tilespmem:$0x1DA00] =	vst v63  }
0xbd: {  	s19 =	rddreg [dreg:$0xf]  }
0xbe: {  	[hbm4b:s18+s12] =	stream.linear.scatter [tilespmem:s7], [sflag:$0x4], $0x1000, $0x38;
	[tilespmem:$0x1DA00] =	vst v63  }
0xbf: {  	s20 =	sld [smem:$0x7F9]  }
0xc0: {  	[hbm4b:s19+s12] =	stream.linear.scatter [tilespmem:s8], [sflag:$0x4], $0x1000, $0x38;
	[tilespmem:$0x1DA00] =	vst v63  }
0xc1: {  	_ = 	snop  }
0xc2: {  	[tilespmem:s29], [sflag:$0x2] =	stream.linear.gather [spmem:s20], $0x8000, $0x38;
	[tilespmem:$0x1DA00] =	vst v63  }
0xc3: {  	_ =	swait.ge [sflag:s30], $0x8000  }
0xc4: {  	[sflag:s30] =	ssyncset.done $0x0  }
0xc5: {  	[sflag:s30] =	ssyncadd.s32 $0xFFFF8000  }
0xc6: {  	_ =	swait.ge [sflag:s9], $0x1000  }
0xc7: {  	[sflag:s9] =	ssyncset.done $0x0  }
0xc8: {  	[sflag:s9] =	ssyncadd.s32 $0xFFFFF000  }
0xc9: {  	_ =	swait.ge [sflag:s9], $0x1000  }
0xca: {  	[sflag:s9] =	ssyncset.done $0x0  }
0xcb: {  	[sflag:s9] =	ssyncadd.s32 $0xFFFFF000  }
0xcc: {  	_ =	swait.ge [sflag:s9], $0x1000  }
0xcd: {  	[sflag:s9] =	ssyncset.done $0x0  }
0xce: {  	[sflag:s9] =	ssyncadd.s32 $0xFFFFF000  }
0xcf: {  	_ =	swait.ge [sflag:s9], $0x1000  }
0xd0: {  	[sflag:s9] =	ssyncset.done $0x0  }
0xd1: {  	s21 =	sand.u32 $0x1F0, s12;
	[sflag:s9] =	ssyncadd.s32 $0xFFFFF000  }
0xd2: {  	v1 =	vld [tilespmem:s21+$0x5200]  }
0xd3: {  	s22 =	simm.s32 $0x0  }
0xd4: {  	s16 =	sand.u32 $0x18, s22  }
0xd5: {  	s23 =	sshll.u32 s16, $0xA  }
0xd6: {  	s14 =	sor.u32 $0x1C00, s23  }
0xd7: {  	v2 =	vadd.s32 s14, v1  }
0xd8: {  	s17 =	sor.u32 $0x400, s23;
	v3 =	vadd.s32 s23, v1  }
0xd9: {  	s13 =	simm.s32 $0x4;
	s18 =	sor.u32 $0x800, s23;
	v4 =	vadd.s32 s17, v1  }
0xda: {  	s19 =	sor.u32 $0xC00, s23;
	s20 =	sand.u32 $0x1F0, s13;
	v7 =	vadd.s32 s18, v1  }
0xdb: {  	s21 =	sor.u32 $0x1000, s23;
	v0 =	vld [tilespmem:s20+$0x5200];
	v9 =	vadd.s32 s19, v1  }
0xdc: {  	s22 =	sor.u32 $0x1400, s23;
	v11 =	vadd.s32 s21, v1;
	s14 =	simm.s32 $0x8;
	v14 =	vld.idx.msk [tilespmem:v2+s28+$0x0], $0xffff  }
0xdd: {  	s23 =	sor.u32 $0x1800, s23;
	v12 =	vadd.s32 s22, v1;
	s15 =	sand.u32 $0x18, s14;
	v5 =	vld.idx.msk [tilespmem:v3+s28+$0x0], $0xffff  }
0xde: {  	s16 =	sshll.u32 s16, $0x9;
	s22 =	sand.u32 $0xC00, s12;
	s17 =	sshll.u32 s15, $0xA;
	v6 =	vld.idx.msk [tilespmem:v4+s28+$0x0], $0xffff;
	v2 =	vadd.s32 s23, v1  }
0xdf: {  	s21 =	sand.u32 $0x70, s12;
	s16 =	sor.u32 s16, s22;
	s20 =	sor.u32 $0x1C00, s17;
	v8 =	vld.idx.msk [tilespmem:v7+s28+$0x0], $0xffff  }
0xe0: {  	s18 =	sor.u32 s21, s16;
	s22 =	sor.u32 $0x800, s17;
	v13 =	vadd.s32 s20, v0;
	s23 =	sor.u32 $0x400, s17;
	v10 =	vld.idx.msk [tilespmem:v9+s28+$0x0], $0xffff  }
0xe1: {  	s16 =	sadd.s32 $0x15A00, s18;
	v7 =	vadd.s32 s17, v0;
	v3 =	vadd.s32 s22, v0;
	s22 =	sor.u32 $0xC00, s17;
	v11 =	vld.idx.msk [tilespmem:v11+s28+$0x0], $0xffff;
	v9 =	vadd.s32 s23, v0;
	s23 =	sor.u32 $0x1000, s17  }
0xe2: {  	s19 =	sor.u32 $0x1800, s17;
	s20 =	sor.u32 $0x1400, s17;
	v12 =	vld.idx.msk [tilespmem:v12+s28+$0x0], $0xffff;
	v4 =	vadd.s32 s22, v0;
	s17 =	simm.s32 $0x8;
	v1 =	vadd.s32 s23, v0;
	[tilespmem:s16+$0x380] =	vst v14  }
.LBB2_6:
0xe3: {  	s21 =	sand.u32 $0x1F0, s17;
	v14 =	vadd.s32 s20, v0;
	[tilespmem:s18+$0x15A00] =	vst v5;
	v15 =	vld.idx.msk [tilespmem:v2+s28+$0x0], $0xffff;
	v2 =	vadd.s32 s19, v0;
	s18 =	smov.u32 s15;
	s19 =	smov.u32 s13  }
0xe4: {  	s13 =	smov.u32 s17;
	v0 =	vld [tilespmem:s21+$0x5200];
	[tilespmem:s16+$0x80] =	vst v6  }
0xe5: {  	s14 =	sadd.s32 $0x8, s14;
	s12 =	sadd.s32 $0x20, s12;
	v16 =	vld.idx.msk [tilespmem:v13+s28+$0x0], $0xffff;
	[tilespmem:s16+$0x100] =	vst v8  }
0xe6: {  	s15 =	sand.u32 $0x18, s14;
	p0 =	slt.u32 s14, $0x3F8;
	s20 =	sand.u32 $0xC00, s12;
	v5 =	vld.idx.msk [tilespmem:v7+s28+$0x0], $0xffff;
	[tilespmem:s16+$0x180] =	vst v10  }
.Ltmp2:
0xe7: {  	s18 =	sshll.u32 s18, $0x9;
	s21 =	sshll.u32 s15, $0xA;
	v6 =	vld.idx.msk [tilespmem:v9+s28+$0x0], $0xffff;
	[tilespmem:s16+$0x200] =	vst v11;
	(pc) =	sbr.rel @p0 .LBB2_6-.Ltmp2, $4  }
0xe8: {  	s19 =	sand.u32 $0x70, s19;
	s18 =	sor.u32 s18, s20;
	s22 =	sor.u32 $0x1C00, s21;
	v8 =	vld.idx.msk [tilespmem:v3+s28+$0x0], $0xffff;
	[tilespmem:s16+$0x280] =	vst v12  }
0xe9: {  	s20 =	sor.u32 $0x400, s21;
	s23 =	sor.u32 $0x800, s21;
	s18 =	sor.u32 s19, s18;
	v7 =	vadd.s32 s21, v0;
	v13 =	vadd.s32 s22, v0;
	v10 =	vld.idx.msk [tilespmem:v4+s28+$0x0], $0xffff;
	[tilespmem:s16+$0x300] =	vst v15  }
0xea: {  	s19 =	sor.u32 $0xC00, s21;
	v9 =	vadd.s32 s20, v0;
	v3 =	vadd.s32 s23, v0;
	s20 =	sor.u32 $0x1000, s21;
	s16 =	sadd.s32 $0x15A00, s18;
	v11 =	vld.idx.msk [tilespmem:v1+s28+$0x0], $0xffff  }
0xeb: {  	s17 =	sadd.s32 $0x4, s17;
	v4 =	vadd.s32 s19, v0;
	s19 =	sor.u32 $0x1800, s21;
	v1 =	vadd.s32 s20, v0;
	s20 =	sor.u32 $0x1400, s21;
	v12 =	vld.idx.msk [tilespmem:v14+s28+$0x0], $0xffff;
	[tilespmem:s16+$0x380] =	vst v16  }
0xec: {  	_ =	sdelay $0x2  }
0xed: {  	[tilespmem:s18+$0x15A00] =	vst v5  }
0xee: {  	v2 =	vld.idx.msk [tilespmem:v2+s28+$0x0], $0xffff;
	[tilespmem:s16+$0x80] =	vst v6  }
0xef: {  	v5 =	vld.idx.msk [tilespmem:v13+s28+$0x0], $0xffff;
	s12 =	sadd.s32 $0x20, s12;
	[tilespmem:s16+$0x100] =	vst v8  }
0xf0: {  	v6 =	vadd.s32 s20, v0;
	v7 =	vld.idx.msk [tilespmem:v7+s28+$0x0], $0xffff;
	s14 =	sshll.u32 s15, $0x9;
	s12 =	sand.u32 $0xC00, s12;
	[tilespmem:s16+$0x180] =	vst v10  }
0xf1: {  	v0 =	vadd.s32 s19, v0;
	s13 =	sand.u32 $0x70, s13;
	v3 =	vld.idx.msk [tilespmem:v3+s28+$0x0], $0xffff;
	s12 =	sor.u32 s14, s12;
	[tilespmem:s16+$0x200] =	vst v11  }
0xf2: {  	v4 =	vld.idx.msk [tilespmem:v4+s28+$0x0], $0xffff;
	s12 =	sor.u32 s13, s12;
	[tilespmem:s16+$0x280] =	vst v12  }
0xf3: {  	v1 =	vld.idx.msk [tilespmem:v1+s28+$0x0], $0xffff;
	s13 =	sadd.s32 $0x15A00, s12;
	[tilespmem:s16+$0x300] =	vst v2  }
0xf4: {  	v8 =	vld.idx.msk [tilespmem:v9+s28+$0x0], $0xffff;
	[tilespmem:s13+$0x380] =	vst v5  }
0xf5: {  	v2 =	vld.idx.msk [tilespmem:v6+s28+$0x0], $0xffff;
	[tilespmem:s12+$0x15A00] =	vst v7  }
0xf6: {  	v0 =	vld.idx.msk [tilespmem:v0+s28+$0x0], $0xffff;
	[tilespmem:s13+$0x100] =	vst v3  }
0xf7: {  	[tilespmem:s13+$0x180] =	vst v4  }
0xf8: {  	[tilespmem:s13+$0x200] =	vst v1  }
0xf9: {  	[tilespmem:s13+$0x80] =	vst v8  }
0xfa: {  	[tilespmem:s13+$0x280] =	vst v2  }
0xfb: {  	[tilespmem:s13+$0x300] =	vst v0  }
0xfc: {  	s13 =	rddreg [dreg:$0x10]  }
0xfd: {  	s12 =	simm.s32 $0x0;
	s17 =	rddreg [dreg:$0x11]  }
0xfe: {  	[hbm4b:s13+s12] =	stream.linear.scatter [tilespmem:s31], [sflag:$0x3], $0x1000, $0x38;
	[tilespmem:$0x1DA00] =	vst v63  }
0xff: {  	s18 =	rddreg [dreg:$0x12]  }
0x100: {  	[hbm4b:s17+s12] =	stream.linear.scatter [tilespmem:s0], [sflag:$0x3], $0x1000, $0x38;
	[tilespmem:$0x1DA00] =	vst v63  }
0x101: {  	s19 =	rddreg [dreg:$0x13]  }
0x102: {  	[hbm4b:s18+s12] =	stream.linear.scatter [tilespmem:s2], [sflag:$0x3], $0x1000, $0x38;
	[tilespmem:$0x1DA00] =	vst v63  }
0x103: {  	s20 =	sld [smem:$0x7FA]  }
0x104: {  	[hbm4b:s19+s12] =	stream.linear.scatter [tilespmem:s3], [sflag:$0x3], $0x1000, $0x38;
	[tilespmem:$0x1DA00] =	vst v63  }
0x105: {  	_ = 	snop  }
0x106: {  	[tilespmem:s28], [sflag:$0x1] =	stream.linear.gather [spmem:s20], $0x8000, $0x38;
	[tilespmem:$0x1DA00] =	vst v63  }
0x107: {  	_ =	swait.ge [sflag:s4], $0x8000  }
0x108: {  	[sflag:s4] =	ssyncset.done $0x0  }
0x109: {  	[sflag:s4] =	ssyncadd.s32 $0xFFFF8000  }
0x10a: {  	_ =	swait.ge [sflag:s10], $0x1000  }
0x10b: {  	[sflag:s10] =	ssyncset.done $0x0  }
0x10c: {  	[sflag:s10] =	ssyncadd.s32 $0xFFFFF000  }
0x10d: {  	_ =	swait.ge [sflag:s10], $0x1000  }
0x10e: {  	[sflag:s10] =	ssyncset.done $0x0  }
0x10f: {  	[sflag:s10] =	ssyncadd.s32 $0xFFFFF000  }
0x110: {  	_ =	swait.ge [sflag:s10], $0x1000  }
0x111: {  	[sflag:s10] =	ssyncset.done $0x0  }
0x112: {  	[sflag:s10] =	ssyncadd.s32 $0xFFFFF000  }
0x113: {  	_ =	swait.ge [sflag:s10], $0x1000  }
0x114: {  	[sflag:s10] =	ssyncset.done $0x0  }
0x115: {  	s21 =	sand.u32 $0x1F0, s12;
	[sflag:s10] =	ssyncadd.s32 $0xFFFFF000  }
0x116: {  	v1 =	vld [tilespmem:s21+$0x5200]  }
0x117: {  	s22 =	simm.s32 $0x0  }
0x118: {  	s16 =	sand.u32 $0x18, s22  }
0x119: {  	s23 =	sshll.u32 s16, $0xA  }
0x11a: {  	s17 =	sor.u32 $0x1C00, s23  }
0x11b: {  	v2 =	vadd.s32 s17, v1  }
0x11c: {  	s18 =	sor.u32 $0x400, s23;
	v3 =	vadd.s32 s23, v1  }
0x11d: {  	s13 =	simm.s32 $0x4;
	s19 =	sor.u32 $0x800, s23;
	v4 =	vadd.s32 s18, v1  }
0x11e: {  	s20 =	sor.u32 $0xC00, s23;
	v7 =	vadd.s32 s19, v1;
	s17 =	sand.u32 $0x1F0, s13  }
0x11f: {  	s21 =	sor.u32 $0x1000, s23;
	v9 =	vadd.s32 s20, v1;
	v0 =	vld [tilespmem:s17+$0x5200]  }
0x120: {  	s14 =	simm.s32 $0x8;
	s22 =	sor.u32 $0x1400, s23;
	v11 =	vadd.s32 s21, v1;
	v14 =	vld.idx.msk [tilespmem:v2+s29+$0x0], $0xffff  }
0x121: {  	s15 =	sand.u32 $0x18, s14;
	s23 =	sor.u32 $0x1800, s23;
	v12 =	vadd.s32 s22, v1;
	v5 =	vld.idx.msk [tilespmem:v3+s29+$0x0], $0xffff  }
0x122: {  	s16 =	sshll.u32 s16, $0x9;
	s22 =	sand.u32 $0xC00, s12;
	s17 =	sshll.u32 s15, $0xA;
	v6 =	vld.idx.msk [tilespmem:v4+s29+$0x0], $0xffff;
	v2 =	vadd.s32 s23, v1  }
0x123: {  	s21 =	sand.u32 $0x70, s12;
	s16 =	sor.u32 s16, s22;
	s20 =	sor.u32 $0x1C00, s17;
	v8 =	vld.idx.msk [tilespmem:v7+s29+$0x0], $0xffff  }
0x124: {  	s22 =	sor.u32 $0x800, s17;
	s18 =	sor.u32 s21, s16;
	s23 =	sor.u32 $0x400, s17;
	v10 =	vld.idx.msk [tilespmem:v9+s29+$0x0], $0xffff;
	v13 =	vadd.s32 s20, v0  }
0x125: {  	s16 =	sadd.s32 $0x19A00, s18;
	v11 =	vld.idx.msk [tilespmem:v11+s29+$0x0], $0xffff;
	v7 =	vadd.s32 s17, v0;
	v9 =	vadd.s32 s23, v0;
	v3 =	vadd.s32 s22, v0;
	s22 =	sor.u32 $0xC00, s17;
	s23 =	sor.u32 $0x1000, s17  }
0x126: {  	s19 =	sor.u32 $0x1800, s17;
	v12 =	vld.idx.msk [tilespmem:v12+s29+$0x0], $0xffff;
	s20 =	sor.u32 $0x1400, s17;
	s17 =	simm.s32 $0x8;
	v4 =	vadd.s32 s22, v0;
	v1 =	vadd.s32 s23, v0;
	[tilespmem:s16+$0x380] =	vst v14  }
.LBB2_8:
0x127: {  	s21 =	sand.u32 $0x1F0, s17;
	v14 =	vadd.s32 s20, v0;
	[tilespmem:s18+$0x19A00] =	vst v5;
	v15 =	vld.idx.msk [tilespmem:v2+s29+$0x0], $0xffff;
	v2 =	vadd.s32 s19, v0;
	s18 =	smov.u32 s15;
	s19 =	smov.u32 s13  }
0x128: {  	s13 =	smov.u32 s17;
	v0 =	vld [tilespmem:s21+$0x5200];
	[tilespmem:s16+$0x80] =	vst v6  }
0x129: {  	s14 =	sadd.s32 $0x8, s14;
	s12 =	sadd.s32 $0x20, s12;
	v16 =	vld.idx.msk [tilespmem:v13+s29+$0x0], $0xffff;
	[tilespmem:s16+$0x100] =	vst v8  }
0x12a: {  	s15 =	sand.u32 $0x18, s14;
	p0 =	slt.u32 s14, $0x3F8;
	s20 =	sand.u32 $0xC00, s12;
	v5 =	vld.idx.msk [tilespmem:v7+s29+$0x0], $0xffff;
	[tilespmem:s16+$0x180] =	vst v10  }
.Ltmp3:
0x12b: {  	s18 =	sshll.u32 s18, $0x9;
	s21 =	sshll.u32 s15, $0xA;
	v6 =	vld.idx.msk [tilespmem:v9+s29+$0x0], $0xffff;
	[tilespmem:s16+$0x200] =	vst v11;
	(pc) =	sbr.rel @p0 .LBB2_8-.Ltmp3, $4  }
0x12c: {  	s19 =	sand.u32 $0x70, s19;
	s18 =	sor.u32 s18, s20;
	s22 =	sor.u32 $0x1C00, s21;
	v8 =	vld.idx.msk [tilespmem:v3+s29+$0x0], $0xffff;
	[tilespmem:s16+$0x280] =	vst v12  }
0x12d: {  	s20 =	sor.u32 $0x400, s21;
	s23 =	sor.u32 $0x800, s21;
	s18 =	sor.u32 s19, s18;
	v7 =	vadd.s32 s21, v0;
	v13 =	vadd.s32 s22, v0;
	v10 =	vld.idx.msk [tilespmem:v4+s29+$0x0], $0xffff;
	[tilespmem:s16+$0x300] =	vst v15  }
0x12e: {  	s19 =	sor.u32 $0xC00, s21;
	v9 =	vadd.s32 s20, v0;
	v3 =	vadd.s32 s23, v0;
	s20 =	sor.u32 $0x1000, s21;
	s16 =	sadd.s32 $0x19A00, s18;
	v11 =	vld.idx.msk [tilespmem:v1+s29+$0x0], $0xffff  }
0x12f: {  	s17 =	sadd.s32 $0x4, s17;
	v4 =	vadd.s32 s19, v0;
	s19 =	sor.u32 $0x1800, s21;
	v1 =	vadd.s32 s20, v0;
	s20 =	sor.u32 $0x1400, s21;
	v12 =	vld.idx.msk [tilespmem:v14+s29+$0x0], $0xffff;
	[tilespmem:s16+$0x380] =	vst v16  }
0x130: {  	_ =	sdelay $0x2  }
0x131: {  	[tilespmem:s18+$0x19A00] =	vst v5  }
0x132: {  	v2 =	vld.idx.msk [tilespmem:v2+s29+$0x0], $0xffff;
	[tilespmem:s16+$0x80] =	vst v6  }
0x133: {  	v5 =	vld.idx.msk [tilespmem:v13+s29+$0x0], $0xffff;
	s12 =	sadd.s32 $0x20, s12;
	[tilespmem:s16+$0x100] =	vst v8  }
0x134: {  	v6 =	vadd.s32 s20, v0;
	v7 =	vld.idx.msk [tilespmem:v7+s29+$0x0], $0xffff;
	s14 =	sshll.u32 s15, $0x9;
	s12 =	sand.u32 $0xC00, s12;
	[tilespmem:s16+$0x180] =	vst v10  }
0x135: {  	v0 =	vadd.s32 s19, v0;
	s13 =	sand.u32 $0x70, s13;
	v3 =	vld.idx.msk [tilespmem:v3+s29+$0x0], $0xffff;
	s12 =	sor.u32 s14, s12;
	[tilespmem:s16+$0x200] =	vst v11  }
0x136: {  	v4 =	vld.idx.msk [tilespmem:v4+s29+$0x0], $0xffff;
	s12 =	sor.u32 s13, s12;
	[tilespmem:s16+$0x280] =	vst v12  }
0x137: {  	v1 =	vld.idx.msk [tilespmem:v1+s29+$0x0], $0xffff;
	s13 =	sadd.s32 $0x19A00, s12;
	[tilespmem:s16+$0x300] =	vst v2  }
0x138: {  	v8 =	vld.idx.msk [tilespmem:v9+s29+$0x0], $0xffff;
	[tilespmem:s13+$0x380] =	vst v5  }
0x139: {  	v2 =	vld.idx.msk [tilespmem:v6+s29+$0x0], $0xffff;
	[tilespmem:s12+$0x19A00] =	vst v7  }
0x13a: {  	v0 =	vld.idx.msk [tilespmem:v0+s29+$0x0], $0xffff;
	[tilespmem:s13+$0x100] =	vst v3  }
0x13b: {  	[tilespmem:s13+$0x180] =	vst v4  }
0x13c: {  	[tilespmem:s13+$0x200] =	vst v1  }
0x13d: {  	[tilespmem:s13+$0x80] =	vst v8  }
0x13e: {  	[tilespmem:s13+$0x280] =	vst v2  }
0x13f: {  	[tilespmem:s13+$0x300] =	vst v0  }
0x140: {  	s13 =	rddreg [dreg:$0x14]  }
0x141: {  	s12 =	simm.s32 $0x0;
	s17 =	rddreg [dreg:$0x15]  }
0x142: {  	[hbm4b:s13+s12] =	stream.linear.scatter [tilespmem:s5], [sflag:$0x4], $0x1000, $0x38;
	[tilespmem:$0x1DA00] =	vst v63  }
0x143: {  	s18 =	rddreg [dreg:$0x16]  }
0x144: {  	[hbm4b:s17+s12] =	stream.linear.scatter [tilespmem:s6], [sflag:$0x4], $0x1000, $0x38;
	[tilespmem:$0x1DA00] =	vst v63  }
0x145: {  	s19 =	rddreg [dreg:$0x17]  }
0x146: {  	[hbm4b:s18+s12] =	stream.linear.scatter [tilespmem:s7], [sflag:$0x4], $0x1000, $0x38;
	[tilespmem:$0x1DA00] =	vst v63  }
0x147: {  	s20 =	sld [smem:$0x7FB]  }
0x148: {  	[hbm4b:s19+s12] =	stream.linear.scatter [tilespmem:s8], [sflag:$0x4], $0x1000, $0x38;
	[tilespmem:$0x1DA00] =	vst v63  }
0x149: {  	_ = 	snop  }
0x14a: {  	[tilespmem:s29], [sflag:$0x2] =	stream.linear.gather [spmem:s20], $0x8000, $0x38;
	[tilespmem:$0x1DA00] =	vst v63  }
0x14b: {  	_ =	swait.ge [sflag:s30], $0x8000  }
0x14c: {  	[sflag:s30] =	ssyncset.done $0x0  }
0x14d: {  	[sflag:s30] =	ssyncadd.s32 $0xFFFF8000  }
0x14e: {  	_ =	swait.ge [sflag:s9], $0x1000  }
0x14f: {  	[sflag:s9] =	ssyncset.done $0x0  }
0x150: {  	[sflag:s9] =	ssyncadd.s32 $0xFFFFF000  }
0x151: {  	_ =	swait.ge [sflag:s9], $0x1000  }
0x152: {  	[sflag:s9] =	ssyncset.done $0x0  }
0x153: {  	[sflag:s9] =	ssyncadd.s32 $0xFFFFF000  }
0x154: {  	_ =	swait.ge [sflag:s9], $0x1000  }
0x155: {  	[sflag:s9] =	ssyncset.done $0x0  }
0x156: {  	[sflag:s9] =	ssyncadd.s32 $0xFFFFF000  }
0x157: {  	_ =	swait.ge [sflag:s9], $0x1000  }
0x158: {  	[sflag:s9] =	ssyncset.done $0x0  }
0x159: {  	s21 =	sand.u32 $0x1F0, s12;
	[sflag:s9] =	ssyncadd.s32 $0xFFFFF000  }
0x15a: {  	v1 =	vld [tilespmem:s21+$0x5400]  }
0x15b: {  	s22 =	simm.s32 $0x0  }
0x15c: {  	s16 =	sand.u32 $0x18, s22  }
0x15d: {  	s23 =	sshll.u32 s16, $0xA  }
0x15e: {  	s17 =	sor.u32 $0x1C00, s23  }
0x15f: {  	v2 =	vadd.s32 s17, v1  }
0x160: {  	s18 =	sor.u32 $0x400, s23;
	v3 =	vadd.s32 s23, v1  }
0x161: {  	s13 =	simm.s32 $0x4;
	s19 =	sor.u32 $0x800, s23;
	v4 =	vadd.s32 s18, v1  }
0x162: {  	s20 =	sor.u32 $0xC00, s23;
	v7 =	vadd.s32 s19, v1;
	s17 =	sand.u32 $0x1F0, s13  }
0x163: {  	s21 =	sor.u32 $0x1000, s23;
	v9 =	vadd.s32 s20, v1;
	v0 =	vld [tilespmem:s17+$0x5400]  }
0x164: {  	s14 =	simm.s32 $0x8;
	s22 =	sor.u32 $0x1400, s23;
	v11 =	vadd.s32 s21, v1;
	v14 =	vld.idx.msk [tilespmem:v2+s28+$0x0], $0xffff  }
0x165: {  	s15 =	sand.u32 $0x18, s14;
	s23 =	sor.u32 $0x1800, s23;
	v12 =	vadd.s32 s22, v1;
	v5 =	vld.idx.msk [tilespmem:v3+s28+$0x0], $0xffff  }
0x166: {  	s16 =	sshll.u32 s16, $0x9;
	s22 =	sand.u32 $0xC00, s12;
	s17 =	sshll.u32 s15, $0xA;
	v6 =	vld.idx.msk [tilespmem:v4+s28+$0x0], $0xffff;
	v2 =	vadd.s32 s23, v1  }
0x167: {  	s21 =	sand.u32 $0x70, s12;
	s16 =	sor.u32 s16, s22;
	s20 =	sor.u32 $0x1C00, s17;
	v8 =	vld.idx.msk [tilespmem:v7+s28+$0x0], $0xffff  }
0x168: {  	s22 =	sor.u32 $0x800, s17;
	s18 =	sor.u32 s21, s16;
	s23 =	sor.u32 $0x400, s17;
	v10 =	vld.idx.msk [tilespmem:v9+s28+$0x0], $0xffff;
	v13 =	vadd.s32 s20, v0  }
0x169: {  	s16 =	sadd.s32 $0x15A00, s18;
	v11 =	vld.idx.msk [tilespmem:v11+s28+$0x0], $0xffff;
	v7 =	vadd.s32 s17, v0;
	v9 =	vadd.s32 s23, v0;
	v3 =	vadd.s32 s22, v0;
	s22 =	sor.u32 $0xC00, s17;
	s23 =	sor.u32 $0x1000, s17  }
0x16a: {  	s19 =	sor.u32 $0x1800, s17;
	v12 =	vld.idx.msk [tilespmem:v12+s28+$0x0], $0xffff;
	s20 =	sor.u32 $0x1400, s17;
	s17 =	simm.s32 $0x8;
	v4 =	vadd.s32 s22, v0;
	v1 =	vadd.s32 s23, v0;
	[tilespmem:s16+$0x380] =	vst v14  }
.LBB2_10:
0x16b: {  	s21 =	sand.u32 $0x1F0, s17;
	v14 =	vadd.s32 s20, v0;
	[tilespmem:s18+$0x15A00] =	vst v5;
	v15 =	vld.idx.msk [tilespmem:v2+s28+$0x0], $0xffff;
	v2 =	vadd.s32 s19, v0;
	s18 =	smov.u32 s15;
	s19 =	smov.u32 s13  }
0x16c: {  	s13 =	smov.u32 s17;
	v0 =	vld [tilespmem:s21+$0x5400];
	[tilespmem:s16+$0x80] =	vst v6  }
0x16d: {  	s14 =	sadd.s32 $0x8, s14;
	s12 =	sadd.s32 $0x20, s12;
	v16 =	vld.idx.msk [tilespmem:v13+s28+$0x0], $0xffff;
	[tilespmem:s16+$0x100] =	vst v8  }
0x16e: {  	s15 =	sand.u32 $0x18, s14;
	p0 =	slt.u32 s14, $0x3F8;
	s20 =	sand.u32 $0xC00, s12;
	v5 =	vld.idx.msk [tilespmem:v7+s28+$0x0], $0xffff;
	[tilespmem:s16+$0x180] =	vst v10  }
.Ltmp4:
0x16f: {  	s18 =	sshll.u32 s18, $0x9;
	s21 =	sshll.u32 s15, $0xA;
	v6 =	vld.idx.msk [tilespmem:v9+s28+$0x0], $0xffff;
	[tilespmem:s16+$0x200] =	vst v11;
	(pc) =	sbr.rel @p0 .LBB2_10-.Ltmp4, $4  }
0x170: {  	s19 =	sand.u32 $0x70, s19;
	s18 =	sor.u32 s18, s20;
	s22 =	sor.u32 $0x1C00, s21;
	v8 =	vld.idx.msk [tilespmem:v3+s28+$0x0], $0xffff;
	[tilespmem:s16+$0x280] =	vst v12  }
0x171: {  	s20 =	sor.u32 $0x400, s21;
	s23 =	sor.u32 $0x800, s21;
	s18 =	sor.u32 s19, s18;
	v7 =	vadd.s32 s21, v0;
	v13 =	vadd.s32 s22, v0;
	v10 =	vld.idx.msk [tilespmem:v4+s28+$0x0], $0xffff;
	[tilespmem:s16+$0x300] =	vst v15  }
0x172: {  	s19 =	sor.u32 $0xC00, s21;
	v9 =	vadd.s32 s20, v0;
	v3 =	vadd.s32 s23, v0;
	s20 =	sor.u32 $0x1000, s21;
	s16 =	sadd.s32 $0x15A00, s18;
	v11 =	vld.idx.msk [tilespmem:v1+s28+$0x0], $0xffff  }
0x173: {  	s17 =	sadd.s32 $0x4, s17;
	v4 =	vadd.s32 s19, v0;
	s19 =	sor.u32 $0x1800, s21;
	v1 =	vadd.s32 s20, v0;
	s20 =	sor.u32 $0x1400, s21;
	v12 =	vld.idx.msk [tilespmem:v14+s28+$0x0], $0xffff;
	[tilespmem:s16+$0x380] =	vst v16  }
0x174: {  	_ =	sdelay $0x2  }
0x175: {  	[tilespmem:s18+$0x15A00] =	vst v5  }
0x176: {  	v2 =	vld.idx.msk [tilespmem:v2+s28+$0x0], $0xffff;
	[tilespmem:s16+$0x80] =	vst v6  }
0x177: {  	v5 =	vld.idx.msk [tilespmem:v13+s28+$0x0], $0xffff;
	s12 =	sadd.s32 $0x20, s12;
	[tilespmem:s16+$0x100] =	vst v8  }
0x178: {  	v6 =	vadd.s32 s20, v0;
	v7 =	vld.idx.msk [tilespmem:v7+s28+$0x0], $0xffff;
	s14 =	sshll.u32 s15, $0x9;
	s12 =	sand.u32 $0xC00, s12;
	[tilespmem:s16+$0x180] =	vst v10  }
0x179: {  	v0 =	vadd.s32 s19, v0;
	s13 =	sand.u32 $0x70, s13;
	v3 =	vld.idx.msk [tilespmem:v3+s28+$0x0], $0xffff;
	s12 =	sor.u32 s14, s12;
	[tilespmem:s16+$0x200] =	vst v11  }
0x17a: {  	v4 =	vld.idx.msk [tilespmem:v4+s28+$0x0], $0xffff;
	s12 =	sor.u32 s13, s12;
	[tilespmem:s16+$0x280] =	vst v12  }
0x17b: {  	v1 =	vld.idx.msk [tilespmem:v1+s28+$0x0], $0xffff;
	s13 =	sadd.s32 $0x15A00, s12;
	[tilespmem:s16+$0x300] =	vst v2  }
0x17c: {  	v8 =	vld.idx.msk [tilespmem:v9+s28+$0x0], $0xffff;
	[tilespmem:s13+$0x380] =	vst v5  }
0x17d: {  	v2 =	vld.idx.msk [tilespmem:v6+s28+$0x0], $0xffff;
	[tilespmem:s12+$0x15A00] =	vst v7  }
0x17e: {  	v0 =	vld.idx.msk [tilespmem:v0+s28+$0x0], $0xffff;
	[tilespmem:s13+$0x100] =	vst v3  }
0x17f: {  	[tilespmem:s13+$0x180] =	vst v4  }
0x180: {  	[tilespmem:s13+$0x200] =	vst v1  }
0x181: {  	[tilespmem:s13+$0x80] =	vst v8  }
0x182: {  	[tilespmem:s13+$0x280] =	vst v2  }
0x183: {  	[tilespmem:s13+$0x300] =	vst v0  }
0x184: {  	s13 =	rddreg [dreg:$0x18]  }
0x185: {  	s12 =	simm.s32 $0x0;
	s17 =	rddreg [dreg:$0x19]  }
0x186: {  	[hbm4b:s13+s12] =	stream.linear.scatter [tilespmem:s31], [sflag:$0x3], $0x1000, $0x38;
	[tilespmem:$0x1DA00] =	vst v63  }
0x187: {  	s18 =	rddreg [dreg:$0x1a]  }
0x188: {  	[hbm4b:s17+s12] =	stream.linear.scatter [tilespmem:s0], [sflag:$0x3], $0x1000, $0x38;
	[tilespmem:$0x1DA00] =	vst v63  }
0x189: {  	s19 =	rddreg [dreg:$0x1b]  }
0x18a: {  	[hbm4b:s18+s12] =	stream.linear.scatter [tilespmem:s2], [sflag:$0x3], $0x1000, $0x38;
	[tilespmem:$0x1DA00] =	vst v63  }
0x18b: {  	s20 =	sld [smem:$0x7FC]  }
0x18c: {  	[hbm4b:s19+s12] =	stream.linear.scatter [tilespmem:s3], [sflag:$0x3], $0x1000, $0x38;
	[tilespmem:$0x1DA00] =	vst v63  }
0x18d: {  	_ = 	snop  }
0x18e: {  	[tilespmem:s28], [sflag:$0x1] =	stream.linear.gather [spmem:s20], $0x8000, $0x38;
	[tilespmem:$0x1DA00] =	vst v63  }
0x18f: {  	_ =	swait.ge [sflag:s4], $0x8000  }
0x190: {  	[sflag:s4] =	ssyncset.done $0x0  }
0x191: {  	[sflag:s4] =	ssyncadd.s32 $0xFFFF8000  }
0x192: {  	_ =	swait.ge [sflag:s10], $0x1000  }
0x193: {  	[sflag:s10] =	ssyncset.done $0x0  }
0x194: {  	[sflag:s10] =	ssyncadd.s32 $0xFFFFF000  }
0x195: {  	_ =	swait.ge [sflag:s10], $0x1000  }
0x196: {  	[sflag:s10] =	ssyncset.done $0x0  }
0x197: {  	[sflag:s10] =	ssyncadd.s32 $0xFFFFF000  }
0x198: {  	_ =	swait.ge [sflag:s10], $0x1000  }
0x199: {  	[sflag:s10] =	ssyncset.done $0x0  }
0x19a: {  	[sflag:s10] =	ssyncadd.s32 $0xFFFFF000  }
0x19b: {  	_ =	swait.ge [sflag:s10], $0x1000  }
0x19c: {  	[sflag:s10] =	ssyncset.done $0x0  }
0x19d: {  	s21 =	sand.u32 $0x1F0, s12;
	[sflag:s10] =	ssyncadd.s32 $0xFFFFF000  }
0x19e: {  	v1 =	vld [tilespmem:s21+$0x5400]  }
0x19f: {  	s22 =	simm.s32 $0x0  }
0x1a0: {  	s16 =	sand.u32 $0x18, s22  }
0x1a1: {  	s23 =	sshll.u32 s16, $0xA  }
0x1a2: {  	s17 =	sor.u32 $0x1C00, s23  }
0x1a3: {  	v2 =	vadd.s32 s17, v1  }
0x1a4: {  	s18 =	sor.u32 $0x400, s23;
	v3 =	vadd.s32 s23, v1  }
0x1a5: {  	s13 =	simm.s32 $0x4;
	s19 =	sor.u32 $0x800, s23;
	v4 =	vadd.s32 s18, v1  }
0x1a6: {  	s20 =	sor.u32 $0xC00, s23;
	v7 =	vadd.s32 s19, v1;
	s17 =	sand.u32 $0x1F0, s13  }
0x1a7: {  	s21 =	sor.u32 $0x1000, s23;
	v9 =	vadd.s32 s20, v1;
	v0 =	vld [tilespmem:s17+$0x5400]  }
0x1a8: {  	s14 =	simm.s32 $0x8;
	s22 =	sor.u32 $0x1400, s23;
	v11 =	vadd.s32 s21, v1;
	v14 =	vld.idx.msk [tilespmem:v2+s29+$0x0], $0xffff  }
0x1a9: {  	s15 =	sand.u32 $0x18, s14;
	s23 =	sor.u32 $0x1800, s23;
	v12 =	vadd.s32 s22, v1;
	v5 =	vld.idx.msk [tilespmem:v3+s29+$0x0], $0xffff  }
0x1aa: {  	s16 =	sshll.u32 s16, $0x9;
	s22 =	sand.u32 $0xC00, s12;
	s17 =	sshll.u32 s15, $0xA;
	v6 =	vld.idx.msk [tilespmem:v4+s29+$0x0], $0xffff;
	v2 =	vadd.s32 s23, v1  }
0x1ab: {  	s21 =	sand.u32 $0x70, s12;
	s16 =	sor.u32 s16, s22;
	s20 =	sor.u32 $0x1C00, s17;
	v8 =	vld.idx.msk [tilespmem:v7+s29+$0x0], $0xffff  }
0x1ac: {  	s22 =	sor.u32 $0x800, s17;
	s18 =	sor.u32 s21, s16;
	s23 =	sor.u32 $0x400, s17;
	v10 =	vld.idx.msk [tilespmem:v9+s29+$0x0], $0xffff;
	v13 =	vadd.s32 s20, v0  }
0x1ad: {  	s16 =	sadd.s32 $0x19A00, s18;
	v11 =	vld.idx.msk [tilespmem:v11+s29+$0x0], $0xffff;
	v7 =	vadd.s32 s17, v0;
	v9 =	vadd.s32 s23, v0;
	v3 =	vadd.s32 s22, v0;
	s22 =	sor.u32 $0xC00, s17;
	s23 =	sor.u32 $0x1000, s17  }
0x1ae: {  	s19 =	sor.u32 $0x1800, s17;
	v12 =	vld.idx.msk [tilespmem:v12+s29+$0x0], $0xffff;
	s20 =	sor.u32 $0x1400, s17;
	s17 =	simm.s32 $0x8;
	v4 =	vadd.s32 s22, v0;
	v1 =	vadd.s32 s23, v0;
	[tilespmem:s16+$0x380] =	vst v14  }
.LBB2_12:
0x1af: {  	s21 =	sand.u32 $0x1F0, s17;
	v14 =	vadd.s32 s20, v0;
	[tilespmem:s18+$0x19A00] =	vst v5;
	v15 =	vld.idx.msk [tilespmem:v2+s29+$0x0], $0xffff;
	v2 =	vadd.s32 s19, v0;
	s18 =	smov.u32 s15;
	s19 =	smov.u32 s13  }
0x1b0: {  	s13 =	smov.u32 s17;
	v0 =	vld [tilespmem:s21+$0x5400];
	[tilespmem:s16+$0x80] =	vst v6  }
0x1b1: {  	s14 =	sadd.s32 $0x8, s14;
	s12 =	sadd.s32 $0x20, s12;
	v16 =	vld.idx.msk [tilespmem:v13+s29+$0x0], $0xffff;
	[tilespmem:s16+$0x100] =	vst v8  }
0x1b2: {  	s15 =	sand.u32 $0x18, s14;
	p0 =	slt.u32 s14, $0x3F8;
	s20 =	sand.u32 $0xC00, s12;
	v5 =	vld.idx.msk [tilespmem:v7+s29+$0x0], $0xffff;
	[tilespmem:s16+$0x180] =	vst v10  }
.Ltmp5:
0x1b3: {  	s18 =	sshll.u32 s18, $0x9;
	s21 =	sshll.u32 s15, $0xA;
	v6 =	vld.idx.msk [tilespmem:v9+s29+$0x0], $0xffff;
	[tilespmem:s16+$0x200] =	vst v11;
	(pc) =	sbr.rel @p0 .LBB2_12-.Ltmp5, $4  }
0x1b4: {  	s19 =	sand.u32 $0x70, s19;
	s18 =	sor.u32 s18, s20;
	s22 =	sor.u32 $0x1C00, s21;
	v8 =	vld.idx.msk [tilespmem:v3+s29+$0x0], $0xffff;
	[tilespmem:s16+$0x280] =	vst v12  }
0x1b5: {  	s20 =	sor.u32 $0x400, s21;
	s23 =	sor.u32 $0x800, s21;
	s18 =	sor.u32 s19, s18;
	v7 =	vadd.s32 s21, v0;
	v13 =	vadd.s32 s22, v0;
	v10 =	vld.idx.msk [tilespmem:v4+s29+$0x0], $0xffff;
	[tilespmem:s16+$0x300] =	vst v15  }
0x1b6: {  	s19 =	sor.u32 $0xC00, s21;
	v9 =	vadd.s32 s20, v0;
	v3 =	vadd.s32 s23, v0;
	s20 =	sor.u32 $0x1000, s21;
	s16 =	sadd.s32 $0x19A00, s18;
	v11 =	vld.idx.msk [tilespmem:v1+s29+$0x0], $0xffff  }
0x1b7: {  	s17 =	sadd.s32 $0x4, s17;
	v4 =	vadd.s32 s19, v0;
	s19 =	sor.u32 $0x1800, s21;
	v1 =	vadd.s32 s20, v0;
	s20 =	sor.u32 $0x1400, s21;
	v12 =	vld.idx.msk [tilespmem:v14+s29+$0x0], $0xffff;
	[tilespmem:s16+$0x380] =	vst v16  }
0x1b8: {  	_ =	sdelay $0x2  }
0x1b9: {  	[tilespmem:s18+$0x19A00] =	vst v5  }
0x1ba: {  	v2 =	vld.idx.msk [tilespmem:v2+s29+$0x0], $0xffff;
	[tilespmem:s16+$0x80] =	vst v6  }
0x1bb: {  	v5 =	vld.idx.msk [tilespmem:v13+s29+$0x0], $0xffff;
	s12 =	sadd.s32 $0x20, s12;
	[tilespmem:s16+$0x100] =	vst v8  }
0x1bc: {  	v6 =	vadd.s32 s20, v0;
	v7 =	vld.idx.msk [tilespmem:v7+s29+$0x0], $0xffff;
	s14 =	sshll.u32 s15, $0x9;
	s12 =	sand.u32 $0xC00, s12;
	[tilespmem:s16+$0x180] =	vst v10  }
0x1bd: {  	v0 =	vadd.s32 s19, v0;
	s13 =	sand.u32 $0x70, s13;
	v3 =	vld.idx.msk [tilespmem:v3+s29+$0x0], $0xffff;
	s12 =	sor.u32 s14, s12;
	[tilespmem:s16+$0x200] =	vst v11  }
0x1be: {  	v4 =	vld.idx.msk [tilespmem:v4+s29+$0x0], $0xffff;
	s12 =	sor.u32 s13, s12;
	[tilespmem:s16+$0x280] =	vst v12  }
0x1bf: {  	v1 =	vld.idx.msk [tilespmem:v1+s29+$0x0], $0xffff;
	s13 =	sadd.s32 $0x19A00, s12;
	[tilespmem:s16+$0x300] =	vst v2  }
0x1c0: {  	v8 =	vld.idx.msk [tilespmem:v9+s29+$0x0], $0xffff;
	[tilespmem:s13+$0x380] =	vst v5  }
0x1c1: {  	v2 =	vld.idx.msk [tilespmem:v6+s29+$0x0], $0xffff;
	[tilespmem:s12+$0x19A00] =	vst v7  }
0x1c2: {  	v0 =	vld.idx.msk [tilespmem:v0+s29+$0x0], $0xffff;
	[tilespmem:s13+$0x100] =	vst v3  }
0x1c3: {  	[tilespmem:s13+$0x180] =	vst v4  }
0x1c4: {  	[tilespmem:s13+$0x200] =	vst v1  }
0x1c5: {  	[tilespmem:s13+$0x80] =	vst v8  }
0x1c6: {  	[tilespmem:s13+$0x280] =	vst v2  }
0x1c7: {  	[tilespmem:s13+$0x300] =	vst v0  }
0x1c8: {  	s13 =	rddreg [dreg:$0x1c]  }
0x1c9: {  	s12 =	simm.s32 $0x0;
	s17 =	rddreg [dreg:$0x1d]  }
0x1ca: {  	[hbm4b:s13+s12] =	stream.linear.scatter [tilespmem:s5], [sflag:$0x4], $0x1000, $0x38;
	[tilespmem:$0x1DA00] =	vst v63  }
0x1cb: {  	s18 =	rddreg [dreg:$0x1e]  }
0x1cc: {  	[hbm4b:s17+s12] =	stream.linear.scatter [tilespmem:s6], [sflag:$0x4], $0x1000, $0x38;
	[tilespmem:$0x1DA00] =	vst v63  }
0x1cd: {  	s19 =	rddreg [dreg:$0x1f]  }
0x1ce: {  	[hbm4b:s18+s12] =	stream.linear.scatter [tilespmem:s7], [sflag:$0x4], $0x1000, $0x38;
	[tilespmem:$0x1DA00] =	vst v63  }
0x1cf: {  	s20 =	sld [smem:$0x7FD]  }
0x1d0: {  	[hbm4b:s19+s12] =	stream.linear.scatter [tilespmem:s8], [sflag:$0x4], $0x1000, $0x38;
	[tilespmem:$0x1DA00] =	vst v63  }
0x1d1: {  	_ = 	snop  }
0x1d2: {  	[tilespmem:s29], [sflag:$0x2] =	stream.linear.gather [spmem:s20], $0x8000, $0x38;
	[tilespmem:$0x1DA00] =	vst v63  }
0x1d3: {  	_ =	swait.ge [sflag:s30], $0x8000  }
0x1d4: {  	[sflag:s30] =	ssyncset.done $0x0  }
0x1d5: {  	[sflag:s30] =	ssyncadd.s32 $0xFFFF8000  }
0x1d6: {  	_ =	swait.ge [sflag:s9], $0x1000  }
0x1d7: {  	[sflag:s9] =	ssyncset.done $0x0  }
0x1d8: {  	[sflag:s9] =	ssyncadd.s32 $0xFFFFF000  }
0x1d9: {  	_ =	swait.ge [sflag:s9], $0x1000  }
0x1da: {  	[sflag:s9] =	ssyncset.done $0x0  }
0x1db: {  	[sflag:s9] =	ssyncadd.s32 $0xFFFFF000  }
0x1dc: {  	_ =	swait.ge [sflag:s9], $0x1000  }
0x1dd: {  	[sflag:s9] =	ssyncset.done $0x0  }
0x1de: {  	[sflag:s9] =	ssyncadd.s32 $0xFFFFF000  }
0x1df: {  	_ =	swait.ge [sflag:s9], $0x1000  }
0x1e0: {  	[sflag:s9] =	ssyncset.done $0x0  }
0x1e1: {  	s21 =	sand.u32 $0x1F0, s12;
	[sflag:s9] =	ssyncadd.s32 $0xFFFFF000  }
0x1e2: {  	v1 =	vld [tilespmem:s21+$0x5600]  }
0x1e3: {  	s22 =	simm.s32 $0x0  }
0x1e4: {  	s16 =	sand.u32 $0x18, s22  }
0x1e5: {  	s23 =	sshll.u32 s16, $0xA  }
0x1e6: {  	s17 =	sor.u32 $0x1C00, s23  }
0x1e7: {  	v2 =	vadd.s32 s17, v1  }
0x1e8: {  	s18 =	sor.u32 $0x400, s23;
	v3 =	vadd.s32 s23, v1  }
0x1e9: {  	s13 =	simm.s32 $0x4;
	s19 =	sor.u32 $0x800, s23;
	v4 =	vadd.s32 s18, v1  }
0x1ea: {  	s20 =	sor.u32 $0xC00, s23;
	v7 =	vadd.s32 s19, v1;
	s17 =	sand.u32 $0x1F0, s13  }
0x1eb: {  	s21 =	sor.u32 $0x1000, s23;
	v9 =	vadd.s32 s20, v1;
	v0 =	vld [tilespmem:s17+$0x5600]  }
0x1ec: {  	s14 =	simm.s32 $0x8;
	s22 =	sor.u32 $0x1400, s23;
	v11 =	vadd.s32 s21, v1;
	v14 =	vld.idx.msk [tilespmem:v2+s28+$0x0], $0xffff  }
0x1ed: {  	s15 =	sand.u32 $0x18, s14;
	s23 =	sor.u32 $0x1800, s23;
	v12 =	vadd.s32 s22, v1;
	v5 =	vld.idx.msk [tilespmem:v3+s28+$0x0], $0xffff  }
0x1ee: {  	s16 =	sshll.u32 s16, $0x9;
	s22 =	sand.u32 $0xC00, s12;
	s17 =	sshll.u32 s15, $0xA;
	v6 =	vld.idx.msk [tilespmem:v4+s28+$0x0], $0xffff;
	v2 =	vadd.s32 s23, v1  }
0x1ef: {  	s21 =	sand.u32 $0x70, s12;
	s16 =	sor.u32 s16, s22;
	s20 =	sor.u32 $0x1C00, s17;
	v8 =	vld.idx.msk [tilespmem:v7+s28+$0x0], $0xffff  }
0x1f0: {  	s22 =	sor.u32 $0x800, s17;
	s18 =	sor.u32 s21, s16;
	s23 =	sor.u32 $0x400, s17;
	v10 =	vld.idx.msk [tilespmem:v9+s28+$0x0], $0xffff;
	v13 =	vadd.s32 s20, v0  }
0x1f1: {  	s16 =	sadd.s32 $0x15A00, s18;
	v11 =	vld.idx.msk [tilespmem:v11+s28+$0x0], $0xffff;
	v7 =	vadd.s32 s17, v0;
	v9 =	vadd.s32 s23, v0;
	v3 =	vadd.s32 s22, v0;
	s22 =	sor.u32 $0xC00, s17;
	s23 =	sor.u32 $0x1000, s17  }
0x1f2: {  	s19 =	sor.u32 $0x1800, s17;
	v12 =	vld.idx.msk [tilespmem:v12+s28+$0x0], $0xffff;
	s20 =	sor.u32 $0x1400, s17;
	s17 =	simm.s32 $0x8;
	v4 =	vadd.s32 s22, v0;
	v1 =	vadd.s32 s23, v0;
	[tilespmem:s16+$0x380] =	vst v14  }
.LBB2_14:
0x1f3: {  	s21 =	sand.u32 $0x1F0, s17;
	v14 =	vadd.s32 s20, v0;
	[tilespmem:s18+$0x15A00] =	vst v5;
	v15 =	vld.idx.msk [tilespmem:v2+s28+$0x0], $0xffff;
	v2 =	vadd.s32 s19, v0;
	s18 =	smov.u32 s15;
	s19 =	smov.u32 s13  }
0x1f4: {  	s13 =	smov.u32 s17;
	v0 =	vld [tilespmem:s21+$0x5600];
	[tilespmem:s16+$0x80] =	vst v6  }
0x1f5: {  	s14 =	sadd.s32 $0x8, s14;
	s12 =	sadd.s32 $0x20, s12;
	v16 =	vld.idx.msk [tilespmem:v13+s28+$0x0], $0xffff;
	[tilespmem:s16+$0x100] =	vst v8  }
0x1f6: {  	s15 =	sand.u32 $0x18, s14;
	p0 =	slt.u32 s14, $0x3F8;
	s20 =	sand.u32 $0xC00, s12;
	v5 =	vld.idx.msk [tilespmem:v7+s28+$0x0], $0xffff;
	[tilespmem:s16+$0x180] =	vst v10  }
.Ltmp6:
0x1f7: {  	s18 =	sshll.u32 s18, $0x9;
	s21 =	sshll.u32 s15, $0xA;
	v6 =	vld.idx.msk [tilespmem:v9+s28+$0x0], $0xffff;
	[tilespmem:s16+$0x200] =	vst v11;
	(pc) =	sbr.rel @p0 .LBB2_14-.Ltmp6, $4  }
0x1f8: {  	s19 =	sand.u32 $0x70, s19;
	s18 =	sor.u32 s18, s20;
	s22 =	sor.u32 $0x1C00, s21;
	v8 =	vld.idx.msk [tilespmem:v3+s28+$0x0], $0xffff;
	[tilespmem:s16+$0x280] =	vst v12  }
0x1f9: {  	s20 =	sor.u32 $0x400, s21;
	s23 =	sor.u32 $0x800, s21;
	s18 =	sor.u32 s19, s18;
	v7 =	vadd.s32 s21, v0;
	v13 =	vadd.s32 s22, v0;
	v10 =	vld.idx.msk [tilespmem:v4+s28+$0x0], $0xffff;
	[tilespmem:s16+$0x300] =	vst v15  }
0x1fa: {  	s19 =	sor.u32 $0xC00, s21;
	v9 =	vadd.s32 s20, v0;
	v3 =	vadd.s32 s23, v0;
	s20 =	sor.u32 $0x1000, s21;
	s16 =	sadd.s32 $0x15A00, s18;
	v11 =	vld.idx.msk [tilespmem:v1+s28+$0x0], $0xffff  }
0x1fb: {  	s17 =	sadd.s32 $0x4, s17;
	v4 =	vadd.s32 s19, v0;
	s19 =	sor.u32 $0x1800, s21;
	v1 =	vadd.s32 s20, v0;
	s20 =	sor.u32 $0x1400, s21;
	v12 =	vld.idx.msk [tilespmem:v14+s28+$0x0], $0xffff;
	[tilespmem:s16+$0x380] =	vst v16  }
0x1fc: {  	_ =	sdelay $0x2  }
0x1fd: {  	[tilespmem:s18+$0x15A00] =	vst v5  }
0x1fe: {  	v2 =	vld.idx.msk [tilespmem:v2+s28+$0x0], $0xffff;
	[tilespmem:s16+$0x80] =	vst v6  }
0x1ff: {  	v5 =	vld.idx.msk [tilespmem:v13+s28+$0x0], $0xffff;
	s12 =	sadd.s32 $0x20, s12;
	[tilespmem:s16+$0x100] =	vst v8  }
0x200: {  	v6 =	vadd.s32 s20, v0;
	v7 =	vld.idx.msk [tilespmem:v7+s28+$0x0], $0xffff;
	s14 =	sshll.u32 s15, $0x9;
	s12 =	sand.u32 $0xC00, s12;
	[tilespmem:s16+$0x180] =	vst v10  }
0x201: {  	v0 =	vadd.s32 s19, v0;
	s13 =	sand.u32 $0x70, s13;
	v3 =	vld.idx.msk [tilespmem:v3+s28+$0x0], $0xffff;
	s12 =	sor.u32 s14, s12;
	[tilespmem:s16+$0x200] =	vst v11  }
0x202: {  	v4 =	vld.idx.msk [tilespmem:v4+s28+$0x0], $0xffff;
	s12 =	sor.u32 s13, s12;
	[tilespmem:s16+$0x280] =	vst v12  }
0x203: {  	v1 =	vld.idx.msk [tilespmem:v1+s28+$0x0], $0xffff;
	s13 =	sadd.s32 $0x15A00, s12;
	[tilespmem:s16+$0x300] =	vst v2  }
0x204: {  	v8 =	vld.idx.msk [tilespmem:v9+s28+$0x0], $0xffff;
	[tilespmem:s13+$0x380] =	vst v5  }
0x205: {  	v2 =	vld.idx.msk [tilespmem:v6+s28+$0x0], $0xffff;
	[tilespmem:s12+$0x15A00] =	vst v7  }
0x206: {  	v0 =	vld.idx.msk [tilespmem:v0+s28+$0x0], $0xffff;
	[tilespmem:s13+$0x100] =	vst v3  }
0x207: {  	[tilespmem:s13+$0x180] =	vst v4  }
0x208: {  	[tilespmem:s13+$0x200] =	vst v1  }
0x209: {  	[tilespmem:s13+$0x80] =	vst v8  }
0x20a: {  	[tilespmem:s13+$0x280] =	vst v2  }
0x20b: {  	[tilespmem:s13+$0x300] =	vst v0  }
0x20c: {  	s13 =	sld [smem:$0x7E2];
	_ =	sdelay $0x1  }
0x20d: {  	s12 =	simm.s32 $0x0;
	s18 =	sld [smem:$0x7E3]  }
0x20e: {  	[hbm4b:s13+s12] =	stream.linear.scatter [tilespmem:s31], [sflag:$0x3], $0x1000, $0x38;
	[tilespmem:$0x1DA00] =	vst v63  }
0x20f: {  	s19 =	sld [smem:$0x7E4]  }
0x210: {  	[hbm4b:s18+s12] =	stream.linear.scatter [tilespmem:s0], [sflag:$0x3], $0x1000, $0x38;
	[tilespmem:$0x1DA00] =	vst v63  }
0x211: {  	s20 =	sld [smem:$0x7E5]  }
0x212: {  	[hbm4b:s19+s12] =	stream.linear.scatter [tilespmem:s2], [sflag:$0x3], $0x1000, $0x38;
	[tilespmem:$0x1DA00] =	vst v63  }
0x213: {  	_ = 	snop  }
0x214: {  	[hbm4b:s20+s12] =	stream.linear.scatter [tilespmem:s3], [sflag:$0x3], $0x1000, $0x38;
	[tilespmem:$0x1DA00] =	vst v63  }
0x215: {  	_ = 	snop  }
0x216: {  	[tilespmem:s28], [sflag:$0x1] =	stream.linear.gather [spmem:s24], $0x8000, $0x38;
	[tilespmem:$0x1DA00] =	vst v63  }
0x217: {  	_ =	swait.ge [sflag:s4], $0x8000  }
0x218: {  	[sflag:s4] =	ssyncset.done $0x0  }
0x219: {  	[sflag:s4] =	ssyncadd.s32 $0xFFFF8000  }
0x21a: {  	_ =	swait.ge [sflag:s10], $0x1000  }
0x21b: {  	[sflag:s10] =	ssyncset.done $0x0  }
0x21c: {  	[sflag:s10] =	ssyncadd.s32 $0xFFFFF000  }
0x21d: {  	_ =	swait.ge [sflag:s10], $0x1000  }
0x21e: {  	[sflag:s10] =	ssyncset.done $0x0  }
0x21f: {  	[sflag:s10] =	ssyncadd.s32 $0xFFFFF000  }
0x220: {  	_ =	swait.ge [sflag:s10], $0x1000  }
0x221: {  	[sflag:s10] =	ssyncset.done $0x0  }
0x222: {  	[sflag:s10] =	ssyncadd.s32 $0xFFFFF000  }
0x223: {  	_ =	swait.ge [sflag:s10], $0x1000  }
0x224: {  	[sflag:s10] =	ssyncset.done $0x0  }
0x225: {  	s21 =	sand.u32 $0x1F0, s12;
	[sflag:s10] =	ssyncadd.s32 $0xFFFFF000  }
0x226: {  	v1 =	vld [tilespmem:s21+$0x5600]  }
0x227: {  	s22 =	simm.s32 $0x0  }
0x228: {  	s16 =	sand.u32 $0x18, s22  }
0x229: {  	s23 =	sshll.u32 s16, $0xA  }
0x22a: {  	s17 =	sor.u32 $0x1C00, s23  }
0x22b: {  	v2 =	vadd.s32 s17, v1  }
0x22c: {  	s18 =	sor.u32 $0x400, s23;
	v3 =	vadd.s32 s23, v1  }
0x22d: {  	s13 =	simm.s32 $0x4;
	s19 =	sor.u32 $0x800, s23;
	v4 =	vadd.s32 s18, v1  }
0x22e: {  	s20 =	sor.u32 $0xC00, s23;
	v7 =	vadd.s32 s19, v1;
	s17 =	sand.u32 $0x1F0, s13  }
0x22f: {  	s21 =	sor.u32 $0x1000, s23;
	v9 =	vadd.s32 s20, v1;
	v0 =	vld [tilespmem:s17+$0x5600]  }
0x230: {  	s14 =	simm.s32 $0x8;
	s22 =	sor.u32 $0x1400, s23;
	v11 =	vadd.s32 s21, v1;
	v14 =	vld.idx.msk [tilespmem:v2+s29+$0x0], $0xffff  }
0x231: {  	s15 =	sand.u32 $0x18, s14;
	s23 =	sor.u32 $0x1800, s23;
	v12 =	vadd.s32 s22, v1;
	v5 =	vld.idx.msk [tilespmem:v3+s29+$0x0], $0xffff  }
0x232: {  	s16 =	sshll.u32 s16, $0x9;
	s22 =	sand.u32 $0xC00, s12;
	s17 =	sshll.u32 s15, $0xA;
	v6 =	vld.idx.msk [tilespmem:v4+s29+$0x0], $0xffff;
	v2 =	vadd.s32 s23, v1  }
0x233: {  	s21 =	sand.u32 $0x70, s12;
	s16 =	sor.u32 s16, s22;
	s20 =	sor.u32 $0x1C00, s17;
	v8 =	vld.idx.msk [tilespmem:v7+s29+$0x0], $0xffff  }
0x234: {  	s22 =	sor.u32 $0x800, s17;
	s18 =	sor.u32 s21, s16;
	s23 =	sor.u32 $0x400, s17;
	v10 =	vld.idx.msk [tilespmem:v9+s29+$0x0], $0xffff;
	v13 =	vadd.s32 s20, v0  }
0x235: {  	s16 =	sadd.s32 $0x19A00, s18;
	v11 =	vld.idx.msk [tilespmem:v11+s29+$0x0], $0xffff;
	v7 =	vadd.s32 s17, v0;
	v9 =	vadd.s32 s23, v0;
	v3 =	vadd.s32 s22, v0;
	s22 =	sor.u32 $0xC00, s17;
	s23 =	sor.u32 $0x1000, s17  }
0x236: {  	s19 =	sor.u32 $0x1800, s17;
	v12 =	vld.idx.msk [tilespmem:v12+s29+$0x0], $0xffff;
	s20 =	sor.u32 $0x1400, s17;
	s17 =	simm.s32 $0x8;
	v4 =	vadd.s32 s22, v0;
	v1 =	vadd.s32 s23, v0;
	[tilespmem:s16+$0x380] =	vst v14  }
.LBB2_16:
0x237: {  	s21 =	sand.u32 $0x1F0, s17;
	v14 =	vadd.s32 s20, v0;
	[tilespmem:s18+$0x19A00] =	vst v5;
	v15 =	vld.idx.msk [tilespmem:v2+s29+$0x0], $0xffff;
	v2 =	vadd.s32 s19, v0;
	s18 =	smov.u32 s15;
	s19 =	smov.u32 s13  }
0x238: {  	s13 =	smov.u32 s17;
	v0 =	vld [tilespmem:s21+$0x5600];
	[tilespmem:s16+$0x80] =	vst v6  }
0x239: {  	s14 =	sadd.s32 $0x8, s14;
	s12 =	sadd.s32 $0x20, s12;
	v16 =	vld.idx.msk [tilespmem:v13+s29+$0x0], $0xffff;
	[tilespmem:s16+$0x100] =	vst v8  }
0x23a: {  	s15 =	sand.u32 $0x18, s14;
	p0 =	slt.u32 s14, $0x3F8;
	s20 =	sand.u32 $0xC00, s12;
	v5 =	vld.idx.msk [tilespmem:v7+s29+$0x0], $0xffff;
	[tilespmem:s16+$0x180] =	vst v10  }
.Ltmp7:
0x23b: {  	s18 =	sshll.u32 s18, $0x9;
	s21 =	sshll.u32 s15, $0xA;
	v6 =	vld.idx.msk [tilespmem:v9+s29+$0x0], $0xffff;
	[tilespmem:s16+$0x200] =	vst v11;
	(pc) =	sbr.rel @p0 .LBB2_16-.Ltmp7, $4  }
0x23c: {  	s19 =	sand.u32 $0x70, s19;
	s18 =	sor.u32 s18, s20;
	s22 =	sor.u32 $0x1C00, s21;
	v8 =	vld.idx.msk [tilespmem:v3+s29+$0x0], $0xffff;
	[tilespmem:s16+$0x280] =	vst v12  }
0x23d: {  	s20 =	sor.u32 $0x400, s21;
	s23 =	sor.u32 $0x800, s21;
	s18 =	sor.u32 s19, s18;
	v7 =	vadd.s32 s21, v0;
	v13 =	vadd.s32 s22, v0;
	v10 =	vld.idx.msk [tilespmem:v4+s29+$0x0], $0xffff;
	[tilespmem:s16+$0x300] =	vst v15  }
0x23e: {  	s19 =	sor.u32 $0xC00, s21;
	v9 =	vadd.s32 s20, v0;
	v3 =	vadd.s32 s23, v0;
	s20 =	sor.u32 $0x1000, s21;
	s16 =	sadd.s32 $0x19A00, s18;
	v11 =	vld.idx.msk [tilespmem:v1+s29+$0x0], $0xffff  }
0x23f: {  	s17 =	sadd.s32 $0x4, s17;
	v4 =	vadd.s32 s19, v0;
	s19 =	sor.u32 $0x1800, s21;
	v1 =	vadd.s32 s20, v0;
	s20 =	sor.u32 $0x1400, s21;
	v12 =	vld.idx.msk [tilespmem:v14+s29+$0x0], $0xffff;
	[tilespmem:s16+$0x380] =	vst v16  }
0x240: {  	_ =	sdelay $0x2  }
0x241: {  	[tilespmem:s18+$0x19A00] =	vst v5  }
0x242: {  	v2 =	vld.idx.msk [tilespmem:v2+s29+$0x0], $0xffff;
	[tilespmem:s16+$0x80] =	vst v6  }
0x243: {  	v5 =	vld.idx.msk [tilespmem:v13+s29+$0x0], $0xffff;
	s12 =	sadd.s32 $0x20, s12;
	[tilespmem:s16+$0x100] =	vst v8  }
0x244: {  	v6 =	vadd.s32 s20, v0;
	v7 =	vld.idx.msk [tilespmem:v7+s29+$0x0], $0xffff;
	s14 =	sshll.u32 s15, $0x9;
	s12 =	sand.u32 $0xC00, s12;
	[tilespmem:s16+$0x180] =	vst v10  }
0x245: {  	v0 =	vadd.s32 s19, v0;
	s13 =	sand.u32 $0x70, s13;
	v3 =	vld.idx.msk [tilespmem:v3+s29+$0x0], $0xffff;
	s12 =	sor.u32 s14, s12;
	[tilespmem:s16+$0x200] =	vst v11  }
0x246: {  	v4 =	vld.idx.msk [tilespmem:v4+s29+$0x0], $0xffff;
	s12 =	sor.u32 s13, s12;
	[tilespmem:s16+$0x280] =	vst v12  }
0x247: {  	v1 =	vld.idx.msk [tilespmem:v1+s29+$0x0], $0xffff;
	s13 =	sadd.s32 $0x19A00, s12;
	[tilespmem:s16+$0x300] =	vst v2  }
0x248: {  	v8 =	vld.idx.msk [tilespmem:v9+s29+$0x0], $0xffff;
	[tilespmem:s13+$0x380] =	vst v5  }
0x249: {  	v2 =	vld.idx.msk [tilespmem:v6+s29+$0x0], $0xffff;
	[tilespmem:s12+$0x19A00] =	vst v7  }
0x24a: {  	v0 =	vld.idx.msk [tilespmem:v0+s29+$0x0], $0xffff;
	[tilespmem:s13+$0x100] =	vst v3  }
0x24b: {  	[tilespmem:s13+$0x180] =	vst v4  }
0x24c: {  	[tilespmem:s13+$0x200] =	vst v1  }
0x24d: {  	[tilespmem:s13+$0x80] =	vst v8  }
0x24e: {  	[tilespmem:s13+$0x280] =	vst v2  }
0x24f: {  	[tilespmem:s13+$0x300] =	vst v0  }
0x250: {  	s13 =	sld [smem:$0x7E6];
	_ =	sdelay $0x1  }
0x251: {  	s12 =	simm.s32 $0x0;
	s18 =	sld [smem:$0x7E7]  }
0x252: {  	[hbm4b:s13+s12] =	stream.linear.scatter [tilespmem:s5], [sflag:$0x4], $0x1000, $0x38;
	[tilespmem:$0x1DA00] =	vst v63  }
0x253: {  	s19 =	sld [smem:$0x7E8]  }
0x254: {  	[hbm4b:s18+s12] =	stream.linear.scatter [tilespmem:s6], [sflag:$0x4], $0x1000, $0x38;
	[tilespmem:$0x1DA00] =	vst v63  }
0x255: {  	s20 =	sld [smem:$0x7E9]  }
0x256: {  	[hbm4b:s19+s12] =	stream.linear.scatter [tilespmem:s7], [sflag:$0x4], $0x1000, $0x38;
	[tilespmem:$0x1DA00] =	vst v63  }
0x257: {  	_ = 	snop  }
0x258: {  	[hbm4b:s20+s12] =	stream.linear.scatter [tilespmem:s8], [sflag:$0x4], $0x1000, $0x38;
	[tilespmem:$0x1DA00] =	vst v63  }
0x259: {  	_ = 	snop  }
0x25a: {  	[tilespmem:s29], [sflag:$0x2] =	stream.linear.gather [spmem:s25], $0x8000, $0x38;
	[tilespmem:$0x1DA00] =	vst v63  }
0x25b: {  	_ =	swait.ge [sflag:s30], $0x8000  }
0x25c: {  	[sflag:s30] =	ssyncset.done $0x0  }
0x25d: {  	[sflag:s30] =	ssyncadd.s32 $0xFFFF8000  }
0x25e: {  	_ =	swait.ge [sflag:s9], $0x1000  }
0x25f: {  	[sflag:s9] =	ssyncset.done $0x0  }
0x260: {  	[sflag:s9] =	ssyncadd.s32 $0xFFFFF000  }
0x261: {  	_ =	swait.ge [sflag:s9], $0x1000  }
0x262: {  	[sflag:s9] =	ssyncset.done $0x0  }
0x263: {  	[sflag:s9] =	ssyncadd.s32 $0xFFFFF000  }
0x264: {  	_ =	swait.ge [sflag:s9], $0x1000  }
0x265: {  	[sflag:s9] =	ssyncset.done $0x0  }
0x266: {  	[sflag:s9] =	ssyncadd.s32 $0xFFFFF000  }
0x267: {  	_ =	swait.ge [sflag:s9], $0x1000  }
0x268: {  	[sflag:s9] =	ssyncset.done $0x0  }
0x269: {  	s21 =	sand.u32 $0x1F0, s12;
	[sflag:s9] =	ssyncadd.s32 $0xFFFFF000  }
0x26a: {  	v1 =	vld [tilespmem:s21+$0x5800]  }
0x26b: {  	s22 =	simm.s32 $0x0  }
0x26c: {  	s16 =	sand.u32 $0x18, s22  }
0x26d: {  	s23 =	sshll.u32 s16, $0xA  }
0x26e: {  	s17 =	sor.u32 $0x1C00, s23  }
0x26f: {  	v2 =	vadd.s32 s17, v1  }
0x270: {  	s18 =	sor.u32 $0x400, s23;
	v3 =	vadd.s32 s23, v1  }
0x271: {  	s13 =	simm.s32 $0x4;
	s19 =	sor.u32 $0x800, s23;
	v4 =	vadd.s32 s18, v1  }
0x272: {  	s20 =	sor.u32 $0xC00, s23;
	v7 =	vadd.s32 s19, v1;
	s17 =	sand.u32 $0x1F0, s13  }
0x273: {  	s21 =	sor.u32 $0x1000, s23;
	v9 =	vadd.s32 s20, v1;
	v0 =	vld [tilespmem:s17+$0x5800]  }
0x274: {  	s14 =	simm.s32 $0x8;
	s22 =	sor.u32 $0x1400, s23;
	v11 =	vadd.s32 s21, v1;
	v14 =	vld.idx.msk [tilespmem:v2+s28+$0x0], $0xffff  }
0x275: {  	s15 =	sand.u32 $0x18, s14;
	s23 =	sor.u32 $0x1800, s23;
	v12 =	vadd.s32 s22, v1;
	v5 =	vld.idx.msk [tilespmem:v3+s28+$0x0], $0xffff  }
0x276: {  	s16 =	sshll.u32 s16, $0x9;
	s22 =	sand.u32 $0xC00, s12;
	s17 =	sshll.u32 s15, $0xA;
	v6 =	vld.idx.msk [tilespmem:v4+s28+$0x0], $0xffff;
	v2 =	vadd.s32 s23, v1  }
0x277: {  	s21 =	sand.u32 $0x70, s12;
	s16 =	sor.u32 s16, s22;
	s20 =	sor.u32 $0x1C00, s17;
	v8 =	vld.idx.msk [tilespmem:v7+s28+$0x0], $0xffff  }
0x278: {  	s22 =	sor.u32 $0x800, s17;
	s18 =	sor.u32 s21, s16;
	s23 =	sor.u32 $0x400, s17;
	v10 =	vld.idx.msk [tilespmem:v9+s28+$0x0], $0xffff;
	v13 =	vadd.s32 s20, v0  }
0x279: {  	s16 =	sadd.s32 $0x15A00, s18;
	v11 =	vld.idx.msk [tilespmem:v11+s28+$0x0], $0xffff;
	v7 =	vadd.s32 s17, v0;
	v9 =	vadd.s32 s23, v0;
	v3 =	vadd.s32 s22, v0;
	s22 =	sor.u32 $0xC00, s17;
	s23 =	sor.u32 $0x1000, s17  }
0x27a: {  	s19 =	sor.u32 $0x1800, s17;
	v12 =	vld.idx.msk [tilespmem:v12+s28+$0x0], $0xffff;
	s20 =	sor.u32 $0x1400, s17;
	s17 =	simm.s32 $0x8;
	v4 =	vadd.s32 s22, v0;
	v1 =	vadd.s32 s23, v0;
	[tilespmem:s16+$0x380] =	vst v14  }
.LBB2_18:
0x27b: {  	s21 =	sand.u32 $0x1F0, s17;
	v14 =	vadd.s32 s20, v0;
	[tilespmem:s18+$0x15A00] =	vst v5;
	v15 =	vld.idx.msk [tilespmem:v2+s28+$0x0], $0xffff;
	v2 =	vadd.s32 s19, v0;
	s18 =	smov.u32 s15;
	s19 =	smov.u32 s13  }
0x27c: {  	s13 =	smov.u32 s17;
	v0 =	vld [tilespmem:s21+$0x5800];
	[tilespmem:s16+$0x80] =	vst v6  }
0x27d: {  	s14 =	sadd.s32 $0x8, s14;
	s12 =	sadd.s32 $0x20, s12;
	v16 =	vld.idx.msk [tilespmem:v13+s28+$0x0], $0xffff;
	[tilespmem:s16+$0x100] =	vst v8  }
0x27e: {  	s15 =	sand.u32 $0x18, s14;
	p0 =	slt.u32 s14, $0x3F8;
	s20 =	sand.u32 $0xC00, s12;
	v5 =	vld.idx.msk [tilespmem:v7+s28+$0x0], $0xffff;
	[tilespmem:s16+$0x180] =	vst v10  }
.Ltmp8:
0x27f: {  	s18 =	sshll.u32 s18, $0x9;
	s21 =	sshll.u32 s15, $0xA;
	v6 =	vld.idx.msk [tilespmem:v9+s28+$0x0], $0xffff;
	[tilespmem:s16+$0x200] =	vst v11;
	(pc) =	sbr.rel @p0 .LBB2_18-.Ltmp8, $4  }
0x280: {  	s19 =	sand.u32 $0x70, s19;
	s18 =	sor.u32 s18, s20;
	s22 =	sor.u32 $0x1C00, s21;
	v8 =	vld.idx.msk [tilespmem:v3+s28+$0x0], $0xffff;
	[tilespmem:s16+$0x280] =	vst v12  }
0x281: {  	s20 =	sor.u32 $0x400, s21;
	s23 =	sor.u32 $0x800, s21;
	s18 =	sor.u32 s19, s18;
	v7 =	vadd.s32 s21, v0;
	v13 =	vadd.s32 s22, v0;
	v10 =	vld.idx.msk [tilespmem:v4+s28+$0x0], $0xffff;
	[tilespmem:s16+$0x300] =	vst v15  }
0x282: {  	s19 =	sor.u32 $0xC00, s21;
	v9 =	vadd.s32 s20, v0;
	v3 =	vadd.s32 s23, v0;
	s20 =	sor.u32 $0x1000, s21;
	s16 =	sadd.s32 $0x15A00, s18;
	v11 =	vld.idx.msk [tilespmem:v1+s28+$0x0], $0xffff  }
0x283: {  	s17 =	sadd.s32 $0x4, s17;
	v4 =	vadd.s32 s19, v0;
	s19 =	sor.u32 $0x1800, s21;
	v1 =	vadd.s32 s20, v0;
	s20 =	sor.u32 $0x1400, s21;
	v12 =	vld.idx.msk [tilespmem:v14+s28+$0x0], $0xffff;
	[tilespmem:s16+$0x380] =	vst v16  }
0x284: {  	_ =	sdelay $0x2  }
0x285: {  	[tilespmem:s18+$0x15A00] =	vst v5  }
0x286: {  	v2 =	vld.idx.msk [tilespmem:v2+s28+$0x0], $0xffff;
	[tilespmem:s16+$0x80] =	vst v6  }
0x287: {  	v5 =	vld.idx.msk [tilespmem:v13+s28+$0x0], $0xffff;
	s12 =	sadd.s32 $0x20, s12;
	[tilespmem:s16+$0x100] =	vst v8  }
0x288: {  	v6 =	vadd.s32 s20, v0;
	v7 =	vld.idx.msk [tilespmem:v7+s28+$0x0], $0xffff;
	s14 =	sshll.u32 s15, $0x9;
	s12 =	sand.u32 $0xC00, s12;
	[tilespmem:s16+$0x180] =	vst v10  }
0x289: {  	v0 =	vadd.s32 s19, v0;
	s13 =	sand.u32 $0x70, s13;
	v3 =	vld.idx.msk [tilespmem:v3+s28+$0x0], $0xffff;
	s12 =	sor.u32 s14, s12;
	[tilespmem:s16+$0x200] =	vst v11  }
0x28a: {  	v4 =	vld.idx.msk [tilespmem:v4+s28+$0x0], $0xffff;
	s12 =	sor.u32 s13, s12;
	[tilespmem:s16+$0x280] =	vst v12  }
0x28b: {  	v1 =	vld.idx.msk [tilespmem:v1+s28+$0x0], $0xffff;
	s13 =	sadd.s32 $0x15A00, s12;
	[tilespmem:s16+$0x300] =	vst v2  }
0x28c: {  	v8 =	vld.idx.msk [tilespmem:v9+s28+$0x0], $0xffff;
	[tilespmem:s13+$0x380] =	vst v5  }
0x28d: {  	v2 =	vld.idx.msk [tilespmem:v6+s28+$0x0], $0xffff;
	[tilespmem:s12+$0x15A00] =	vst v7  }
0x28e: {  	v0 =	vld.idx.msk [tilespmem:v0+s28+$0x0], $0xffff;
	[tilespmem:s13+$0x100] =	vst v3  }
0x28f: {  	[tilespmem:s13+$0x180] =	vst v4  }
0x290: {  	[tilespmem:s13+$0x200] =	vst v1  }
0x291: {  	[tilespmem:s13+$0x80] =	vst v8  }
0x292: {  	[tilespmem:s13+$0x280] =	vst v2  }
0x293: {  	[tilespmem:s13+$0x300] =	vst v0  }
0x294: {  	s13 =	sld [smem:$0x7EA];
	_ =	sdelay $0x1  }
0x295: {  	s12 =	simm.s32 $0x0;
	s18 =	sld [smem:$0x7EB]  }
0x296: {  	[hbm4b:s13+s12] =	stream.linear.scatter [tilespmem:s31], [sflag:$0x3], $0x1000, $0x38;
	[tilespmem:$0x1DA00] =	vst v63  }
0x297: {  	s19 =	sld [smem:$0x7EC]  }
0x298: {  	[hbm4b:s18+s12] =	stream.linear.scatter [tilespmem:s0], [sflag:$0x3], $0x1000, $0x38;
	[tilespmem:$0x1DA00] =	vst v63  }
0x299: {  	s20 =	sld [smem:$0x7ED]  }
0x29a: {  	[hbm4b:s19+s12] =	stream.linear.scatter [tilespmem:s2], [sflag:$0x3], $0x1000, $0x38;
	[tilespmem:$0x1DA00] =	vst v63  }
0x29b: {  	_ = 	snop  }
0x29c: {  	[hbm4b:s20+s12] =	stream.linear.scatter [tilespmem:s3], [sflag:$0x3], $0x1000, $0x38;
	[tilespmem:$0x1DA00] =	vst v63  }
0x29d: {  	_ =	swait.ge [sflag:s4], $0x8000  }
0x29e: {  	[sflag:s4] =	ssyncset.done $0x0  }
0x29f: {  	[sflag:s4] =	ssyncadd.s32 $0xFFFF8000  }
0x2a0: {  	_ =	swait.ge [sflag:s10], $0x1000  }
0x2a1: {  	[sflag:s10] =	ssyncset.done $0x0  }
0x2a2: {  	[sflag:s10] =	ssyncadd.s32 $0xFFFFF000  }
0x2a3: {  	_ =	swait.ge [sflag:s10], $0x1000  }
0x2a4: {  	[sflag:s10] =	ssyncset.done $0x0  }
0x2a5: {  	[sflag:s10] =	ssyncadd.s32 $0xFFFFF000  }
0x2a6: {  	_ =	swait.ge [sflag:s10], $0x1000  }
0x2a7: {  	[sflag:s10] =	ssyncset.done $0x0  }
0x2a8: {  	[sflag:s10] =	ssyncadd.s32 $0xFFFFF000  }
0x2a9: {  	_ =	swait.ge [sflag:s10], $0x1000  }
0x2aa: {  	[sflag:s10] =	ssyncset.done $0x0  }
0x2ab: {  	s21 =	sand.u32 $0x1F0, s12;
	[sflag:s10] =	ssyncadd.s32 $0xFFFFF000  }
0x2ac: {  	v1 =	vld [tilespmem:s21+$0x5800]  }
0x2ad: {  	s22 =	simm.s32 $0x0  }
0x2ae: {  	s16 =	sand.u32 $0x18, s22  }
0x2af: {  	s23 =	sshll.u32 s16, $0xA  }
0x2b0: {  	s17 =	sor.u32 $0x1C00, s23  }
0x2b1: {  	v2 =	vadd.s32 s17, v1  }
0x2b2: {  	s18 =	sor.u32 $0x400, s23;
	v3 =	vadd.s32 s23, v1  }
0x2b3: {  	s13 =	simm.s32 $0x4;
	s19 =	sor.u32 $0x800, s23;
	v4 =	vadd.s32 s18, v1  }
0x2b4: {  	s20 =	sor.u32 $0xC00, s23;
	v7 =	vadd.s32 s19, v1;
	s17 =	sand.u32 $0x1F0, s13  }
0x2b5: {  	s21 =	sor.u32 $0x1000, s23;
	v9 =	vadd.s32 s20, v1;
	v0 =	vld [tilespmem:s17+$0x5800]  }
0x2b6: {  	s14 =	simm.s32 $0x8;
	s22 =	sor.u32 $0x1400, s23;
	v11 =	vadd.s32 s21, v1;
	v14 =	vld.idx.msk [tilespmem:v2+s29+$0x0], $0xffff  }
0x2b7: {  	s15 =	sand.u32 $0x18, s14;
	s23 =	sor.u32 $0x1800, s23;
	v12 =	vadd.s32 s22, v1;
	v5 =	vld.idx.msk [tilespmem:v3+s29+$0x0], $0xffff  }
0x2b8: {  	s16 =	sshll.u32 s16, $0x9;
	s22 =	sand.u32 $0xC00, s12;
	s17 =	sshll.u32 s15, $0xA;
	v6 =	vld.idx.msk [tilespmem:v4+s29+$0x0], $0xffff;
	v2 =	vadd.s32 s23, v1  }
0x2b9: {  	s21 =	sand.u32 $0x70, s12;
	s16 =	sor.u32 s16, s22;
	s20 =	sor.u32 $0x1C00, s17;
	v8 =	vld.idx.msk [tilespmem:v7+s29+$0x0], $0xffff  }
0x2ba: {  	s22 =	sor.u32 $0x800, s17;
	s18 =	sor.u32 s21, s16;
	s23 =	sor.u32 $0x400, s17;
	v10 =	vld.idx.msk [tilespmem:v9+s29+$0x0], $0xffff;
	v13 =	vadd.s32 s20, v0  }
0x2bb: {  	s16 =	sadd.s32 $0x19A00, s18;
	v11 =	vld.idx.msk [tilespmem:v11+s29+$0x0], $0xffff;
	v7 =	vadd.s32 s17, v0;
	v9 =	vadd.s32 s23, v0;
	v3 =	vadd.s32 s22, v0;
	s22 =	sor.u32 $0xC00, s17;
	s23 =	sor.u32 $0x1000, s17  }
0x2bc: {  	s19 =	sor.u32 $0x1800, s17;
	v12 =	vld.idx.msk [tilespmem:v12+s29+$0x0], $0xffff;
	s20 =	sor.u32 $0x1400, s17;
	s17 =	simm.s32 $0x8;
	v4 =	vadd.s32 s22, v0;
	v1 =	vadd.s32 s23, v0;
	[tilespmem:s16+$0x380] =	vst v14  }
.LBB2_20:
0x2bd: {  	s21 =	sand.u32 $0x1F0, s17;
	v14 =	vadd.s32 s20, v0;
	[tilespmem:s18+$0x19A00] =	vst v5;
	v15 =	vld.idx.msk [tilespmem:v2+s29+$0x0], $0xffff;
	v2 =	vadd.s32 s19, v0;
	s18 =	smov.u32 s15;
	s19 =	smov.u32 s13  }
0x2be: {  	s13 =	smov.u32 s17;
	v0 =	vld [tilespmem:s21+$0x5800];
	[tilespmem:s16+$0x80] =	vst v6  }
0x2bf: {  	s14 =	sadd.s32 $0x8, s14;
	s12 =	sadd.s32 $0x20, s12;
	v16 =	vld.idx.msk [tilespmem:v13+s29+$0x0], $0xffff;
	[tilespmem:s16+$0x100] =	vst v8  }
0x2c0: {  	s15 =	sand.u32 $0x18, s14;
	p0 =	slt.u32 s14, $0x3F8;
	s20 =	sand.u32 $0xC00, s12;
	v5 =	vld.idx.msk [tilespmem:v7+s29+$0x0], $0xffff;
	[tilespmem:s16+$0x180] =	vst v10  }
.Ltmp9:
0x2c1: {  	s18 =	sshll.u32 s18, $0x9;
	s21 =	sshll.u32 s15, $0xA;
	v6 =	vld.idx.msk [tilespmem:v9+s29+$0x0], $0xffff;
	[tilespmem:s16+$0x200] =	vst v11;
	(pc) =	sbr.rel @p0 .LBB2_20-.Ltmp9, $4  }
0x2c2: {  	s19 =	sand.u32 $0x70, s19;
	s18 =	sor.u32 s18, s20;
	s22 =	sor.u32 $0x1C00, s21;
	v8 =	vld.idx.msk [tilespmem:v3+s29+$0x0], $0xffff;
	[tilespmem:s16+$0x280] =	vst v12  }
0x2c3: {  	s20 =	sor.u32 $0x400, s21;
	s23 =	sor.u32 $0x800, s21;
	s18 =	sor.u32 s19, s18;
	v7 =	vadd.s32 s21, v0;
	v13 =	vadd.s32 s22, v0;
	v10 =	vld.idx.msk [tilespmem:v4+s29+$0x0], $0xffff;
	[tilespmem:s16+$0x300] =	vst v15  }
0x2c4: {  	s19 =	sor.u32 $0xC00, s21;
	v9 =	vadd.s32 s20, v0;
	v3 =	vadd.s32 s23, v0;
	s20 =	sor.u32 $0x1000, s21;
	s16 =	sadd.s32 $0x19A00, s18;
	v11 =	vld.idx.msk [tilespmem:v1+s29+$0x0], $0xffff  }
0x2c5: {  	s17 =	sadd.s32 $0x4, s17;
	v4 =	vadd.s32 s19, v0;
	s19 =	sor.u32 $0x1800, s21;
	v1 =	vadd.s32 s20, v0;
	s20 =	sor.u32 $0x1400, s21;
	v12 =	vld.idx.msk [tilespmem:v14+s29+$0x0], $0xffff;
	[tilespmem:s16+$0x380] =	vst v16  }
0x2c6: {  	_ =	sdelay $0x2  }
0x2c7: {  	[tilespmem:s18+$0x19A00] =	vst v5  }
0x2c8: {  	v2 =	vld.idx.msk [tilespmem:v2+s29+$0x0], $0xffff;
	[tilespmem:s16+$0x80] =	vst v6  }
0x2c9: {  	v59 =	vld.idx.msk [tilespmem:v13+s29+$0x0], $0xffff;
	s12 =	sadd.s32 $0x20, s12;
	[tilespmem:s16+$0x100] =	vst v8  }
0x2ca: {  	v60 =	vadd.s32 s20, v0;
	v7 =	vld.idx.msk [tilespmem:v7+s29+$0x0], $0xffff;
	s14 =	sshll.u32 s15, $0x9;
	s12 =	sand.u32 $0xC00, s12;
	[tilespmem:s16+$0x180] =	vst v10  }
0x2cb: {  	v61 =	vadd.s32 s19, v0;
	v62 =	vld.idx.msk [tilespmem:v9+s29+$0x0], $0xffff;
	s13 =	sand.u32 $0x70, s13;
	s12 =	sor.u32 s14, s12;
	[tilespmem:s16+$0x200] =	vst v11  }
0x2cc: {  	v3 =	vld.idx.msk [tilespmem:v3+s29+$0x0], $0xffff;
	s12 =	sor.u32 s13, s12;
	[tilespmem:s16+$0x280] =	vst v12  }
0x2cd: {  	v4 =	vld.idx.msk [tilespmem:v4+s29+$0x0], $0xffff;
	s13 =	sadd.s32 $0x19A00, s12;
	[tilespmem:s16+$0x300] =	vst v2  }
0x2ce: {  	v1 =	vld.idx.msk [tilespmem:v1+s29+$0x0], $0xffff;
	[tilespmem:s13+$0x380] =	vst v59  }
0x2cf: {  	v63 =	vld.idx.msk [tilespmem:v60+s29+$0x0], $0xffff;
	[tilespmem:s12+$0x19A00] =	vst v7  }
0x2d0: {  	v0 =	vld.idx.msk [tilespmem:v61+s29+$0x0], $0xffff;
	[tilespmem:s13+$0x80] =	vst v62  }
0x2d1: {  	[tilespmem:s13+$0x100] =	vst v3  }
0x2d2: {  	[tilespmem:s13+$0x180] =	vst v4  }
0x2d3: {  	[tilespmem:s13+$0x200] =	vst v1  }
0x2d4: {  	[tilespmem:s13+$0x280] =	vst v63  }
0x2d5: {  	[tilespmem:s13+$0x300] =	vst v0  }
0x2d6: {  	s12 =	sld [smem:$0x7EE];
	_ =	sdelay $0x1  }
0x2d7: {  	s20 =	sld [smem:$0x7EF]  }
0x2d8: {  	[hbm4b:s12+s1] =	stream.linear.scatter [tilespmem:s5], [sflag:$0x4], $0x1000, $0x38;
	[tilespmem:$0x1DA00] =	vst v63  }
0x2d9: {  	s21 =	sld [smem:$0x7F0]  }
0x2da: {  	[hbm4b:s20+s1] =	stream.linear.scatter [tilespmem:s6], [sflag:$0x4], $0x1000, $0x38;
	[tilespmem:$0x1DA00] =	vst v63  }
0x2db: {  	s22 =	sld [smem:$0x7F1]  }
0x2dc: {  	[hbm4b:s21+s1] =	stream.linear.scatter [tilespmem:s7], [sflag:$0x4], $0x1000, $0x38;
	[tilespmem:$0x1DA00] =	vst v63  }
0x2dd: {  	_ = 	snop  }
0x2de: {  	[hbm4b:s22+s1] =	stream.linear.scatter [tilespmem:s8], [sflag:$0x4], $0x1000, $0x38;
	[tilespmem:$0x1DA00] =	vst v63  }
0x2df: {  	_ =	swait.ge [sflag:s9], $0x1000  }
0x2e0: {  	[sflag:s9] =	ssyncset.done $0x0  }
0x2e1: {  	[sflag:s9] =	ssyncadd.s32 $0xFFFFF000  }
0x2e2: {  	_ =	swait.ge [sflag:s9], $0x1000  }
0x2e3: {  	[sflag:s9] =	ssyncset.done $0x0  }
0x2e4: {  	[sflag:s9] =	ssyncadd.s32 $0xFFFFF000  }
0x2e5: {  	_ =	swait.ge [sflag:s9], $0x1000  }
0x2e6: {  	[sflag:s9] =	ssyncset.done $0x0  }
0x2e7: {  	[sflag:s9] =	ssyncadd.s32 $0xFFFFF000  }
0x2e8: {  	_ =	swait.ge [sflag:s9], $0x1000  }
0x2e9: {  	[sflag:s9] =	ssyncset.done $0x0  }
0x2ea: {  	[sflag:s9] =	ssyncadd.s32 $0xFFFFF000  }
0x2eb: {  	_ =	swait.ge [sflag:s10], $0x1000  }
0x2ec: {  	[sflag:s10] =	ssyncset.done $0x0  }
0x2ed: {  	[sflag:s10] =	ssyncadd.s32 $0xFFFFF000  }
0x2ee: {  	_ =	swait.ge [sflag:s10], $0x1000  }
0x2ef: {  	[sflag:s10] =	ssyncset.done $0x0  }
0x2f0: {  	[sflag:s10] =	ssyncadd.s32 $0xFFFFF000  }
0x2f1: {  	_ =	swait.ge [sflag:s10], $0x1000  }
0x2f2: {  	[sflag:s10] =	ssyncset.done $0x0  }
0x2f3: {  	[sflag:s10] =	ssyncadd.s32 $0xFFFFF000  }
0x2f4: {  	_ =	swait.ge [sflag:s10], $0x1000  }
0x2f5: {  	s23 =	sld [smem:$0x7F5];
	_ =	sdelay $0x1  }
0x2f6: {  	s11 =	sadd.s32 $0x1, s11  }
0x2f7: {  	p0 =	sne.s32 s11, s23  }
.Ltmp10:
0x2f8: {  	_ = 	snop;
	(pc) =	sbr.rel @p0 .LBB2_1-.Ltmp10, $3  }
0x2f9: {  	_ =	sdelay $0x1  }
0x2fa: {  	[sflag:s10] =	ssyncset.done $0x0  }
0x2fb: {  	[sflag:s10] =	ssyncadd.s32 $0xFFFFF000  }
0x2fc: {  	_ =	sfence.sel $0x180000  }
0x2fd: {  	[bflag:$0x0] =	sbarrier.arrive $0xFFFF  }
0x2fe: {  	_ =	strace $0x90000047  }
0x2ff: {  	s0 =	stileid.u32;
	[bflag:$0x2] =	sbarrier.arrive $0xFFFF  }
0x300: {  	p0 =	sne.s32 s0, $0x0;
	s0 =	rddreg [dreg:$0x7]  }
0x301: {  	s0 =	sadd.s32 @!p0 $0x100000, s0  }
0x302: {  	[sflag:s0] =	ssyncadd.tile.s32 @!p0 $0x1;
	_ =	shalt  }
.Lfunc_end2:
_tile_overlayer_lowered:
.L_overlay_start_2:
0x303: {  	(tag) =	ssettag $0x2  }
0x304: {  	s0 =	rddreg [dreg:$0x0];
	s2 =	stileid.u32  }
0x305: {  	s1 =	rddreg [dreg:$0x1];
	p0 =	sne.s32 s2, $0x0  }
0x306: {  	s3 =	rddreg [dreg:$0x2];
	[bflag:$0x3] =	sbarrier.arrive $0xFFFF;
	s2 =	simm.s32 @!p0 $0x1C05  }
0x307: {  	[timem:s3], [sflag:s2] =	dma.local @!p0 [hbm:s0], s1  }
0x308: {  	s0 =	simm.s32 @!p0 $0x5  }
0x309: {  	_ =	swait.ge @!p0 [sflag:s0], s1  }
0x30a: {  	s1 =	ssub.s32 @!p0 $0x0, s1;
	[sflag:s0] =	ssyncset.done @!p0 $0x0  }
0x30b: {  	[sflag:s0] =	ssyncadd.s32 @!p0 s1  }
0x30c: {  	[bflag:$0x3] =	sbarrier.arrive $0xFFFF  }
0x30d: {  	_ =	shalt  }

</sc_bundles>
